<compile_context>
chip_gen: v7x
topology: tpu7x:2x2x1
jax: 0.10.2.dev20260603
libtpu: 0.0.44.dev20260713+nightly
codegen_flags: <defaults>
</compile_context>

<pallas_src>
import functools

import jax
import jax.numpy as jnp
from jax import lax
from jax.experimental import pallas as pl
from jax.experimental.pallas import tpu as pltpu
from jax.experimental.pallas import tpu_sc as plsc

NX = 1024
NY = 1024
H = 64
B = 16384
SW = 2
NOFF = 2 * SW + 1
K = NOFF * NOFF
CELLS = NX * NY
NC = 2
NS = 16
NW = NC * NS
CPW = CELLS // NW
QPW = B // NW
RPW = QPW * K
CHUNK = 128
NCH = RPW // CHUNK
ZPAD = 16384

_MESH = plsc.VectorSubcoreMesh(core_axis_name="c", subcore_axis_name="s")


def _vbroadcast0(x, zidx):
    return lax.gather(
        x, zidx[:, None],
        dimension_numbers=lax.GatherDimensionNumbers(
            offset_dims=(), collapsed_slice_dims=(0,), start_index_map=(0,)),
        slice_sizes=(1,), mode=lax.GatherScatterMode.PROMISE_IN_BOUNDS)


@functools.partial(
    pl.kernel, mesh=_MESH,
    compiler_params=pltpu.CompilerParams(needs_layout_passes=False, use_tc_tiling_on_sc=False),
    out_type=jax.ShapeDtypeStruct((CELLS,), jnp.int32),
    scratch_types=[
        pltpu.VMEM((CPW,), jnp.int32),
        pltpu.VMEM((B,), jnp.int32),
    ],
)
def _build_owner(cell_hbm, owner_hbm, owner_loc, cells_loc):
    wid = lax.axis_index("s") * NC + lax.axis_index("c")
    lo = wid * CPW
    lane = lax.iota(jnp.int32, 16)

    def init_body(i, carry):
        base = i * 16
        owner_loc[pl.ds(base, 16)] = B + ((lo + base + lane) & (ZPAD - 1))
        return carry
    lax.fori_loop(0, CPW // 16, init_body, 0)

    pltpu.sync_copy(cell_hbm, cells_loc)

    def scan_body(i, carry):
        c = cells_loc[pl.ds(i * 16, 16)]
        _, keep = plsc.scan_count(c)
        mask = keep & (c >= lo) & (c < lo + CPW)
        idx = jnp.clip(c - lo, 0, CPW - 1)
        plsc.store_scatter(owner_loc, [idx], i * 16 + lane, mask=mask)
        return carry
    lax.fori_loop(0, B // 16, scan_body, 0)

    pltpu.sync_copy(owner_loc, owner_hbm.at[pl.ds(lo, CPW)])


@functools.partial(
    pl.kernel, mesh=_MESH,
    compiler_params=pltpu.CompilerParams(needs_layout_passes=False, use_tc_tiling_on_sc=False),
    out_type=jax.ShapeDtypeStruct((B * K, H), jnp.float32),
    scratch_types=[
        pltpu.VMEM((QPW,), jnp.int32),
        pltpu.VMEM((NCH, CHUNK), jnp.int32),
        pltpu.VMEM((NCH, CHUNK), jnp.int32),
        pltpu.VMEM((RPW + 16,), jnp.int32),
        pltpu.VMEM((RPW + 16,), jnp.int32),
        pltpu.VMEM((CHUNK, H), jnp.float32),
        pltpu.VMEM((CHUNK, H), jnp.float32),
        pltpu.VMEM((CHUNK,), jnp.int32),
        pltpu.VMEM((CHUNK,), jnp.int32),
        pltpu.SemaphoreType.DMA,
        pltpu.SemaphoreType.DMA,
        pltpu.SemaphoreType.DMA,
        pltpu.SemaphoreType.DMA,
    ],
)
def _gather_out(cell_hbm, owner_hbm, upd_hbm, out_hbm,
                cq, nbr, vals, kept_own, kept_pos, zbuf, rb0,
                st_own, st_pos, s0, s1, sem_a, sem_b):
    wid = lax.axis_index("s") * NC + lax.axis_index("c")
    qbase = wid * QPW
    rbase = wid * RPW
    lane = lax.iota(jnp.int32, 16)

    pltpu.sync_copy(cell_hbm.at[pl.ds(qbase, QPW)], cq)

    def build_body(i, carry):
        c = cq[pl.ds(i * 16, 16)]
        gx = lax.shift_right_logical(c, 10)
        gy = c & (NY - 1)
        p0 = (i * 16 + lane) * K
        for k in range(K):
            dx = k // NOFF - SW
            dy = k % NOFF - SW
            nx = jnp.clip(gx + dx, 0, NX - 1)
            ny = jnp.clip(gy + dy, 0, NY - 1)
            p = p0 + k
            plsc.store_scatter(
                nbr, [lax.shift_right_logical(p, 7), p & (CHUNK - 1)],
                nx * NY + ny)
        return carry
    lax.fori_loop(0, QPW // 16, build_body, 0)

    l1_sems = (s0, s1)
    for j in range(2):
        pltpu.async_copy(owner_hbm.at[nbr.at[j]], vals.at[j], l1_sems[j])

    def l1_round(t, carry):
        for j in range(2):
            r = t * 2 + j
            pltpu.make_async_copy(
                owner_hbm.at[nbr.at[r]], vals.at[r], l1_sems[j]).wait()
            nr = r + 2

            @pl.when(nr < NCH)
            def _issue():
                pltpu.async_copy(
                    owner_hbm.at[nbr.at[nr]], vals.at[nr], l1_sems[j])
        return carry
    lax.fori_loop(0, NCH // 2, l1_round, 0)

    zv = jnp.zeros((16,), jnp.float32)

    def zb_body(i, carry):
        zbuf[lax.shift_right_logical(i, 2), pl.ds((i & 3) * 16, 16)] = zv
        return carry
    lax.fori_loop(0, CHUNK * H // 16, zb_body, 0)

    for j in range(2):
        pltpu.async_copy(zbuf, out_hbm.at[pl.ds(rbase + j * CHUNK, CHUNK)], l1_sems[j])

    def cmp_step(i, cur):
        v = vals[lax.shift_right_logical(i, 3), pl.ds((i & 7) * 16, 16)]
        pos = rbase + i * 16 + lane
        mask = v < B
        csum = plsc.cumsum(mask.astype(jnp.int32))
        tgt = cur + csum - 1
        plsc.store_scatter(kept_own, [tgt], v, mask=mask)
        plsc.store_scatter(kept_pos, [tgt], pos, mask=mask)
        return cur + jnp.max(csum)

    def zf_body(i, cur):
        for j in range(2):
            c = i * 2 + j
            for u in range(8):
                cur = cmp_step(i * 16 + j * 8 + u, cur)
            pltpu.make_async_copy(
                zbuf, out_hbm.at[pl.ds(rbase + c * CHUNK, CHUNK)],
                l1_sems[j]).wait()
            nc_ = c + 2

            @pl.when(nc_ < NCH)
            def _issue():
                pltpu.async_copy(
                    zbuf, out_hbm.at[pl.ds(rbase + nc_ * CHUNK, CHUNK)],
                    l1_sems[j])
        return cur
    n = lax.fori_loop(0, NCH // 2, zf_body, jnp.int32(0))

    zidx = jnp.zeros((16,), jnp.int32)
    own0 = _vbroadcast0(kept_own[pl.ds(0, 16)], zidx)
    pos0 = _vbroadcast0(kept_pos[pl.ds(0, 16)], zidx)
    pad_mask = lane < 8
    plsc.store_scatter(kept_own, [n + lane], own0, mask=pad_mask)
    plsc.store_scatter(kept_pos, [n + lane], pos0, mask=pad_mask)
    n_pad = (n + 7) & ~jnp.int32(7)

    nch = lax.shift_right_logical(n_pad + CHUNK - 1, 7)

    def sc_body(c, carry):
        o = pl.multiple_of(jnp.minimum(c * CHUNK, n_pad - CHUNK), 8)
        for j in range(CHUNK // 16):
            st_own[pl.ds(j * 16, 16)] = kept_own[pl.ds(o + j * 16, 16)]
            st_pos[pl.ds(j * 16, 16)] = kept_pos[pl.ds(o + j * 16, 16)]
        pltpu.async_copy(upd_hbm.at[st_own], rb0, sem_a).wait()
        pltpu.async_copy(rb0, out_hbm.at[st_pos], sem_b).wait()
        return carry
    lax.fori_loop(0, nch, sc_body, 0)


def kernel(grid_input, updates, spatial_width, memory):
    del spatial_width, memory
    gx = jnp.clip(grid_input[:, 0].astype(jnp.int32), 0, NX - 1)
    gy = jnp.clip(grid_input[:, 1].astype(jnp.int32), 0, NY - 1)
    cell = gx * NY + gy
    owner = _build_owner(cell)
    out = _gather_out(cell, owner, updates.astype(jnp.float32))
    return out.reshape(B, K, H)

# --- scband reference (transcript-rebuilt; emitter-appended) ---
"""Pipeline reference for scband-spatial-external-memory-76699525972202 (READ-ONLY COPY).

The authoritative reference and input builder live on the scoring server;
editing this copy changes nothing except your own understanding.
"""

import jax, jax.numpy as jnp
import numpy as np

NX = 1024
NY = 1024
H = 64
B = 16384
SW = 2

def setup_inputs(seed: int = 0) -> dict:
    key = jax.random.key(seed)
    k1, k2 = jax.random.split(key)
    grid_input = jax.random.randint(k1, (B, 2), 0, 1024, dtype=jnp.int32)
    updates = jax.random.normal(k2, (B, H), dtype=jnp.float32)
    memory = jnp.zeros((NX, NY, H), dtype=jnp.float32)
    return {"grid_input": grid_input, "updates": updates, "spatial_width": 2, "memory": memory}

def reference(grid_input, updates, spatial_width, memory):
    # update(): clamp indices, scatter-overwrite rows of the spatial memory
    gx = jnp.clip(grid_input[:, 0].astype(jnp.int32), 0, NX - 1)
    gy = jnp.clip(grid_input[:, 1].astype(jnp.int32), 0, NY - 1)
    mem = memory.at[gx, gy].set(updates)
    # find_nearby_grids(): gather (2w+1)x(2w+1) neighborhood per query
    sw = jnp.asarray(spatial_width, dtype=jnp.int32)
    offsets = jnp.arange(2 * SW + 1, dtype=jnp.int32) - sw
    n_off = offsets.shape[0]
    x_indices = jnp.clip(gx[:, None] + offsets[None, :], 0, NX - 1)
    y_indices = jnp.clip(gy[:, None] + offsets[None, :], 0, NY - 1)
    x_grid = jnp.broadcast_to(x_indices[:, :, None], (B, n_off, n_off)).reshape(B, -1)
    y_grid = jnp.broadcast_to(y_indices[:, None, :], (B, n_off, n_off)).reshape(B, -1)
    out = mem[x_grid, y_grid, :]
    return out

if __name__ == "__main__":
    import jax
    _d = setup_inputs()
    print(jax.jit(kernel)(*tuple(_d.values())))

</pallas_src>

<mosaic_0001>
#map = affine_map<(d0, d1) -> (0)>
module attributes {stable_mosaic.version = 14 : i64} {
  func.func @_build_owner(%arg0: i32, %arg1: i32, %arg2: memref<16384xi32, #tpu.memory_space<hbm>>, %arg3: memref<1048576xi32, #tpu.memory_space<hbm>>, %arg4: memref<32768xi32, #tpu.memory_space<vmem>>, %arg5: memref<16384xi32, #tpu.memory_space<vmem>>) attributes {dimension_semantics = [#tpu.dimension_semantics<core_parallel>, #tpu.dimension_semantics<subcore_parallel>], iteration_bounds = array<i64: 2, 16>, scalar_prefetch = 0 : i64, scratch_operands = 2 : i64, tpu.core_type = #tpu.core_type<sc_vector_subcore>, window_params = [{transform_indices = #map}, {transform_indices = #map}]} {
    %mul3A = arith.constant 2 : i32
    %mul3A_0 = arith.muli %arg1, %mul3A : i32
    %add3A = arith.addi %mul3A_0, %arg0 : i32
    %mul3A_1 = arith.constant 32768 : i32
    %mul3A_2 = arith.muli %add3A, %mul3A_1 : i32
    %iota3A = tpu.iota {dimensions = array<i32: 0>} : vector<16xi32>
    %scan3A = arith.constant 0 : i32
    %scan3A_3 = arith.constant 0 : i32
    %scan3A_4 = arith.constant 2048 : i32
    %scan3A_5 = arith.addi %scan3A_3, %scan3A_4 : i32
    %scan3A_6 = arith.constant 1 : i32
    scf.for %scan3A_14 = %scan3A_3 to %scan3A_5 step %scan3A_6  : i32 {
      %mul3A_15 = arith.constant 16 : i32
      %mul3A_16 = arith.muli %scan3A_14, %mul3A_15 : i32
      %add3A_17 = arith.addi %mul3A_2, %mul3A_16 : i32
      %add3A_18 = vector.broadcast %add3A_17 : i32 to vector<16xi32>
      %add3A_19 = arith.addi %add3A_18, %iota3A : vector<16xi32>
      %and3A = arith.constant 16383 : i32
      %and3A_20 = vector.broadcast %and3A : i32 to vector<16xi32>
      %and3A_21 = arith.andi %add3A_19, %and3A_20 : vector<16xi32>
      %add3A_22 = arith.constant 16384 : i32
      %add3A_23 = vector.broadcast %add3A_22 : i32 to vector<16xi32>
      %add3A_24 = arith.addi %add3A_23, %and3A_21 : vector<16xi32>
      %swap3A = arith.index_cast %mul3A_16 : i32 to index
      %swap3A_25 = tpu.vector_load %arg4[%swap3A] {strides = array<i32>} : memref<32768xi32, #tpu.memory_space<vmem>>, vector<16xi32>,
      tpu.vector_store %arg4[%swap3A], %add3A_24 {strides = array<i32>} : memref<32768xi32, #tpu.memory_space<vmem>>, vector<16xi32>,
    }
    %scan3A_7 = arith.constant 2048 : i32
    "tpu.region"() ({
      %run_scoped3A = tpu.sem_alloc : memref<!tpu.dma_semaphore, #tpu.memory_space<semaphore_mem>>
      tpu.enqueue_dma source(%arg2 : memref<16384xi32, #tpu.memory_space<hbm>>) target(%arg5 : memref<16384xi32, #tpu.memory_space<vmem>>) target_semaphore(%run_scoped3A : memref<!tpu.dma_semaphore, #tpu.memory_space<semaphore_mem>>)
      tpu.wait_dma2 semaphore(%run_scoped3A : memref<!tpu.dma_semaphore, #tpu.memory_space<semaphore_mem>>) src(%arg2 : memref<16384xi32, #tpu.memory_space<hbm>>) dst(%arg5 : memref<16384xi32, #tpu.memory_space<vmem>>)
      tpu.yield
    }) : () -> ()
    %scan3A_8 = arith.constant 0 : i32
    %scan3A_9 = arith.constant 0 : i32
    %scan3A_10 = arith.constant 1024 : i32
    %scan3A_11 = arith.addi %scan3A_9, %scan3A_10 : i32
    %scan3A_12 = arith.constant 1 : i32
    scf.for %scan3A_14 = %scan3A_9 to %scan3A_11 step %scan3A_12  : i32 {
      %mul3A_15 = arith.constant 16 : i32
      %mul3A_16 = arith.muli %scan3A_14, %mul3A_15 : i32
      %get3A = arith.index_cast %mul3A_16 : i32 to index
      %get3A_17 = tpu.vector_load %arg5[%get3A] {strides = array<i32>} : memref<16384xi32, #tpu.memory_space<vmem>>, vector<16xi32>,
      %broadcast_in_dim3A = arith.constant true
      %broadcast_in_dim3A_18 = vector.broadcast %broadcast_in_dim3A : i1 to vector<16xi1>
      %unique3A, %unique3A_19 = tpu.scan_count mask(%broadcast_in_dim3A_18 : vector<16xi1>) value(%get3A_17 : vector<16xi32>) : vector<16xi1>, vector<16xi32>
      %ge3A = vector.broadcast %mul3A_2 : i32 to vector<16xi32>
      %ge3A_20 = arith.cmpi sge, %get3A_17, %ge3A : vector<16xi32>
      %and3A = arith.andi %unique3A, %ge3A_20 : vector<16xi1>
      %add3A_21 = arith.constant 32768 : i32
      %add3A_22 = arith.addi %mul3A_2, %add3A_21 : i32
      %lt3A = vector.broadcast %add3A_22 : i32 to vector<16xi32>
      %lt3A_23 = arith.cmpi slt, %get3A_17, %lt3A : vector<16xi32>
      %and3A_24 = arith.andi %and3A, %lt3A_23 : vector<16xi1>
      %sub3A = vector.broadcast %mul3A_2 : i32 to vector<16xi32>
      %sub3A_25 = arith.subi %get3A_17, %sub3A : vector<16xi32>
      %jit3A = arith.constant 0 : i32
      %jit3A_26 = arith.constant 32767 : i32
      %max3A = vector.broadcast %jit3A : i32 to vector<16xi32>
      %max3A_27 = arith.maxsi %max3A, %sub3A_25 : vector<16xi32>
      %min3A = vector.broadcast %jit3A_26 : i32 to vector<16xi32>
      %min3A_28 = arith.minsi %min3A, %max3A_27 : vector<16xi32>
      %mul3A_29 = arith.constant 16 : i32
      %mul3A_30 = arith.muli %scan3A_14, %mul3A_29 : i32
      %add3A_31 = vector.broadcast %mul3A_30 : i32 to vector<16xi32>
      %add3A_32 = arith.addi %add3A_31, %iota3A : vector<16xi32>
      tpu.vector_store_idx %arg4[%min3A_28], %add3A_32 masked %and3A_24 : memref<32768xi32, #tpu.memory_space<vmem>>[vector<16xi32>], vector<16xi32>, vector<16xi1>
    }
    %scan3A_13 = arith.constant 1024 : i32
    "tpu.region"() ({
      %run_scoped3A = tpu.sem_alloc : memref<!tpu.dma_semaphore, #tpu.memory_space<semaphore_mem>>
      %dma_start3A = tpu.memref_slice %arg3[%mul3A_2] : memref<1048576xi32, #tpu.memory_space<hbm>> -> memref<32768xi32, #tpu.memory_space<hbm>>
      %dma_start3A_14 = tpu.memref_slice %arg3[%mul3A_2] : memref<1048576xi32, #tpu.memory_space<hbm>> -> memref<32768xi32, #tpu.memory_space<hbm>>
      tpu.enqueue_dma source(%arg4 : memref<32768xi32, #tpu.memory_space<vmem>>) target(%dma_start3A_14 : memref<32768xi32, #tpu.memory_space<hbm>>) target_semaphore(%run_scoped3A : memref<!tpu.dma_semaphore, #tpu.memory_space<semaphore_mem>>)
      %dma_wait3A = tpu.memref_slice %arg3[%mul3A_2] : memref<1048576xi32, #tpu.memory_space<hbm>> -> memref<32768xi32, #tpu.memory_space<hbm>>
      %dma_wait3A_15 = tpu.memref_slice %arg3[%mul3A_2] : memref<1048576xi32, #tpu.memory_space<hbm>> -> memref<32768xi32, #tpu.memory_space<hbm>>
      tpu.wait_dma2 semaphore(%run_scoped3A : memref<!tpu.dma_semaphore, #tpu.memory_space<semaphore_mem>>) src(%arg4 : memref<32768xi32, #tpu.memory_space<vmem>>) dst(%dma_wait3A_15 : memref<32768xi32, #tpu.memory_space<hbm>>)
      tpu.yield
    }) : () -> ()
    return
  }
}

#map = affine_map<(d0, d1) -> (0)>
#map1 = affine_map<(d0, d1) -> (0, 0)>
module attributes {stable_mosaic.version = 14 : i64} {
  func.func @_gather_out(%arg0: i32, %arg1: i32, %arg2: memref<16384xi32, #tpu.memory_space<hbm>>, %arg3: memref<1048576xi32, #tpu.memory_space<hbm>>, %arg4: memref<16384x64xf32, #tpu.memory_space<hbm>>, %arg5: memref<409600x64xf32, #tpu.memory_space<hbm>>, %arg6: memref<512xi32, #tpu.memory_space<vmem>>, %arg7: memref<100x128xi32, #tpu.memory_space<vmem>>, %arg8: memref<100x128xi32, #tpu.memory_space<vmem>>, %arg9: memref<12816xi32, #tpu.memory_space<vmem>>, %arg10: memref<12816xi32, #tpu.memory_space<vmem>>, %arg11: memref<128x64xf32, #tpu.memory_space<vmem>>, %arg12: memref<128x64xf32, #tpu.memory_space<vmem>>, %arg13: memref<128xi32, #tpu.memory_space<vmem>>, %arg14: memref<128xi32, #tpu.memory_space<vmem>>, %arg15: memref<!tpu.dma_semaphore, #tpu.memory_space<semaphore_mem>>, %arg16: memref<!tpu.dma_semaphore, #tpu.memory_space<semaphore_mem>>, %arg17: memref<!tpu.dma_semaphore, #tpu.memory_space<semaphore_mem>>, %arg18: memref<!tpu.dma_semaphore, #tpu.memory_space<semaphore_mem>>) attributes {dimension_semantics = [#tpu.dimension_semantics<core_parallel>, #tpu.dimension_semantics<subcore_parallel>], iteration_bounds = array<i64: 2, 16>, scalar_prefetch = 0 : i64, scratch_operands = 13 : i64, tpu.core_type = #tpu.core_type<sc_vector_subcore>, window_params = [{transform_indices = #map}, {transform_indices = #map}, {transform_indices = #map1}, {transform_indices = #map1}]} {
    %mul3A = arith.constant 2 : i32
    %mul3A_0 = arith.muli %arg1, %mul3A : i32
    %add3A = arith.addi %mul3A_0, %arg0 : i32
    %mul3A_1 = arith.constant 512 : i32
    %mul3A_2 = arith.muli %add3A, %mul3A_1 : i32
    %mul3A_3 = arith.constant 12800 : i32
    %mul3A_4 = arith.muli %add3A, %mul3A_3 : i32
    %iota3A = tpu.iota {dimensions = array<i32: 0>} : vector<16xi32>
    "tpu.region"() ({
      %run_scoped3A = tpu.sem_alloc : memref<!tpu.dma_semaphore, #tpu.memory_space<semaphore_mem>>
      %dma_start3A_94 = tpu.memref_slice %arg2[%mul3A_2] : memref<16384xi32, #tpu.memory_space<hbm>> -> memref<512xi32, #tpu.memory_space<hbm>>
      %dma_start3A_95 = tpu.memref_slice %arg2[%mul3A_2] : memref<16384xi32, #tpu.memory_space<hbm>> -> memref<512xi32, #tpu.memory_space<hbm>>
      tpu.enqueue_dma source(%dma_start3A_95 : memref<512xi32, #tpu.memory_space<hbm>>) target(%arg6 : memref<512xi32, #tpu.memory_space<vmem>>) target_semaphore(%run_scoped3A : memref<!tpu.dma_semaphore, #tpu.memory_space<semaphore_mem>>)
      %dma_wait3A = tpu.memref_slice %arg2[%mul3A_2] : memref<16384xi32, #tpu.memory_space<hbm>> -> memref<512xi32, #tpu.memory_space<hbm>>
      %dma_wait3A_96 = tpu.memref_slice %arg2[%mul3A_2] : memref<16384xi32, #tpu.memory_space<hbm>> -> memref<512xi32, #tpu.memory_space<hbm>>
      tpu.wait_dma2 semaphore(%run_scoped3A : memref<!tpu.dma_semaphore, #tpu.memory_space<semaphore_mem>>) src(%dma_wait3A_96 : memref<512xi32, #tpu.memory_space<hbm>>) dst(%arg6 : memref<512xi32, #tpu.memory_space<vmem>>)
      tpu.yield
    }) : () -> ()
    %scan3A = arith.constant 0 : i32
    %scan3A_5 = arith.constant 0 : i32
    %scan3A_6 = arith.constant 32 : i32
    %scan3A_7 = arith.addi %scan3A_5, %scan3A_6 : i32
    %scan3A_8 = arith.constant 1 : i32
    scf.for %scan3A_94 = %scan3A_5 to %scan3A_7 step %scan3A_8  : i32 {
      %mul3A_95 = arith.constant 16 : i32
      %mul3A_96 = arith.muli %scan3A_94, %mul3A_95 : i32
      %get3A_97 = arith.index_cast %mul3A_96 : i32 to index
      %get3A_98 = tpu.vector_load %arg6[%get3A_97] {strides = array<i32>} : memref<512xi32, #tpu.memory_space<vmem>>, vector<16xi32>,
      %shift_right_logical3A_99 = arith.constant 10 : i32
      %shift_right_logical3A_100 = vector.broadcast %shift_right_logical3A_99 : i32 to vector<16xi32>
      %shift_right_logical3A_101 = arith.shrui %get3A_98, %shift_right_logical3A_100 : vector<16xi32>
      %and3A_102 = arith.constant 1023 : i32
      %and3A_103 = vector.broadcast %and3A_102 : i32 to vector<16xi32>
      %and3A_104 = arith.andi %get3A_98, %and3A_103 : vector<16xi32>
      %mul3A_105 = arith.constant 16 : i32
      %mul3A_106 = arith.muli %scan3A_94, %mul3A_105 : i32
      %add3A_107 = vector.broadcast %mul3A_106 : i32 to vector<16xi32>
      %add3A_108 = arith.addi %add3A_107, %iota3A : vector<16xi32>
      %mul3A_109 = arith.constant 25 : i32
      %mul3A_110 = vector.broadcast %mul3A_109 : i32 to vector<16xi32>
      %mul3A_111 = arith.muli %add3A_108, %mul3A_110 : vector<16xi32>
      %add3A_112 = arith.constant -2 : i32
      %add3A_113 = vector.broadcast %add3A_112 : i32 to vector<16xi32>
      %add3A_114 = arith.addi %shift_right_logical3A_101, %add3A_113 : vector<16xi32>
      %jit3A = arith.constant 0 : i32
      %jit3A_115 = arith.constant 1023 : i32
      %max3A = vector.broadcast %jit3A : i32 to vector<16xi32>
      %max3A_116 = arith.maxsi %max3A, %add3A_114 : vector<16xi32>
      %min3A = vector.broadcast %jit3A_115 : i32 to vector<16xi32>
      %min3A_117 = arith.minsi %min3A, %max3A_116 : vector<16xi32>
      %add3A_118 = arith.constant -2 : i32
      %add3A_119 = vector.broadcast %add3A_118 : i32 to vector<16xi32>
      %add3A_120 = arith.addi %and3A_104, %add3A_119 : vector<16xi32>
      %jit3A_121 = arith.constant 0 : i32
      %jit3A_122 = arith.constant 1023 : i32
      %max3A_123 = vector.broadcast %jit3A_121 : i32 to vector<16xi32>
      %max3A_124 = arith.maxsi %max3A_123, %add3A_120 : vector<16xi32>
      %min3A_125 = vector.broadcast %jit3A_122 : i32 to vector<16xi32>
      %min3A_126 = arith.minsi %min3A_125, %max3A_124 : vector<16xi32>
      %add3A_127 = arith.constant 0 : i32
      %add3A_128 = vector.broadcast %add3A_127 : i32 to vector<16xi32>
      %add3A_129 = arith.addi %mul3A_111, %add3A_128 : vector<16xi32>
      %shift_right_logical3A_130 = arith.constant 7 : i32
      %shift_right_logical3A_131 = vector.broadcast %shift_right_logical3A_130 : i32 to vector<16xi32>
      %shift_right_logical3A_132 = arith.shrui %add3A_129, %shift_right_logical3A_131 : vector<16xi32>
      %and3A_133 = arith.constant 127 : i32
      %and3A_134 = vector.broadcast %and3A_133 : i32 to vector<16xi32>
      %and3A_135 = arith.andi %add3A_129, %and3A_134 : vector<16xi32>
      %mul3A_136 = arith.constant 1024 : i32
      %mul3A_137 = vector.broadcast %mul3A_136 : i32 to vector<16xi32>
      %mul3A_138 = arith.muli %min3A_117, %mul3A_137 : vector<16xi32>
      %add3A_139 = arith.addi %mul3A_138, %min3A_126 : vector<16xi32>
      tpu.vector_store_idx %arg7[%shift_right_logical3A_132, %and3A_135], %add3A_139 : memref<100x128xi32, #tpu.memory_space<vmem>>[vector<16xi32>, vector<16xi32>], vector<16xi32>,
      %add3A_140 = arith.constant -2 : i32
      %add3A_141 = vector.broadcast %add3A_140 : i32 to vector<16xi32>
      %add3A_142 = arith.addi %shift_right_logical3A_101, %add3A_141 : vector<16xi32>
      %jit3A_143 = arith.constant 0 : i32
      %jit3A_144 = arith.constant 1023 : i32
      %max3A_145 = vector.broadcast %jit3A_143 : i32 to vector<16xi32>
      %max3A_146 = arith.maxsi %max3A_145, %add3A_142 : vector<16xi32>
      %min3A_147 = vector.broadcast %jit3A_144 : i32 to vector<16xi32>
      %min3A_148 = arith.minsi %min3A_147, %max3A_146 : vector<16xi32>
      %add3A_149 = arith.constant -1 : i32
      %add3A_150 = vector.broadcast %add3A_149 : i32 to vector<16xi32>
      %add3A_151 = arith.addi %and3A_104, %add3A_150 : vector<16xi32>
      %jit3A_152 = arith.constant 0 : i32
      %jit3A_153 = arith.constant 1023 : i32
      %max3A_154 = vector.broadcast %jit3A_152 : i32 to vector<16xi32>
      %max3A_155 = arith.maxsi %max3A_154, %add3A_151 : vector<16xi32>
      %min3A_156 = vector.broadcast %jit3A_153 : i32 to vector<16xi32>
      %min3A_157 = arith.minsi %min3A_156, %max3A_155 : vector<16xi32>
      %add3A_158 = arith.constant 1 : i32
      %add3A_159 = vector.broadcast %add3A_158 : i32 to vector<16xi32>
      %add3A_160 = arith.addi %mul3A_111, %add3A_159 : vector<16xi32>
      %shift_right_logical3A_161 = arith.constant 7 : i32
      %shift_right_logical3A_162 = vector.broadcast %shift_right_logical3A_161 : i32 to vector<16xi32>
      %shift_right_logical3A_163 = arith.shrui %add3A_160, %shift_right_logical3A_162 : vector<16xi32>
      %and3A_164 = arith.constant 127 : i32
      %and3A_165 = vector.broadcast %and3A_164 : i32 to vector<16xi32>
      %and3A_166 = arith.andi %add3A_160, %and3A_165 : vector<16xi32>
      %mul3A_167 = arith.constant 1024 : i32
      %mul3A_168 = vector.broadcast %mul3A_167 : i32 to vector<16xi32>
      %mul3A_169 = arith.muli %min3A_148, %mul3A_168 : vector<16xi32>
      %add3A_170 = arith.addi %mul3A_169, %min3A_157 : vector<16xi32>
      tpu.vector_store_idx %arg7[%shift_right_logical3A_163, %and3A_166], %add3A_170 : memref<100x128xi32, #tpu.memory_space<vmem>>[vector<16xi32>, vector<16xi32>], vector<16xi32>,
      %add3A_171 = arith.constant -2 : i32
      %add3A_172 = vector.broadcast %add3A_171 : i32 to vector<16xi32>
      %add3A_173 = arith.addi %shift_right_logical3A_101, %add3A_172 : vector<16xi32>
      %jit3A_174 = arith.constant 0 : i32
      %jit3A_175 = arith.constant 1023 : i32
      %max3A_176 = vector.broadcast %jit3A_174 : i32 to vector<16xi32>
      %max3A_177 = arith.maxsi %max3A_176, %add3A_173 : vector<16xi32>
      %min3A_178 = vector.broadcast %jit3A_175 : i32 to vector<16xi32>
      %min3A_179 = arith.minsi %min3A_178, %max3A_177 : vector<16xi32>
      %add3A_180 = arith.constant 0 : i32
      %add3A_181 = vector.broadcast %add3A_180 : i32 to vector<16xi32>
      %add3A_182 = arith.addi %and3A_104, %add3A_181 : vector<16xi32>
      %jit3A_183 = arith.constant 0 : i32
      %jit3A_184 = arith.constant 1023 : i32
      %max3A_185 = vector.broadcast %jit3A_183 : i32 to vector<16xi32>
      %max3A_186 = arith.maxsi %max3A_185, %add3A_182 : vector<16xi32>
      %min3A_187 = vector.broadcast %jit3A_184 : i32 to vector<16xi32>
      %min3A_188 = arith.minsi %min3A_187, %max3A_186 : vector<16xi32>
      %add3A_189 = arith.constant 2 : i32
      %add3A_190 = vector.broadcast %add3A_189 : i32 to vector<16xi32>
      %add3A_191 = arith.addi %mul3A_111, %add3A_190 : vector<16xi32>
      %shift_right_logical3A_192 = arith.constant 7 : i32
      %shift_right_logical3A_193 = vector.broadcast %shift_right_logical3A_192 : i32 to vector<16xi32>
      %shift_right_logical3A_194 = arith.shrui %add3A_191, %shift_right_logical3A_193 : vector<16xi32>
      %and3A_195 = arith.constant 127 : i32
      %and3A_196 = vector.broadcast %and3A_195 : i32 to vector<16xi32>
      %and3A_197 = arith.andi %add3A_191, %and3A_196 : vector<16xi32>
      %mul3A_198 = arith.constant 1024 : i32
      %mul3A_199 = vector.broadcast %mul3A_198 : i32 to vector<16xi32>
      %mul3A_200 = arith.muli %min3A_179, %mul3A_199 : vector<16xi32>
      %add3A_201 = arith.addi %mul3A_200, %min3A_188 : vector<16xi32>
      tpu.vector_store_idx %arg7[%shift_right_logical3A_194, %and3A_197], %add3A_201 : memref<100x128xi32, #tpu.memory_space<vmem>>[vector<16xi32>, vector<16xi32>], vector<16xi32>,
      %add3A_202 = arith.constant -2 : i32
      %add3A_203 = vector.broadcast %add3A_202 : i32 to vector<16xi32>
      %add3A_204 = arith.addi %shift_right_logical3A_101, %add3A_203 : vector<16xi32>
      %jit3A_205 = arith.constant 0 : i32
      %jit3A_206 = arith.constant 1023 : i32
      %max3A_207 = vector.broadcast %jit3A_205 : i32 to vector<16xi32>
      %max3A_208 = arith.maxsi %max3A_207, %add3A_204 : vector<16xi32>
      %min3A_209 = vector.broadcast %jit3A_206 : i32 to vector<16xi32>
      %min3A_210 = arith.minsi %min3A_209, %max3A_208 : vector<16xi32>
      %add3A_211 = arith.constant 1 : i32
      %add3A_212 = vector.broadcast %add3A_211 : i32 to vector<16xi32>
      %add3A_213 = arith.addi %and3A_104, %add3A_212 : vector<16xi32>
      %jit3A_214 = arith.constant 0 : i32
      %jit3A_215 = arith.constant 1023 : i32
      %max3A_216 = vector.broadcast %jit3A_214 : i32 to vector<16xi32>
      %max3A_217 = arith.maxsi %max3A_216, %add3A_213 : vector<16xi32>
      %min3A_218 = vector.broadcast %jit3A_215 : i32 to vector<16xi32>
      %min3A_219 = arith.minsi %min3A_218, %max3A_217 : vector<16xi32>
      %add3A_220 = arith.constant 3 : i32
      %add3A_221 = vector.broadcast %add3A_220 : i32 to vector<16xi32>
      %add3A_222 = arith.addi %mul3A_111, %add3A_221 : vector<16xi32>
      %shift_right_logical3A_223 = arith.constant 7 : i32
      %shift_right_logical3A_224 = vector.broadcast %shift_right_logical3A_223 : i32 to vector<16xi32>
      %shift_right_logical3A_225 = arith.shrui %add3A_222, %shift_right_logical3A_224 : vector<16xi32>
      %and3A_226 = arith.constant 127 : i32
      %and3A_227 = vector.broadcast %and3A_226 : i32 to vector<16xi32>
      %and3A_228 = arith.andi %add3A_222, %and3A_227 : vector<16xi32>
      %mul3A_229 = arith.constant 1024 : i32
      %mul3A_230 = vector.broadcast %mul3A_229 : i32 to vector<16xi32>
      %mul3A_231 = arith.muli %min3A_210, %mul3A_230 : vector<16xi32>
      %add3A_232 = arith.addi %mul3A_231, %min3A_219 : vector<16xi32>
      tpu.vector_store_idx %arg7[%shift_right_logical3A_225, %and3A_228], %add3A_232 : memref<100x128xi32, #tpu.memory_space<vmem>>[vector<16xi32>, vector<16xi32>], vector<16xi32>,
      %add3A_233 = arith.constant -2 : i32
      %add3A_234 = vector.broadcast %add3A_233 : i32 to vector<16xi32>
      %add3A_235 = arith.addi %shift_right_logical3A_101, %add3A_234 : vector<16xi32>
      %jit3A_236 = arith.constant 0 : i32
      %jit3A_237 = arith.constant 1023 : i32
      %max3A_238 = vector.broadcast %jit3A_236 : i32 to vector<16xi32>
      %max3A_239 = arith.maxsi %max3A_238, %add3A_235 : vector<16xi32>
      %min3A_240 = vector.broadcast %jit3A_237 : i32 to vector<16xi32>
      %min3A_241 = arith.minsi %min3A_240, %max3A_239 : vector<16xi32>
      %add3A_242 = arith.constant 2 : i32
      %add3A_243 = vector.broadcast %add3A_242 : i32 to vector<16xi32>
      %add3A_244 = arith.addi %and3A_104, %add3A_243 : vector<16xi32>
      %jit3A_245 = arith.constant 0 : i32
      %jit3A_246 = arith.constant 1023 : i32
      %max3A_247 = vector.broadcast %jit3A_245 : i32 to vector<16xi32>
      %max3A_248 = arith.maxsi %max3A_247, %add3A_244 : vector<16xi32>
      %min3A_249 = vector.broadcast %jit3A_246 : i32 to vector<16xi32>
      %min3A_250 = arith.minsi %min3A_249, %max3A_248 : vector<16xi32>
      %add3A_251 = arith.constant 4 : i32
      %add3A_252 = vector.broadcast %add3A_251 : i32 to vector<16xi32>
      %add3A_253 = arith.addi %mul3A_111, %add3A_252 : vector<16xi32>
      %shift_right_logical3A_254 = arith.constant 7 : i32
      %shift_right_logical3A_255 = vector.broadcast %shift_right_logical3A_254 : i32 to vector<16xi32>
      %shift_right_logical3A_256 = arith.shrui %add3A_253, %shift_right_logical3A_255 : vector<16xi32>
      %and3A_257 = arith.constant 127 : i32
      %and3A_258 = vector.broadcast %and3A_257 : i32 to vector<16xi32>
      %and3A_259 = arith.andi %add3A_253, %and3A_258 : vector<16xi32>
      %mul3A_260 = arith.constant 1024 : i32
      %mul3A_261 = vector.broadcast %mul3A_260 : i32 to vector<16xi32>
      %mul3A_262 = arith.muli %min3A_241, %mul3A_261 : vector<16xi32>
      %add3A_263 = arith.addi %mul3A_262, %min3A_250 : vector<16xi32>
      tpu.vector_store_idx %arg7[%shift_right_logical3A_256, %and3A_259], %add3A_263 : memref<100x128xi32, #tpu.memory_space<vmem>>[vector<16xi32>, vector<16xi32>], vector<16xi32>,
      %add3A_264 = arith.constant -1 : i32
      %add3A_265 = vector.broadcast %add3A_264 : i32 to vector<16xi32>
      %add3A_266 = arith.addi %shift_right_logical3A_101, %add3A_265 : vector<16xi32>
      %jit3A_267 = arith.constant 0 : i32
      %jit3A_268 = arith.constant 1023 : i32
      %max3A_269 = vector.broadcast %jit3A_267 : i32 to vector<16xi32>
      %max3A_270 = arith.maxsi %max3A_269, %add3A_266 : vector<16xi32>
      %min3A_271 = vector.broadcast %jit3A_268 : i32 to vector<16xi32>
      %min3A_272 = arith.minsi %min3A_271, %max3A_270 : vector<16xi32>
      %add3A_273 = arith.constant -2 : i32
      %add3A_274 = vector.broadcast %add3A_273 : i32 to vector<16xi32>
      %add3A_275 = arith.addi %and3A_104, %add3A_274 : vector<16xi32>
      %jit3A_276 = arith.constant 0 : i32
      %jit3A_277 = arith.constant 1023 : i32
      %max3A_278 = vector.broadcast %jit3A_276 : i32 to vector<16xi32>
      %max3A_279 = arith.maxsi %max3A_278, %add3A_275 : vector<16xi32>
      %min3A_280 = vector.broadcast %jit3A_277 : i32 to vector<16xi32>
      %min3A_281 = arith.minsi %min3A_280, %max3A_279 : vector<16xi32>
      %add3A_282 = arith.constant 5 : i32
      %add3A_283 = vector.broadcast %add3A_282 : i32 to vector<16xi32>
      %add3A_284 = arith.addi %mul3A_111, %add3A_283 : vector<16xi32>
      %shift_right_logical3A_285 = arith.constant 7 : i32
      %shift_right_logical3A_286 = vector.broadcast %shift_right_logical3A_285 : i32 to vector<16xi32>
      %shift_right_logical3A_287 = arith.shrui %add3A_284, %shift_right_logical3A_286 : vector<16xi32>
      %and3A_288 = arith.constant 127 : i32
      %and3A_289 = vector.broadcast %and3A_288 : i32 to vector<16xi32>
      %and3A_290 = arith.andi %add3A_284, %and3A_289 : vector<16xi32>
      %mul3A_291 = arith.constant 1024 : i32
      %mul3A_292 = vector.broadcast %mul3A_291 : i32 to vector<16xi32>
      %mul3A_293 = arith.muli %min3A_272, %mul3A_292 : vector<16xi32>
      %add3A_294 = arith.addi %mul3A_293, %min3A_281 : vector<16xi32>
      tpu.vector_store_idx %arg7[%shift_right_logical3A_287, %and3A_290], %add3A_294 : memref<100x128xi32, #tpu.memory_space<vmem>>[vector<16xi32>, vector<16xi32>], vector<16xi32>,
      %add3A_295 = arith.constant -1 : i32
      %add3A_296 = vector.broadcast %add3A_295 : i32 to vector<16xi32>
      %add3A_297 = arith.addi %shift_right_logical3A_101, %add3A_296 : vector<16xi32>
      %jit3A_298 = arith.constant 0 : i32
      %jit3A_299 = arith.constant 1023 : i32
      %max3A_300 = vector.broadcast %jit3A_298 : i32 to vector<16xi32>
      %max3A_301 = arith.maxsi %max3A_300, %add3A_297 : vector<16xi32>
      %min3A_302 = vector.broadcast %jit3A_299 : i32 to vector<16xi32>
      %min3A_303 = arith.minsi %min3A_302, %max3A_301 : vector<16xi32>
      %add3A_304 = arith.constant -1 : i32
      %add3A_305 = vector.broadcast %add3A_304 : i32 to vector<16xi32>
      %add3A_306 = arith.addi %and3A_104, %add3A_305 : vector<16xi32>
      %jit3A_307 = arith.constant 0 : i32
      %jit3A_308 = arith.constant 1023 : i32
      %max3A_309 = vector.broadcast %jit3A_307 : i32 to vector<16xi32>
      %max3A_310 = arith.maxsi %max3A_309, %add3A_306 : vector<16xi32>
      %min3A_311 = vector.broadcast %jit3A_308 : i32 to vector<16xi32>
      %min3A_312 = arith.minsi %min3A_311, %max3A_310 : vector<16xi32>
      %add3A_313 = arith.constant 6 : i32
      %add3A_314 = vector.broadcast %add3A_313 : i32 to vector<16xi32>
      %add3A_315 = arith.addi %mul3A_111, %add3A_314 : vector<16xi32>
      %shift_right_logical3A_316 = arith.constant 7 : i32
      %shift_right_logical3A_317 = vector.broadcast %shift_right_logical3A_316 : i32 to vector<16xi32>
      %shift_right_logical3A_318 = arith.shrui %add3A_315, %shift_right_logical3A_317 : vector<16xi32>
      %and3A_319 = arith.constant 127 : i32
      %and3A_320 = vector.broadcast %and3A_319 : i32 to vector<16xi32>
      %and3A_321 = arith.andi %add3A_315, %and3A_320 : vector<16xi32>
      %mul3A_322 = arith.constant 1024 : i32
      %mul3A_323 = vector.broadcast %mul3A_322 : i32 to vector<16xi32>
      %mul3A_324 = arith.muli %min3A_303, %mul3A_323 : vector<16xi32>
      %add3A_325 = arith.addi %mul3A_324, %min3A_312 : vector<16xi32>
      tpu.vector_store_idx %arg7[%shift_right_logical3A_318, %and3A_321], %add3A_325 : memref<100x128xi32, #tpu.memory_space<vmem>>[vector<16xi32>, vector<16xi32>], vector<16xi32>,
      %add3A_326 = arith.constant -1 : i32
      %add3A_327 = vector.broadcast %add3A_326 : i32 to vector<16xi32>
      %add3A_328 = arith.addi %shift_right_logical3A_101, %add3A_327 : vector<16xi32>
      %jit3A_329 = arith.constant 0 : i32
      %jit3A_330 = arith.constant 1023 : i32
      %max3A_331 = vector.broadcast %jit3A_329 : i32 to vector<16xi32>
      %max3A_332 = arith.maxsi %max3A_331, %add3A_328 : vector<16xi32>
      %min3A_333 = vector.broadcast %jit3A_330 : i32 to vector<16xi32>
      %min3A_334 = arith.minsi %min3A_333, %max3A_332 : vector<16xi32>
      %add3A_335 = arith.constant 0 : i32
      %add3A_336 = vector.broadcast %add3A_335 : i32 to vector<16xi32>
      %add3A_337 = arith.addi %and3A_104, %add3A_336 : vector<16xi32>
      %jit3A_338 = arith.constant 0 : i32
      %jit3A_339 = arith.constant 1023 : i32
      %max3A_340 = vector.broadcast %jit3A_338 : i32 to vector<16xi32>
      %max3A_341 = arith.maxsi %max3A_340, %add3A_337 : vector<16xi32>
      %min3A_342 = vector.broadcast %jit3A_339 : i32 to vector<16xi32>
      %min3A_343 = arith.minsi %min3A_342, %max3A_341 : vector<16xi32>
      %add3A_344 = arith.constant 7 : i32
      %add3A_345 = vector.broadcast %add3A_344 : i32 to vector<16xi32>
      %add3A_346 = arith.addi %mul3A_111, %add3A_345 : vector<16xi32>
      %shift_right_logical3A_347 = arith.constant 7 : i32
      %shift_right_logical3A_348 = vector.broadcast %shift_right_logical3A_347 : i32 to vector<16xi32>
      %shift_right_logical3A_349 = arith.shrui %add3A_346, %shift_right_logical3A_348 : vector<16xi32>
      %and3A_350 = arith.constant 127 : i32
      %and3A_351 = vector.broadcast %and3A_350 : i32 to vector<16xi32>
      %and3A_352 = arith.andi %add3A_346, %and3A_351 : vector<16xi32>
      %mul3A_353 = arith.constant 1024 : i32
      %mul3A_354 = vector.broadcast %mul3A_353 : i32 to vector<16xi32>
      %mul3A_355 = arith.muli %min3A_334, %mul3A_354 : vector<16xi32>
      %add3A_356 = arith.addi %mul3A_355, %min3A_343 : vector<16xi32>
      tpu.vector_store_idx %arg7[%shift_right_logical3A_349, %and3A_352], %add3A_356 : memref<100x128xi32, #tpu.memory_space<vmem>>[vector<16xi32>, vector<16xi32>], vector<16xi32>,
      %add3A_357 = arith.constant -1 : i32
      %add3A_358 = vector.broadcast %add3A_357 : i32 to vector<16xi32>
      %add3A_359 = arith.addi %shift_right_logical3A_101, %add3A_358 : vector<16xi32>
      %jit3A_360 = arith.constant 0 : i32
      %jit3A_361 = arith.constant 1023 : i32
      %max3A_362 = vector.broadcast %jit3A_360 : i32 to vector<16xi32>
      %max3A_363 = arith.maxsi %max3A_362, %add3A_359 : vector<16xi32>
      %min3A_364 = vector.broadcast %jit3A_361 : i32 to vector<16xi32>
      %min3A_365 = arith.minsi %min3A_364, %max3A_363 : vector<16xi32>
      %add3A_366 = arith.constant 1 : i32
      %add3A_367 = vector.broadcast %add3A_366 : i32 to vector<16xi32>
      %add3A_368 = arith.addi %and3A_104, %add3A_367 : vector<16xi32>
      %jit3A_369 = arith.constant 0 : i32
      %jit3A_370 = arith.constant 1023 : i32
      %max3A_371 = vector.broadcast %jit3A_369 : i32 to vector<16xi32>
      %max3A_372 = arith.maxsi %max3A_371, %add3A_368 : vector<16xi32>
      %min3A_373 = vector.broadcast %jit3A_370 : i32 to vector<16xi32>
      %min3A_374 = arith.minsi %min3A_373, %max3A_372 : vector<16xi32>
      %add3A_375 = arith.constant 8 : i32
      %add3A_376 = vector.broadcast %add3A_375 : i32 to vector<16xi32>
      %add3A_377 = arith.addi %mul3A_111, %add3A_376 : vector<16xi32>
      %shift_right_logical3A_378 = arith.constant 7 : i32
      %shift_right_logical3A_379 = vector.broadcast %shift_right_logical3A_378 : i32 to vector<16xi32>
      %shift_right_logical3A_380 = arith.shrui %add3A_377, %shift_right_logical3A_379 : vector<16xi32>
      %and3A_381 = arith.constant 127 : i32
      %and3A_382 = vector.broadcast %and3A_381 : i32 to vector<16xi32>
      %and3A_383 = arith.andi %add3A_377, %and3A_382 : vector<16xi32>
      %mul3A_384 = arith.constant 1024 : i32
      %mul3A_385 = vector.broadcast %mul3A_384 : i32 to vector<16xi32>
      %mul3A_386 = arith.muli %min3A_365, %mul3A_385 : vector<16xi32>
      %add3A_387 = arith.addi %mul3A_386, %min3A_374 : vector<16xi32>
      tpu.vector_store_idx %arg7[%shift_right_logical3A_380, %and3A_383], %add3A_387 : memref<100x128xi32, #tpu.memory_space<vmem>>[vector<16xi32>, vector<16xi32>], vector<16xi32>,
      %add3A_388 = arith.constant -1 : i32
      %add3A_389 = vector.broadcast %add3A_388 : i32 to vector<16xi32>
      %add3A_390 = arith.addi %shift_right_logical3A_101, %add3A_389 : vector<16xi32>
      %jit3A_391 = arith.constant 0 : i32
      %jit3A_392 = arith.constant 1023 : i32
      %max3A_393 = vector.broadcast %jit3A_391 : i32 to vector<16xi32>
      %max3A_394 = arith.maxsi %max3A_393, %add3A_390 : vector<16xi32>
      %min3A_395 = vector.broadcast %jit3A_392 : i32 to vector<16xi32>
      %min3A_396 = arith.minsi %min3A_395, %max3A_394 : vector<16xi32>
      %add3A_397 = arith.constant 2 : i32
      %add3A_398 = vector.broadcast %add3A_397 : i32 to vector<16xi32>
      %add3A_399 = arith.addi %and3A_104, %add3A_398 : vector<16xi32>
      %jit3A_400 = arith.constant 0 : i32
      %jit3A_401 = arith.constant 1023 : i32
      %max3A_402 = vector.broadcast %jit3A_400 : i32 to vector<16xi32>
      %max3A_403 = arith.maxsi %max3A_402, %add3A_399 : vector<16xi32>
      %min3A_404 = vector.broadcast %jit3A_401 : i32 to vector<16xi32>
      %min3A_405 = arith.minsi %min3A_404, %max3A_403 : vector<16xi32>
      %add3A_406 = arith.constant 9 : i32
      %add3A_407 = vector.broadcast %add3A_406 : i32 to vector<16xi32>
      %add3A_408 = arith.addi %mul3A_111, %add3A_407 : vector<16xi32>
      %shift_right_logical3A_409 = arith.constant 7 : i32
      %shift_right_logical3A_410 = vector.broadcast %shift_right_logical3A_409 : i32 to vector<16xi32>
      %shift_right_logical3A_411 = arith.shrui %add3A_408, %shift_right_logical3A_410 : vector<16xi32>
      %and3A_412 = arith.constant 127 : i32
      %and3A_413 = vector.broadcast %and3A_412 : i32 to vector<16xi32>
      %and3A_414 = arith.andi %add3A_408, %and3A_413 : vector<16xi32>
      %mul3A_415 = arith.constant 1024 : i32
      %mul3A_416 = vector.broadcast %mul3A_415 : i32 to vector<16xi32>
      %mul3A_417 = arith.muli %min3A_396, %mul3A_416 : vector<16xi32>
      %add3A_418 = arith.addi %mul3A_417, %min3A_405 : vector<16xi32>
      tpu.vector_store_idx %arg7[%shift_right_logical3A_411, %and3A_414], %add3A_418 : memref<100x128xi32, #tpu.memory_space<vmem>>[vector<16xi32>, vector<16xi32>], vector<16xi32>,
      %add3A_419 = arith.constant 0 : i32
      %add3A_420 = vector.broadcast %add3A_419 : i32 to vector<16xi32>
      %add3A_421 = arith.addi %shift_right_logical3A_101, %add3A_420 : vector<16xi32>
      %jit3A_422 = arith.constant 0 : i32
      %jit3A_423 = arith.constant 1023 : i32
      %max3A_424 = vector.broadcast %jit3A_422 : i32 to vector<16xi32>
      %max3A_425 = arith.maxsi %max3A_424, %add3A_421 : vector<16xi32>
      %min3A_426 = vector.broadcast %jit3A_423 : i32 to vector<16xi32>
      %min3A_427 = arith.minsi %min3A_426, %max3A_425 : vector<16xi32>
      %add3A_428 = arith.constant -2 : i32
      %add3A_429 = vector.broadcast %add3A_428 : i32 to vector<16xi32>
      %add3A_430 = arith.addi %and3A_104, %add3A_429 : vector<16xi32>
      %jit3A_431 = arith.constant 0 : i32
      %jit3A_432 = arith.constant 1023 : i32
      %max3A_433 = vector.broadcast %jit3A_431 : i32 to vector<16xi32>
      %max3A_434 = arith.maxsi %max3A_433, %add3A_430 : vector<16xi32>
      %min3A_435 = vector.broadcast %jit3A_432 : i32 to vector<16xi32>
      %min3A_436 = arith.minsi %min3A_435, %max3A_434 : vector<16xi32>
      %add3A_437 = arith.constant 10 : i32
      %add3A_438 = vector.broadcast %add3A_437 : i32 to vector<16xi32>
      %add3A_439 = arith.addi %mul3A_111, %add3A_438 : vector<16xi32>
      %shift_right_logical3A_440 = arith.constant 7 : i32
      %shift_right_logical3A_441 = vector.broadcast %shift_right_logical3A_440 : i32 to vector<16xi32>
      %shift_right_logical3A_442 = arith.shrui %add3A_439, %shift_right_logical3A_441 : vector<16xi32>
      %and3A_443 = arith.constant 127 : i32
      %and3A_444 = vector.broadcast %and3A_443 : i32 to vector<16xi32>
      %and3A_445 = arith.andi %add3A_439, %and3A_444 : vector<16xi32>
      %mul3A_446 = arith.constant 1024 : i32
      %mul3A_447 = vector.broadcast %mul3A_446 : i32 to vector<16xi32>
      %mul3A_448 = arith.muli %min3A_427, %mul3A_447 : vector<16xi32>
      %add3A_449 = arith.addi %mul3A_448, %min3A_436 : vector<16xi32>
      tpu.vector_store_idx %arg7[%shift_right_logical3A_442, %and3A_445], %add3A_449 : memref<100x128xi32, #tpu.memory_space<vmem>>[vector<16xi32>, vector<16xi32>], vector<16xi32>,
      %add3A_450 = arith.constant 0 : i32
      %add3A_451 = vector.broadcast %add3A_450 : i32 to vector<16xi32>
      %add3A_452 = arith.addi %shift_right_logical3A_101, %add3A_451 : vector<16xi32>
      %jit3A_453 = arith.constant 0 : i32
      %jit3A_454 = arith.constant 1023 : i32
      %max3A_455 = vector.broadcast %jit3A_453 : i32 to vector<16xi32>
      %max3A_456 = arith.maxsi %max3A_455, %add3A_452 : vector<16xi32>
      %min3A_457 = vector.broadcast %jit3A_454 : i32 to vector<16xi32>
      %min3A_458 = arith.minsi %min3A_457, %max3A_456 : vector<16xi32>
      %add3A_459 = arith.constant -1 : i32
      %add3A_460 = vector.broadcast %add3A_459 : i32 to vector<16xi32>
      %add3A_461 = arith.addi %and3A_104, %add3A_460 : vector<16xi32>
      %jit3A_462 = arith.constant 0 : i32
      %jit3A_463 = arith.constant 1023 : i32
      %max3A_464 = vector.broadcast %jit3A_462 : i32 to vector<16xi32>
      %max3A_465 = arith.maxsi %max3A_464, %add3A_461 : vector<16xi32>
      %min3A_466 = vector.broadcast %jit3A_463 : i32 to vector<16xi32>
      %min3A_467 = arith.minsi %min3A_466, %max3A_465 : vector<16xi32>
      %add3A_468 = arith.constant 11 : i32
      %add3A_469 = vector.broadcast %add3A_468 : i32 to vector<16xi32>
      %add3A_470 = arith.addi %mul3A_111, %add3A_469 : vector<16xi32>
      %shift_right_logical3A_471 = arith.constant 7 : i32
      %shift_right_logical3A_472 = vector.broadcast %shift_right_logical3A_471 : i32 to vector<16xi32>
      %shift_right_logical3A_473 = arith.shrui %add3A_470, %shift_right_logical3A_472 : vector<16xi32>
      %and3A_474 = arith.constant 127 : i32
      %and3A_475 = vector.broadcast %and3A_474 : i32 to vector<16xi32>
      %and3A_476 = arith.andi %add3A_470, %and3A_475 : vector<16xi32>
      %mul3A_477 = arith.constant 1024 : i32
      %mul3A_478 = vector.broadcast %mul3A_477 : i32 to vector<16xi32>
      %mul3A_479 = arith.muli %min3A_458, %mul3A_478 : vector<16xi32>
      %add3A_480 = arith.addi %mul3A_479, %min3A_467 : vector<16xi32>
      tpu.vector_store_idx %arg7[%shift_right_logical3A_473, %and3A_476], %add3A_480 : memref<100x128xi32, #tpu.memory_space<vmem>>[vector<16xi32>, vector<16xi32>], vector<16xi32>,
      %add3A_481 = arith.constant 0 : i32
      %add3A_482 = vector.broadcast %add3A_481 : i32 to vector<16xi32>
      %add3A_483 = arith.addi %shift_right_logical3A_101, %add3A_482 : vector<16xi32>
      %jit3A_484 = arith.constant 0 : i32
      %jit3A_485 = arith.constant 1023 : i32
      %max3A_486 = vector.broadcast %jit3A_484 : i32 to vector<16xi32>
      %max3A_487 = arith.maxsi %max3A_486, %add3A_483 : vector<16xi32>
      %min3A_488 = vector.broadcast %jit3A_485 : i32 to vector<16xi32>
      %min3A_489 = arith.minsi %min3A_488, %max3A_487 : vector<16xi32>
      %add3A_490 = arith.constant 0 : i32
      %add3A_491 = vector.broadcast %add3A_490 : i32 to vector<16xi32>
      %add3A_492 = arith.addi %and3A_104, %add3A_491 : vector<16xi32>
      %jit3A_493 = arith.constant 0 : i32
      %jit3A_494 = arith.constant 1023 : i32
      %max3A_495 = vector.broadcast %jit3A_493 : i32 to vector<16xi32>
      %max3A_496 = arith.maxsi %max3A_495, %add3A_492 : vector<16xi32>
      %min3A_497 = vector.broadcast %jit3A_494 : i32 to vector<16xi32>
      %min3A_498 = arith.minsi %min3A_497, %max3A_496 : vector<16xi32>
      %add3A_499 = arith.constant 12 : i32
      %add3A_500 = vector.broadcast %add3A_499 : i32 to vector<16xi32>
      %add3A_501 = arith.addi %mul3A_111, %add3A_500 : vector<16xi32>
      %shift_right_logical3A_502 = arith.constant 7 : i32
      %shift_right_logical3A_503 = vector.broadcast %shift_right_logical3A_502 : i32 to vector<16xi32>
      %shift_right_logical3A_504 = arith.shrui %add3A_501, %shift_right_logical3A_503 : vector<16xi32>
      %and3A_505 = arith.constant 127 : i32
      %and3A_506 = vector.broadcast %and3A_505 : i32 to vector<16xi32>
      %and3A_507 = arith.andi %add3A_501, %and3A_506 : vector<16xi32>
      %mul3A_508 = arith.constant 1024 : i32
      %mul3A_509 = vector.broadcast %mul3A_508 : i32 to vector<16xi32>
      %mul3A_510 = arith.muli %min3A_489, %mul3A_509 : vector<16xi32>
      %add3A_511 = arith.addi %mul3A_510, %min3A_498 : vector<16xi32>
      tpu.vector_store_idx %arg7[%shift_right_logical3A_504, %and3A_507], %add3A_511 : memref<100x128xi32, #tpu.memory_space<vmem>>[vector<16xi32>, vector<16xi32>], vector<16xi32>,
      %add3A_512 = arith.constant 0 : i32
      %add3A_513 = vector.broadcast %add3A_512 : i32 to vector<16xi32>
      %add3A_514 = arith.addi %shift_right_logical3A_101, %add3A_513 : vector<16xi32>
      %jit3A_515 = arith.constant 0 : i32
      %jit3A_516 = arith.constant 1023 : i32
      %max3A_517 = vector.broadcast %jit3A_515 : i32 to vector<16xi32>
      %max3A_518 = arith.maxsi %max3A_517, %add3A_514 : vector<16xi32>
      %min3A_519 = vector.broadcast %jit3A_516 : i32 to vector<16xi32>
      %min3A_520 = arith.minsi %min3A_519, %max3A_518 : vector<16xi32>
      %add3A_521 = arith.constant 1 : i32
      %add3A_522 = vector.broadcast %add3A_521 : i32 to vector<16xi32>
      %add3A_523 = arith.addi %and3A_104, %add3A_522 : vector<16xi32>
      %jit3A_524 = arith.constant 0 : i32
      %jit3A_525 = arith.constant 1023 : i32
      %max3A_526 = vector.broadcast %jit3A_524 : i32 to vector<16xi32>
      %max3A_527 = arith.maxsi %max3A_526, %add3A_523 : vector<16xi32>
      %min3A_528 = vector.broadcast %jit3A_525 : i32 to vector<16xi32>
      %min3A_529 = arith.minsi %min3A_528, %max3A_527 : vector<16xi32>
      %add3A_530 = arith.constant 13 : i32
      %add3A_531 = vector.broadcast %add3A_530 : i32 to vector<16xi32>
      %add3A_532 = arith.addi %mul3A_111, %add3A_531 : vector<16xi32>
      %shift_right_logical3A_533 = arith.constant 7 : i32
      %shift_right_logical3A_534 = vector.broadcast %shift_right_logical3A_533 : i32 to vector<16xi32>
      %shift_right_logical3A_535 = arith.shrui %add3A_532, %shift_right_logical3A_534 : vector<16xi32>
      %and3A_536 = arith.constant 127 : i32
      %and3A_537 = vector.broadcast %and3A_536 : i32 to vector<16xi32>
      %and3A_538 = arith.andi %add3A_532, %and3A_537 : vector<16xi32>
      %mul3A_539 = arith.constant 1024 : i32
      %mul3A_540 = vector.broadcast %mul3A_539 : i32 to vector<16xi32>
      %mul3A_541 = arith.muli %min3A_520, %mul3A_540 : vector<16xi32>
      %add3A_542 = arith.addi %mul3A_541, %min3A_529 : vector<16xi32>
      tpu.vector_store_idx %arg7[%shift_right_logical3A_535, %and3A_538], %add3A_542 : memref<100x128xi32, #tpu.memory_space<vmem>>[vector<16xi32>, vector<16xi32>], vector<16xi32>,
      %add3A_543 = arith.constant 0 : i32
      %add3A_544 = vector.broadcast %add3A_543 : i32 to vector<16xi32>
      %add3A_545 = arith.addi %shift_right_logical3A_101, %add3A_544 : vector<16xi32>
      %jit3A_546 = arith.constant 0 : i32
      %jit3A_547 = arith.constant 1023 : i32
      %max3A_548 = vector.broadcast %jit3A_546 : i32 to vector<16xi32>
      %max3A_549 = arith.maxsi %max3A_548, %add3A_545 : vector<16xi32>
      %min3A_550 = vector.broadcast %jit3A_547 : i32 to vector<16xi32>
      %min3A_551 = arith.minsi %min3A_550, %max3A_549 : vector<16xi32>
      %add3A_552 = arith.constant 2 : i32
      %add3A_553 = vector.broadcast %add3A_552 : i32 to vector<16xi32>
      %add3A_554 = arith.addi %and3A_104, %add3A_553 : vector<16xi32>
      %jit3A_555 = arith.constant 0 : i32
      %jit3A_556 = arith.constant 1023 : i32
      %max3A_557 = vector.broadcast %jit3A_555 : i32 to vector<16xi32>
      %max3A_558 = arith.maxsi %max3A_557, %add3A_554 : vector<16xi32>
      %min3A_559 = vector.broadcast %jit3A_556 : i32 to vector<16xi32>
      %min3A_560 = arith.minsi %min3A_559, %max3A_558 : vector<16xi32>
      %add3A_561 = arith.constant 14 : i32
      %add3A_562 = vector.broadcast %add3A_561 : i32 to vector<16xi32>
      %add3A_563 = arith.addi %mul3A_111, %add3A_562 : vector<16xi32>
      %shift_right_logical3A_564 = arith.constant 7 : i32
      %shift_right_logical3A_565 = vector.broadcast %shift_right_logical3A_564 : i32 to vector<16xi32>
      %shift_right_logical3A_566 = arith.shrui %add3A_563, %shift_right_logical3A_565 : vector<16xi32>
      %and3A_567 = arith.constant 127 : i32
      %and3A_568 = vector.broadcast %and3A_567 : i32 to vector<16xi32>
      %and3A_569 = arith.andi %add3A_563, %and3A_568 : vector<16xi32>
      %mul3A_570 = arith.constant 1024 : i32
      %mul3A_571 = vector.broadcast %mul3A_570 : i32 to vector<16xi32>
      %mul3A_572 = arith.muli %min3A_551, %mul3A_571 : vector<16xi32>
      %add3A_573 = arith.addi %mul3A_572, %min3A_560 : vector<16xi32>
      tpu.vector_store_idx %arg7[%shift_right_logical3A_566, %and3A_569], %add3A_573 : memref<100x128xi32, #tpu.memory_space<vmem>>[vector<16xi32>, vector<16xi32>], vector<16xi32>,
      %add3A_574 = arith.constant 1 : i32
      %add3A_575 = vector.broadcast %add3A_574 : i32 to vector<16xi32>
      %add3A_576 = arith.addi %shift_right_logical3A_101, %add3A_575 : vector<16xi32>
      %jit3A_577 = arith.constant 0 : i32
      %jit3A_578 = arith.constant 1023 : i32
      %max3A_579 = vector.broadcast %jit3A_577 : i32 to vector<16xi32>
      %max3A_580 = arith.maxsi %max3A_579, %add3A_576 : vector<16xi32>
      %min3A_581 = vector.broadcast %jit3A_578 : i32 to vector<16xi32>
      %min3A_582 = arith.minsi %min3A_581, %max3A_580 : vector<16xi32>
      %add3A_583 = arith.constant -2 : i32
      %add3A_584 = vector.broadcast %add3A_583 : i32 to vector<16xi32>
      %add3A_585 = arith.addi %and3A_104, %add3A_584 : vector<16xi32>
      %jit3A_586 = arith.constant 0 : i32
      %jit3A_587 = arith.constant 1023 : i32
      %max3A_588 = vector.broadcast %jit3A_586 : i32 to vector<16xi32>
      %max3A_589 = arith.maxsi %max3A_588, %add3A_585 : vector<16xi32>
      %min3A_590 = vector.broadcast %jit3A_587 : i32 to vector<16xi32>
      %min3A_591 = arith.minsi %min3A_590, %max3A_589 : vector<16xi32>
      %add3A_592 = arith.constant 15 : i32
      %add3A_593 = vector.broadcast %add3A_592 : i32 to vector<16xi32>
      %add3A_594 = arith.addi %mul3A_111, %add3A_593 : vector<16xi32>
      %shift_right_logical3A_595 = arith.constant 7 : i32
      %shift_right_logical3A_596 = vector.broadcast %shift_right_logical3A_595 : i32 to vector<16xi32>
      %shift_right_logical3A_597 = arith.shrui %add3A_594, %shift_right_logical3A_596 : vector<16xi32>
      %and3A_598 = arith.constant 127 : i32
      %and3A_599 = vector.broadcast %and3A_598 : i32 to vector<16xi32>
      %and3A_600 = arith.andi %add3A_594, %and3A_599 : vector<16xi32>
      %mul3A_601 = arith.constant 1024 : i32
      %mul3A_602 = vector.broadcast %mul3A_601 : i32 to vector<16xi32>
      %mul3A_603 = arith.muli %min3A_582, %mul3A_602 : vector<16xi32>
      %add3A_604 = arith.addi %mul3A_603, %min3A_591 : vector<16xi32>
      tpu.vector_store_idx %arg7[%shift_right_logical3A_597, %and3A_600], %add3A_604 : memref<100x128xi32, #tpu.memory_space<vmem>>[vector<16xi32>, vector<16xi32>], vector<16xi32>,
      %add3A_605 = arith.constant 1 : i32
      %add3A_606 = vector.broadcast %add3A_605 : i32 to vector<16xi32>
      %add3A_607 = arith.addi %shift_right_logical3A_101, %add3A_606 : vector<16xi32>
      %jit3A_608 = arith.constant 0 : i32
      %jit3A_609 = arith.constant 1023 : i32
      %max3A_610 = vector.broadcast %jit3A_608 : i32 to vector<16xi32>
      %max3A_611 = arith.maxsi %max3A_610, %add3A_607 : vector<16xi32>
      %min3A_612 = vector.broadcast %jit3A_609 : i32 to vector<16xi32>
      %min3A_613 = arith.minsi %min3A_612, %max3A_611 : vector<16xi32>
      %add3A_614 = arith.constant -1 : i32
      %add3A_615 = vector.broadcast %add3A_614 : i32 to vector<16xi32>
      %add3A_616 = arith.addi %and3A_104, %add3A_615 : vector<16xi32>
      %jit3A_617 = arith.constant 0 : i32
      %jit3A_618 = arith.constant 1023 : i32
      %max3A_619 = vector.broadcast %jit3A_617 : i32 to vector<16xi32>
      %max3A_620 = arith.maxsi %max3A_619, %add3A_616 : vector<16xi32>
      %min3A_621 = vector.broadcast %jit3A_618 : i32 to vector<16xi32>
      %min3A_622 = arith.minsi %min3A_621, %max3A_620 : vector<16xi32>
      %add3A_623 = arith.constant 16 : i32
      %add3A_624 = vector.broadcast %add3A_623 : i32 to vector<16xi32>
      %add3A_625 = arith.addi %mul3A_111, %add3A_624 : vector<16xi32>
      %shift_right_logical3A_626 = arith.constant 7 : i32
      %shift_right_logical3A_627 = vector.broadcast %shift_right_logical3A_626 : i32 to vector<16xi32>
      %shift_right_logical3A_628 = arith.shrui %add3A_625, %shift_right_logical3A_627 : vector<16xi32>
      %and3A_629 = arith.constant 127 : i32
      %and3A_630 = vector.broadcast %and3A_629 : i32 to vector<16xi32>
      %and3A_631 = arith.andi %add3A_625, %and3A_630 : vector<16xi32>
      %mul3A_632 = arith.constant 1024 : i32
      %mul3A_633 = vector.broadcast %mul3A_632 : i32 to vector<16xi32>
      %mul3A_634 = arith.muli %min3A_613, %mul3A_633 : vector<16xi32>
      %add3A_635 = arith.addi %mul3A_634, %min3A_622 : vector<16xi32>
      tpu.vector_store_idx %arg7[%shift_right_logical3A_628, %and3A_631], %add3A_635 : memref<100x128xi32, #tpu.memory_space<vmem>>[vector<16xi32>, vector<16xi32>], vector<16xi32>,
      %add3A_636 = arith.constant 1 : i32
      %add3A_637 = vector.broadcast %add3A_636 : i32 to vector<16xi32>
      %add3A_638 = arith.addi %shift_right_logical3A_101, %add3A_637 : vector<16xi32>
      %jit3A_639 = arith.constant 0 : i32
      %jit3A_640 = arith.constant 1023 : i32
      %max3A_641 = vector.broadcast %jit3A_639 : i32 to vector<16xi32>
      %max3A_642 = arith.maxsi %max3A_641, %add3A_638 : vector<16xi32>
      %min3A_643 = vector.broadcast %jit3A_640 : i32 to vector<16xi32>
      %min3A_644 = arith.minsi %min3A_643, %max3A_642 : vector<16xi32>
      %add3A_645 = arith.constant 0 : i32
      %add3A_646 = vector.broadcast %add3A_645 : i32 to vector<16xi32>
      %add3A_647 = arith.addi %and3A_104, %add3A_646 : vector<16xi32>
      %jit3A_648 = arith.constant 0 : i32
      %jit3A_649 = arith.constant 1023 : i32
      %max3A_650 = vector.broadcast %jit3A_648 : i32 to vector<16xi32>
      %max3A_651 = arith.maxsi %max3A_650, %add3A_647 : vector<16xi32>
      %min3A_652 = vector.broadcast %jit3A_649 : i32 to vector<16xi32>
      %min3A_653 = arith.minsi %min3A_652, %max3A_651 : vector<16xi32>
      %add3A_654 = arith.constant 17 : i32
      %add3A_655 = vector.broadcast %add3A_654 : i32 to vector<16xi32>
      %add3A_656 = arith.addi %mul3A_111, %add3A_655 : vector<16xi32>
      %shift_right_logical3A_657 = arith.constant 7 : i32
      %shift_right_logical3A_658 = vector.broadcast %shift_right_logical3A_657 : i32 to vector<16xi32>
      %shift_right_logical3A_659 = arith.shrui %add3A_656, %shift_right_logical3A_658 : vector<16xi32>
      %and3A_660 = arith.constant 127 : i32
      %and3A_661 = vector.broadcast %and3A_660 : i32 to vector<16xi32>
      %and3A_662 = arith.andi %add3A_656, %and3A_661 : vector<16xi32>
      %mul3A_663 = arith.constant 1024 : i32
      %mul3A_664 = vector.broadcast %mul3A_663 : i32 to vector<16xi32>
      %mul3A_665 = arith.muli %min3A_644, %mul3A_664 : vector<16xi32>
      %add3A_666 = arith.addi %mul3A_665, %min3A_653 : vector<16xi32>
      tpu.vector_store_idx %arg7[%shift_right_logical3A_659, %and3A_662], %add3A_666 : memref<100x128xi32, #tpu.memory_space<vmem>>[vector<16xi32>, vector<16xi32>], vector<16xi32>,
      %add3A_667 = arith.constant 1 : i32
      %add3A_668 = vector.broadcast %add3A_667 : i32 to vector<16xi32>
      %add3A_669 = arith.addi %shift_right_logical3A_101, %add3A_668 : vector<16xi32>
      %jit3A_670 = arith.constant 0 : i32
      %jit3A_671 = arith.constant 1023 : i32
      %max3A_672 = vector.broadcast %jit3A_670 : i32 to vector<16xi32>
      %max3A_673 = arith.maxsi %max3A_672, %add3A_669 : vector<16xi32>
      %min3A_674 = vector.broadcast %jit3A_671 : i32 to vector<16xi32>
      %min3A_675 = arith.minsi %min3A_674, %max3A_673 : vector<16xi32>
      %add3A_676 = arith.constant 1 : i32
      %add3A_677 = vector.broadcast %add3A_676 : i32 to vector<16xi32>
      %add3A_678 = arith.addi %and3A_104, %add3A_677 : vector<16xi32>
      %jit3A_679 = arith.constant 0 : i32
      %jit3A_680 = arith.constant 1023 : i32
      %max3A_681 = vector.broadcast %jit3A_679 : i32 to vector<16xi32>
      %max3A_682 = arith.maxsi %max3A_681, %add3A_678 : vector<16xi32>
      %min3A_683 = vector.broadcast %jit3A_680 : i32 to vector<16xi32>
      %min3A_684 = arith.minsi %min3A_683, %max3A_682 : vector<16xi32>
      %add3A_685 = arith.constant 18 : i32
      %add3A_686 = vector.broadcast %add3A_685 : i32 to vector<16xi32>
      %add3A_687 = arith.addi %mul3A_111, %add3A_686 : vector<16xi32>
      %shift_right_logical3A_688 = arith.constant 7 : i32
      %shift_right_logical3A_689 = vector.broadcast %shift_right_logical3A_688 : i32 to vector<16xi32>
      %shift_right_logical3A_690 = arith.shrui %add3A_687, %shift_right_logical3A_689 : vector<16xi32>
      %and3A_691 = arith.constant 127 : i32
      %and3A_692 = vector.broadcast %and3A_691 : i32 to vector<16xi32>
      %and3A_693 = arith.andi %add3A_687, %and3A_692 : vector<16xi32>
      %mul3A_694 = arith.constant 1024 : i32
      %mul3A_695 = vector.broadcast %mul3A_694 : i32 to vector<16xi32>
      %mul3A_696 = arith.muli %min3A_675, %mul3A_695 : vector<16xi32>
      %add3A_697 = arith.addi %mul3A_696, %min3A_684 : vector<16xi32>
      tpu.vector_store_idx %arg7[%shift_right_logical3A_690, %and3A_693], %add3A_697 : memref<100x128xi32, #tpu.memory_space<vmem>>[vector<16xi32>, vector<16xi32>], vector<16xi32>,
      %add3A_698 = arith.constant 1 : i32
      %add3A_699 = vector.broadcast %add3A_698 : i32 to vector<16xi32>
      %add3A_700 = arith.addi %shift_right_logical3A_101, %add3A_699 : vector<16xi32>
      %jit3A_701 = arith.constant 0 : i32
      %jit3A_702 = arith.constant 1023 : i32
      %max3A_703 = vector.broadcast %jit3A_701 : i32 to vector<16xi32>
      %max3A_704 = arith.maxsi %max3A_703, %add3A_700 : vector<16xi32>
      %min3A_705 = vector.broadcast %jit3A_702 : i32 to vector<16xi32>
      %min3A_706 = arith.minsi %min3A_705, %max3A_704 : vector<16xi32>
      %add3A_707 = arith.constant 2 : i32
      %add3A_708 = vector.broadcast %add3A_707 : i32 to vector<16xi32>
      %add3A_709 = arith.addi %and3A_104, %add3A_708 : vector<16xi32>
      %jit3A_710 = arith.constant 0 : i32
      %jit3A_711 = arith.constant 1023 : i32
      %max3A_712 = vector.broadcast %jit3A_710 : i32 to vector<16xi32>
      %max3A_713 = arith.maxsi %max3A_712, %add3A_709 : vector<16xi32>
      %min3A_714 = vector.broadcast %jit3A_711 : i32 to vector<16xi32>
      %min3A_715 = arith.minsi %min3A_714, %max3A_713 : vector<16xi32>
      %add3A_716 = arith.constant 19 : i32
      %add3A_717 = vector.broadcast %add3A_716 : i32 to vector<16xi32>
      %add3A_718 = arith.addi %mul3A_111, %add3A_717 : vector<16xi32>
      %shift_right_logical3A_719 = arith.constant 7 : i32
      %shift_right_logical3A_720 = vector.broadcast %shift_right_logical3A_719 : i32 to vector<16xi32>
      %shift_right_logical3A_721 = arith.shrui %add3A_718, %shift_right_logical3A_720 : vector<16xi32>
      %and3A_722 = arith.constant 127 : i32
      %and3A_723 = vector.broadcast %and3A_722 : i32 to vector<16xi32>
      %and3A_724 = arith.andi %add3A_718, %and3A_723 : vector<16xi32>
      %mul3A_725 = arith.constant 1024 : i32
      %mul3A_726 = vector.broadcast %mul3A_725 : i32 to vector<16xi32>
      %mul3A_727 = arith.muli %min3A_706, %mul3A_726 : vector<16xi32>
      %add3A_728 = arith.addi %mul3A_727, %min3A_715 : vector<16xi32>
      tpu.vector_store_idx %arg7[%shift_right_logical3A_721, %and3A_724], %add3A_728 : memref<100x128xi32, #tpu.memory_space<vmem>>[vector<16xi32>, vector<16xi32>], vector<16xi32>,
      %add3A_729 = arith.constant 2 : i32
      %add3A_730 = vector.broadcast %add3A_729 : i32 to vector<16xi32>
      %add3A_731 = arith.addi %shift_right_logical3A_101, %add3A_730 : vector<16xi32>
      %jit3A_732 = arith.constant 0 : i32
      %jit3A_733 = arith.constant 1023 : i32
      %max3A_734 = vector.broadcast %jit3A_732 : i32 to vector<16xi32>
      %max3A_735 = arith.maxsi %max3A_734, %add3A_731 : vector<16xi32>
      %min3A_736 = vector.broadcast %jit3A_733 : i32 to vector<16xi32>
      %min3A_737 = arith.minsi %min3A_736, %max3A_735 : vector<16xi32>
      %add3A_738 = arith.constant -2 : i32
      %add3A_739 = vector.broadcast %add3A_738 : i32 to vector<16xi32>
      %add3A_740 = arith.addi %and3A_104, %add3A_739 : vector<16xi32>
      %jit3A_741 = arith.constant 0 : i32
      %jit3A_742 = arith.constant 1023 : i32
      %max3A_743 = vector.broadcast %jit3A_741 : i32 to vector<16xi32>
      %max3A_744 = arith.maxsi %max3A_743, %add3A_740 : vector<16xi32>
      %min3A_745 = vector.broadcast %jit3A_742 : i32 to vector<16xi32>
      %min3A_746 = arith.minsi %min3A_745, %max3A_744 : vector<16xi32>
      %add3A_747 = arith.constant 20 : i32
      %add3A_748 = vector.broadcast %add3A_747 : i32 to vector<16xi32>
      %add3A_749 = arith.addi %mul3A_111, %add3A_748 : vector<16xi32>
      %shift_right_logical3A_750 = arith.constant 7 : i32
      %shift_right_logical3A_751 = vector.broadcast %shift_right_logical3A_750 : i32 to vector<16xi32>
      %shift_right_logical3A_752 = arith.shrui %add3A_749, %shift_right_logical3A_751 : vector<16xi32>
      %and3A_753 = arith.constant 127 : i32
      %and3A_754 = vector.broadcast %and3A_753 : i32 to vector<16xi32>
      %and3A_755 = arith.andi %add3A_749, %and3A_754 : vector<16xi32>
      %mul3A_756 = arith.constant 1024 : i32
      %mul3A_757 = vector.broadcast %mul3A_756 : i32 to vector<16xi32>
      %mul3A_758 = arith.muli %min3A_737, %mul3A_757 : vector<16xi32>
      %add3A_759 = arith.addi %mul3A_758, %min3A_746 : vector<16xi32>
      tpu.vector_store_idx %arg7[%shift_right_logical3A_752, %and3A_755], %add3A_759 : memref<100x128xi32, #tpu.memory_space<vmem>>[vector<16xi32>, vector<16xi32>], vector<16xi32>,
      %add3A_760 = arith.constant 2 : i32
      %add3A_761 = vector.broadcast %add3A_760 : i32 to vector<16xi32>
      %add3A_762 = arith.addi %shift_right_logical3A_101, %add3A_761 : vector<16xi32>
      %jit3A_763 = arith.constant 0 : i32
      %jit3A_764 = arith.constant 1023 : i32
      %max3A_765 = vector.broadcast %jit3A_763 : i32 to vector<16xi32>
      %max3A_766 = arith.maxsi %max3A_765, %add3A_762 : vector<16xi32>
      %min3A_767 = vector.broadcast %jit3A_764 : i32 to vector<16xi32>
      %min3A_768 = arith.minsi %min3A_767, %max3A_766 : vector<16xi32>
      %add3A_769 = arith.constant -1 : i32
      %add3A_770 = vector.broadcast %add3A_769 : i32 to vector<16xi32>
      %add3A_771 = arith.addi %and3A_104, %add3A_770 : vector<16xi32>
      %jit3A_772 = arith.constant 0 : i32
      %jit3A_773 = arith.constant 1023 : i32
      %max3A_774 = vector.broadcast %jit3A_772 : i32 to vector<16xi32>
      %max3A_775 = arith.maxsi %max3A_774, %add3A_771 : vector<16xi32>
      %min3A_776 = vector.broadcast %jit3A_773 : i32 to vector<16xi32>
      %min3A_777 = arith.minsi %min3A_776, %max3A_775 : vector<16xi32>
      %add3A_778 = arith.constant 21 : i32
      %add3A_779 = vector.broadcast %add3A_778 : i32 to vector<16xi32>
      %add3A_780 = arith.addi %mul3A_111, %add3A_779 : vector<16xi32>
      %shift_right_logical3A_781 = arith.constant 7 : i32
      %shift_right_logical3A_782 = vector.broadcast %shift_right_logical3A_781 : i32 to vector<16xi32>
      %shift_right_logical3A_783 = arith.shrui %add3A_780, %shift_right_logical3A_782 : vector<16xi32>
      %and3A_784 = arith.constant 127 : i32
      %and3A_785 = vector.broadcast %and3A_784 : i32 to vector<16xi32>
      %and3A_786 = arith.andi %add3A_780, %and3A_785 : vector<16xi32>
      %mul3A_787 = arith.constant 1024 : i32
      %mul3A_788 = vector.broadcast %mul3A_787 : i32 to vector<16xi32>
      %mul3A_789 = arith.muli %min3A_768, %mul3A_788 : vector<16xi32>
      %add3A_790 = arith.addi %mul3A_789, %min3A_777 : vector<16xi32>
      tpu.vector_store_idx %arg7[%shift_right_logical3A_783, %and3A_786], %add3A_790 : memref<100x128xi32, #tpu.memory_space<vmem>>[vector<16xi32>, vector<16xi32>], vector<16xi32>,
      %add3A_791 = arith.constant 2 : i32
      %add3A_792 = vector.broadcast %add3A_791 : i32 to vector<16xi32>
      %add3A_793 = arith.addi %shift_right_logical3A_101, %add3A_792 : vector<16xi32>
      %jit3A_794 = arith.constant 0 : i32
      %jit3A_795 = arith.constant 1023 : i32
      %max3A_796 = vector.broadcast %jit3A_794 : i32 to vector<16xi32>
      %max3A_797 = arith.maxsi %max3A_796, %add3A_793 : vector<16xi32>
      %min3A_798 = vector.broadcast %jit3A_795 : i32 to vector<16xi32>
      %min3A_799 = arith.minsi %min3A_798, %max3A_797 : vector<16xi32>
      %add3A_800 = arith.constant 0 : i32
      %add3A_801 = vector.broadcast %add3A_800 : i32 to vector<16xi32>
      %add3A_802 = arith.addi %and3A_104, %add3A_801 : vector<16xi32>
      %jit3A_803 = arith.constant 0 : i32
      %jit3A_804 = arith.constant 1023 : i32
      %max3A_805 = vector.broadcast %jit3A_803 : i32 to vector<16xi32>
      %max3A_806 = arith.maxsi %max3A_805, %add3A_802 : vector<16xi32>
      %min3A_807 = vector.broadcast %jit3A_804 : i32 to vector<16xi32>
      %min3A_808 = arith.minsi %min3A_807, %max3A_806 : vector<16xi32>
      %add3A_809 = arith.constant 22 : i32
      %add3A_810 = vector.broadcast %add3A_809 : i32 to vector<16xi32>
      %add3A_811 = arith.addi %mul3A_111, %add3A_810 : vector<16xi32>
      %shift_right_logical3A_812 = arith.constant 7 : i32
      %shift_right_logical3A_813 = vector.broadcast %shift_right_logical3A_812 : i32 to vector<16xi32>
      %shift_right_logical3A_814 = arith.shrui %add3A_811, %shift_right_logical3A_813 : vector<16xi32>
      %and3A_815 = arith.constant 127 : i32
      %and3A_816 = vector.broadcast %and3A_815 : i32 to vector<16xi32>
      %and3A_817 = arith.andi %add3A_811, %and3A_816 : vector<16xi32>
      %mul3A_818 = arith.constant 1024 : i32
      %mul3A_819 = vector.broadcast %mul3A_818 : i32 to vector<16xi32>
      %mul3A_820 = arith.muli %min3A_799, %mul3A_819 : vector<16xi32>
      %add3A_821 = arith.addi %mul3A_820, %min3A_808 : vector<16xi32>
      tpu.vector_store_idx %arg7[%shift_right_logical3A_814, %and3A_817], %add3A_821 : memref<100x128xi32, #tpu.memory_space<vmem>>[vector<16xi32>, vector<16xi32>], vector<16xi32>,
      %add3A_822 = arith.constant 2 : i32
      %add3A_823 = vector.broadcast %add3A_822 : i32 to vector<16xi32>
      %add3A_824 = arith.addi %shift_right_logical3A_101, %add3A_823 : vector<16xi32>
      %jit3A_825 = arith.constant 0 : i32
      %jit3A_826 = arith.constant 1023 : i32
      %max3A_827 = vector.broadcast %jit3A_825 : i32 to vector<16xi32>
      %max3A_828 = arith.maxsi %max3A_827, %add3A_824 : vector<16xi32>
      %min3A_829 = vector.broadcast %jit3A_826 : i32 to vector<16xi32>
      %min3A_830 = arith.minsi %min3A_829, %max3A_828 : vector<16xi32>
      %add3A_831 = arith.constant 1 : i32
      %add3A_832 = vector.broadcast %add3A_831 : i32 to vector<16xi32>
      %add3A_833 = arith.addi %and3A_104, %add3A_832 : vector<16xi32>
      %jit3A_834 = arith.constant 0 : i32
      %jit3A_835 = arith.constant 1023 : i32
      %max3A_836 = vector.broadcast %jit3A_834 : i32 to vector<16xi32>
      %max3A_837 = arith.maxsi %max3A_836, %add3A_833 : vector<16xi32>
      %min3A_838 = vector.broadcast %jit3A_835 : i32 to vector<16xi32>
      %min3A_839 = arith.minsi %min3A_838, %max3A_837 : vector<16xi32>
      %add3A_840 = arith.constant 23 : i32
      %add3A_841 = vector.broadcast %add3A_840 : i32 to vector<16xi32>
      %add3A_842 = arith.addi %mul3A_111, %add3A_841 : vector<16xi32>
      %shift_right_logical3A_843 = arith.constant 7 : i32
      %shift_right_logical3A_844 = vector.broadcast %shift_right_logical3A_843 : i32 to vector<16xi32>
      %shift_right_logical3A_845 = arith.shrui %add3A_842, %shift_right_logical3A_844 : vector<16xi32>
      %and3A_846 = arith.constant 127 : i32
      %and3A_847 = vector.broadcast %and3A_846 : i32 to vector<16xi32>
      %and3A_848 = arith.andi %add3A_842, %and3A_847 : vector<16xi32>
      %mul3A_849 = arith.constant 1024 : i32
      %mul3A_850 = vector.broadcast %mul3A_849 : i32 to vector<16xi32>
      %mul3A_851 = arith.muli %min3A_830, %mul3A_850 : vector<16xi32>
      %add3A_852 = arith.addi %mul3A_851, %min3A_839 : vector<16xi32>
      tpu.vector_store_idx %arg7[%shift_right_logical3A_845, %and3A_848], %add3A_852 : memref<100x128xi32, #tpu.memory_space<vmem>>[vector<16xi32>, vector<16xi32>], vector<16xi32>,
      %add3A_853 = arith.constant 2 : i32
      %add3A_854 = vector.broadcast %add3A_853 : i32 to vector<16xi32>
      %add3A_855 = arith.addi %shift_right_logical3A_101, %add3A_854 : vector<16xi32>
      %jit3A_856 = arith.constant 0 : i32
      %jit3A_857 = arith.constant 1023 : i32
      %max3A_858 = vector.broadcast %jit3A_856 : i32 to vector<16xi32>
      %max3A_859 = arith.maxsi %max3A_858, %add3A_855 : vector<16xi32>
      %min3A_860 = vector.broadcast %jit3A_857 : i32 to vector<16xi32>
      %min3A_861 = arith.minsi %min3A_860, %max3A_859 : vector<16xi32>
      %add3A_862 = arith.constant 2 : i32
      %add3A_863 = vector.broadcast %add3A_862 : i32 to vector<16xi32>
      %add3A_864 = arith.addi %and3A_104, %add3A_863 : vector<16xi32>
      %jit3A_865 = arith.constant 0 : i32
      %jit3A_866 = arith.constant 1023 : i32
      %max3A_867 = vector.broadcast %jit3A_865 : i32 to vector<16xi32>
      %max3A_868 = arith.maxsi %max3A_867, %add3A_864 : vector<16xi32>
      %min3A_869 = vector.broadcast %jit3A_866 : i32 to vector<16xi32>
      %min3A_870 = arith.minsi %min3A_869, %max3A_868 : vector<16xi32>
      %add3A_871 = arith.constant 24 : i32
      %add3A_872 = vector.broadcast %add3A_871 : i32 to vector<16xi32>
      %add3A_873 = arith.addi %mul3A_111, %add3A_872 : vector<16xi32>
      %shift_right_logical3A_874 = arith.constant 7 : i32
      %shift_right_logical3A_875 = vector.broadcast %shift_right_logical3A_874 : i32 to vector<16xi32>
      %shift_right_logical3A_876 = arith.shrui %add3A_873, %shift_right_logical3A_875 : vector<16xi32>
      %and3A_877 = arith.constant 127 : i32
      %and3A_878 = vector.broadcast %and3A_877 : i32 to vector<16xi32>
      %and3A_879 = arith.andi %add3A_873, %and3A_878 : vector<16xi32>
      %mul3A_880 = arith.constant 1024 : i32
      %mul3A_881 = vector.broadcast %mul3A_880 : i32 to vector<16xi32>
      %mul3A_882 = arith.muli %min3A_861, %mul3A_881 : vector<16xi32>
      %add3A_883 = arith.addi %mul3A_882, %min3A_870 : vector<16xi32>
      tpu.vector_store_idx %arg7[%shift_right_logical3A_876, %and3A_879], %add3A_883 : memref<100x128xi32, #tpu.memory_space<vmem>>[vector<16xi32>, vector<16xi32>], vector<16xi32>,
    }
    %scan3A_9 = arith.constant 32 : i32
    %dma_start3A = arith.constant 0 : i32
    %dma_start3A_10 = arith.constant 0 : i32
    %dma_start3A_11 = arith.constant 0 : i32
    %dma_start3A_12 = tpu.memref_slice %arg8[%dma_start3A_10, %dma_start3A_11] : memref<100x128xi32, #tpu.memory_space<vmem>> -> memref<1x128xi32, #tpu.memory_space<vmem>>
    %dma_start3A_13 = tpu.memref_squeeze %dma_start3A_12 : memref<1x128xi32, #tpu.memory_space<vmem>> -> memref<128xi32, #tpu.memory_space<vmem>>
    %dma_start3A_14 = arith.constant 0 : i32
    %dma_start3A_15 = tpu.memref_slice %arg7[%dma_start3A, %dma_start3A_14] : memref<100x128xi32, #tpu.memory_space<vmem>> -> memref<1x128xi32, #tpu.memory_space<vmem>>
    %dma_start3A_16 = tpu.memref_squeeze %dma_start3A_15 : memref<1x128xi32, #tpu.memory_space<vmem>> -> memref<128xi32, #tpu.memory_space<vmem>>
    %dma_start3A_17 = arith.constant 0 : i32
    %dma_start3A_18 = tpu.memref_slice %arg3[%dma_start3A_17] : memref<1048576xi32, #tpu.memory_space<hbm>> -> memref<1048576xi32, #tpu.memory_space<hbm>>
    tpu.enqueue_indirect_dma source(%dma_start3A_18 : memref<1048576xi32, #tpu.memory_space<hbm>>) target(%dma_start3A_13 : memref<128xi32, #tpu.memory_space<vmem>>) offsets(%dma_start3A_16 : memref<128xi32, #tpu.memory_space<vmem>>) semaphore(%arg15 : memref<!tpu.dma_semaphore, #tpu.memory_space<semaphore_mem>>)
    %dma_start3A_19 = arith.constant 1 : i32
    %dma_start3A_20 = arith.constant 1 : i32
    %dma_start3A_21 = arith.constant 0 : i32
    %dma_start3A_22 = tpu.memref_slice %arg8[%dma_start3A_20, %dma_start3A_21] : memref<100x128xi32, #tpu.memory_space<vmem>> -> memref<1x128xi32, #tpu.memory_space<vmem>>
    %dma_start3A_23 = tpu.memref_squeeze %dma_start3A_22 : memref<1x128xi32, #tpu.memory_space<vmem>> -> memref<128xi32, #tpu.memory_space<vmem>>
    %dma_start3A_24 = arith.constant 0 : i32
    %dma_start3A_25 = tpu.memref_slice %arg7[%dma_start3A_19, %dma_start3A_24] : memref<100x128xi32, #tpu.memory_space<vmem>> -> memref<1x128xi32, #tpu.memory_space<vmem>>
    %dma_start3A_26 = tpu.memref_squeeze %dma_start3A_25 : memref<1x128xi32, #tpu.memory_space<vmem>> -> memref<128xi32, #tpu.memory_space<vmem>>
    %dma_start3A_27 = arith.constant 0 : i32
    %dma_start3A_28 = tpu.memref_slice %arg3[%dma_start3A_27] : memref<1048576xi32, #tpu.memory_space<hbm>> -> memref<1048576xi32, #tpu.memory_space<hbm>>
    tpu.enqueue_indirect_dma source(%dma_start3A_28 : memref<1048576xi32, #tpu.memory_space<hbm>>) target(%dma_start3A_23 : memref<128xi32, #tpu.memory_space<vmem>>) offsets(%dma_start3A_26 : memref<128xi32, #tpu.memory_space<vmem>>) semaphore(%arg16 : memref<!tpu.dma_semaphore, #tpu.memory_space<semaphore_mem>>)
    %scan3A_29 = arith.constant 0 : i32
    %scan3A_30 = arith.constant 0 : i32
    %scan3A_31 = arith.constant 50 : i32
    %scan3A_32 = arith.addi %scan3A_30, %scan3A_31 : i32
    %scan3A_33 = arith.constant 1 : i32
    scf.for %scan3A_94 = %scan3A_30 to %scan3A_32 step %scan3A_33  : i32 {
      %mul3A_95 = arith.constant 2 : i32
      %mul3A_96 = arith.muli %scan3A_94, %mul3A_95 : i32
      %add3A_97 = arith.constant 0 : i32
      %add3A_98 = arith.addi %mul3A_96, %add3A_97 : i32
      %dma_wait3A = arith.constant 0 : i32
      %dma_wait3A_99 = tpu.memref_slice %arg8[%add3A_98, %dma_wait3A] : memref<100x128xi32, #tpu.memory_space<vmem>> -> memref<1x128xi32, #tpu.memory_space<vmem>>
      %dma_wait3A_100 = tpu.memref_squeeze %dma_wait3A_99 : memref<1x128xi32, #tpu.memory_space<vmem>> -> memref<128xi32, #tpu.memory_space<vmem>>
      %dma_wait3A_101 = arith.constant 0 : i32
      %dma_wait3A_102 = tpu.memref_slice %arg7[%add3A_98, %dma_wait3A_101] : memref<100x128xi32, #tpu.memory_space<vmem>> -> memref<1x128xi32, #tpu.memory_space<vmem>>
      %dma_wait3A_103 = tpu.memref_squeeze %dma_wait3A_102 : memref<1x128xi32, #tpu.memory_space<vmem>> -> memref<128xi32, #tpu.memory_space<vmem>>
      %dma_wait3A_104 = arith.constant 0 : i32
      %dma_wait3A_105 = tpu.memref_slice %arg3[%dma_wait3A_104] : memref<1048576xi32, #tpu.memory_space<hbm>> -> memref<1048576xi32, #tpu.memory_space<hbm>>
      tpu.wait_indirect_dma semaphore(%arg15 : memref<!tpu.dma_semaphore, #tpu.memory_space<semaphore_mem>>) src(%dma_wait3A_105 : memref<1048576xi32, #tpu.memory_space<hbm>>) dst(%dma_wait3A_100 : memref<128xi32, #tpu.memory_space<vmem>>)
      %add3A_106 = arith.constant 2 : i32
      %add3A_107 = arith.addi %add3A_98, %add3A_106 : i32
      %lt3A_108 = arith.constant 100 : i32
      %lt3A_109 = arith.cmpi slt, %add3A_107, %lt3A_108 : i32
      %convert_element_type3A = arith.extui %lt3A_109 : i1 to i32
      %cond3A = arith.constant 0 : i32
      %cond3A_110 = arith.cmpi ne, %convert_element_type3A, %cond3A : i32
      scf.if %cond3A_110 {
        %dma_start3A_130 = arith.constant 0 : i32
        %dma_start3A_131 = tpu.memref_slice %arg8[%add3A_107, %dma_start3A_130] : memref<100x128xi32, #tpu.memory_space<vmem>> -> memref<1x128xi32, #tpu.memory_space<vmem>>
        %dma_start3A_132 = tpu.memref_squeeze %dma_start3A_131 : memref<1x128xi32, #tpu.memory_space<vmem>> -> memref<128xi32, #tpu.memory_space<vmem>>
        %dma_start3A_133 = arith.constant 0 : i32
        %dma_start3A_134 = tpu.memref_slice %arg7[%add3A_107, %dma_start3A_133] : memref<100x128xi32, #tpu.memory_space<vmem>> -> memref<1x128xi32, #tpu.memory_space<vmem>>
        %dma_start3A_135 = tpu.memref_squeeze %dma_start3A_134 : memref<1x128xi32, #tpu.memory_space<vmem>> -> memref<128xi32, #tpu.memory_space<vmem>>
        %dma_start3A_136 = arith.constant 0 : i32
        %dma_start3A_137 = tpu.memref_slice %arg3[%dma_start3A_136] : memref<1048576xi32, #tpu.memory_space<hbm>> -> memref<1048576xi32, #tpu.memory_space<hbm>>
        tpu.enqueue_indirect_dma source(%dma_start3A_137 : memref<1048576xi32, #tpu.memory_space<hbm>>) target(%dma_start3A_132 : memref<128xi32, #tpu.memory_space<vmem>>) offsets(%dma_start3A_135 : memref<128xi32, #tpu.memory_space<vmem>>) semaphore(%arg15 : memref<!tpu.dma_semaphore, #tpu.memory_space<semaphore_mem>>)
      } else {
      }
      %mul3A_111 = arith.constant 2 : i32
      %mul3A_112 = arith.muli %scan3A_94, %mul3A_111 : i32
      %add3A_113 = arith.constant 1 : i32
      %add3A_114 = arith.addi %mul3A_112, %add3A_113 : i32
      %dma_wait3A_115 = arith.constant 0 : i32
      %dma_wait3A_116 = tpu.memref_slice %arg8[%add3A_114, %dma_wait3A_115] : memref<100x128xi32, #tpu.memory_space<vmem>> -> memref<1x128xi32, #tpu.memory_space<vmem>>
      %dma_wait3A_117 = tpu.memref_squeeze %dma_wait3A_116 : memref<1x128xi32, #tpu.memory_space<vmem>> -> memref<128xi32, #tpu.memory_space<vmem>>
      %dma_wait3A_118 = arith.constant 0 : i32
      %dma_wait3A_119 = tpu.memref_slice %arg7[%add3A_114, %dma_wait3A_118] : memref<100x128xi32, #tpu.memory_space<vmem>> -> memref<1x128xi32, #tpu.memory_space<vmem>>
      %dma_wait3A_120 = tpu.memref_squeeze %dma_wait3A_119 : memref<1x128xi32, #tpu.memory_space<vmem>> -> memref<128xi32, #tpu.memory_space<vmem>>
      %dma_wait3A_121 = arith.constant 0 : i32
      %dma_wait3A_122 = tpu.memref_slice %arg3[%dma_wait3A_121] : memref<1048576xi32, #tpu.memory_space<hbm>> -> memref<1048576xi32, #tpu.memory_space<hbm>>
      tpu.wait_indirect_dma semaphore(%arg16 : memref<!tpu.dma_semaphore, #tpu.memory_space<semaphore_mem>>) src(%dma_wait3A_122 : memref<1048576xi32, #tpu.memory_space<hbm>>) dst(%dma_wait3A_117 : memref<128xi32, #tpu.memory_space<vmem>>)
      %add3A_123 = arith.constant 2 : i32
      %add3A_124 = arith.addi %add3A_114, %add3A_123 : i32
      %lt3A_125 = arith.constant 100 : i32
      %lt3A_126 = arith.cmpi slt, %add3A_124, %lt3A_125 : i32
      %convert_element_type3A_127 = arith.extui %lt3A_126 : i1 to i32
      %cond3A_128 = arith.constant 0 : i32
      %cond3A_129 = arith.cmpi ne, %convert_element_type3A_127, %cond3A_128 : i32
      scf.if %cond3A_129 {
        %dma_start3A_130 = arith.constant 0 : i32
        %dma_start3A_131 = tpu.memref_slice %arg8[%add3A_124, %dma_start3A_130] : memref<100x128xi32, #tpu.memory_space<vmem>> -> memref<1x128xi32, #tpu.memory_space<vmem>>
        %dma_start3A_132 = tpu.memref_squeeze %dma_start3A_131 : memref<1x128xi32, #tpu.memory_space<vmem>> -> memref<128xi32, #tpu.memory_space<vmem>>
        %dma_start3A_133 = arith.constant 0 : i32
        %dma_start3A_134 = tpu.memref_slice %arg7[%add3A_124, %dma_start3A_133] : memref<100x128xi32, #tpu.memory_space<vmem>> -> memref<1x128xi32, #tpu.memory_space<vmem>>
        %dma_start3A_135 = tpu.memref_squeeze %dma_start3A_134 : memref<1x128xi32, #tpu.memory_space<vmem>> -> memref<128xi32, #tpu.memory_space<vmem>>
        %dma_start3A_136 = arith.constant 0 : i32
        %dma_start3A_137 = tpu.memref_slice %arg3[%dma_start3A_136] : memref<1048576xi32, #tpu.memory_space<hbm>> -> memref<1048576xi32, #tpu.memory_space<hbm>>
        tpu.enqueue_indirect_dma source(%dma_start3A_137 : memref<1048576xi32, #tpu.memory_space<hbm>>) target(%dma_start3A_132 : memref<128xi32, #tpu.memory_space<vmem>>) offsets(%dma_start3A_135 : memref<128xi32, #tpu.memory_space<vmem>>) semaphore(%arg16 : memref<!tpu.dma_semaphore, #tpu.memory_space<semaphore_mem>>)
      } else {
      }
    }
    %scan3A_34 = arith.constant 50 : i32
    %broadcast_in_dim3A = arith.constant 0.000000e+00 : f32
    %broadcast_in_dim3A_35 = vector.broadcast %broadcast_in_dim3A : f32 to vector<16xf32>
    %scan3A_36 = arith.constant 0 : i32
    %scan3A_37 = arith.constant 0 : i32
    %scan3A_38 = arith.constant 512 : i32
    %scan3A_39 = arith.addi %scan3A_37, %scan3A_38 : i32
    %scan3A_40 = arith.constant 1 : i32
    scf.for %scan3A_94 = %scan3A_37 to %scan3A_39 step %scan3A_40  : i32 {
      %shift_right_logical3A_95 = arith.constant 2 : i32
      %shift_right_logical3A_96 = arith.shrui %scan3A_94, %shift_right_logical3A_95 : i32
      %and3A_97 = arith.constant 3 : i32
      %and3A_98 = arith.andi %scan3A_94, %and3A_97 : i32
      %mul3A_99 = arith.constant 16 : i32
      %mul3A_100 = arith.muli %and3A_98, %mul3A_99 : i32
      %swap3A = arith.index_cast %shift_right_logical3A_96 : i32 to index
      %swap3A_101 = arith.index_cast %mul3A_100 : i32 to index
      %swap3A_102 = tpu.vector_load %arg11[%swap3A, %swap3A_101] {strides = array<i32>} : memref<128x64xf32, #tpu.memory_space<vmem>>, vector<16xf32>,
      tpu.vector_store %arg11[%swap3A, %swap3A_101], %broadcast_in_dim3A_35 {strides = array<i32>} : memref<128x64xf32, #tpu.memory_space<vmem>>, vector<16xf32>,
    }
    %scan3A_41 = arith.constant 512 : i32
    %add3A_42 = arith.constant 0 : i32
    %add3A_43 = arith.addi %mul3A_4, %add3A_42 : i32
    %dma_start3A_44 = arith.constant 0 : i32
    %dma_start3A_45 = tpu.memref_slice %arg5[%add3A_43, %dma_start3A_44] : memref<409600x64xf32, #tpu.memory_space<hbm>> -> memref<128x64xf32, #tpu.memory_space<hbm>>
    %dma_start3A_46 = arith.constant 0 : i32
    %dma_start3A_47 = tpu.memref_slice %arg5[%add3A_43, %dma_start3A_46] : memref<409600x64xf32, #tpu.memory_space<hbm>> -> memref<128x64xf32, #tpu.memory_space<hbm>>
    tpu.enqueue_dma source(%arg11 : memref<128x64xf32, #tpu.memory_space<vmem>>) target(%dma_start3A_47 : memref<128x64xf32, #tpu.memory_space<hbm>>) target_semaphore(%arg15 : memref<!tpu.dma_semaphore, #tpu.memory_space<semaphore_mem>>)
    %add3A_48 = arith.constant 128 : i32
    %add3A_49 = arith.addi %mul3A_4, %add3A_48 : i32
    %dma_start3A_50 = arith.constant 0 : i32
    %dma_start3A_51 = tpu.memref_slice %arg5[%add3A_49, %dma_start3A_50] : memref<409600x64xf32, #tpu.memory_space<hbm>> -> memref<128x64xf32, #tpu.memory_space<hbm>>
    %dma_start3A_52 = arith.constant 0 : i32
    %dma_start3A_53 = tpu.memref_slice %arg5[%add3A_49, %dma_start3A_52] : memref<409600x64xf32, #tpu.memory_space<hbm>> -> memref<128x64xf32, #tpu.memory_space<hbm>>
    tpu.enqueue_dma source(%arg11 : memref<128x64xf32, #tpu.memory_space<vmem>>) target(%dma_start3A_53 : memref<128x64xf32, #tpu.memory_space<hbm>>) target_semaphore(%arg16 : memref<!tpu.dma_semaphore, #tpu.memory_space<semaphore_mem>>)
    %scan3A_54 = arith.constant 0 : i32
    %scan3A_55 = arith.constant 0 : i32
    %scan3A_56 = arith.constant 50 : i32
    %scan3A_57 = arith.addi %scan3A_55, %scan3A_56 : i32
    %scan3A_58 = arith.constant 1 : i32
    %scan3A_59 = scf.for %scan3A_94 = %scan3A_55 to %scan3A_57 step %scan3A_58 iter_args(%scan3A_95 = %scan3A_54) -> (i32)  : i32 {
      %mul3A_96 = arith.constant 2 : i32
      %mul3A_97 = arith.muli %scan3A_94, %mul3A_96 : i32
      %add3A_98 = arith.constant 0 : i32
      %add3A_99 = arith.addi %mul3A_97, %add3A_98 : i32
      %mul3A_100 = arith.constant 16 : i32
      %mul3A_101 = arith.muli %scan3A_94, %mul3A_100 : i32
      %add3A_102 = arith.constant 0 : i32
      %add3A_103 = arith.addi %mul3A_101, %add3A_102 : i32
      %add3A_104 = arith.constant 0 : i32
      %add3A_105 = arith.addi %add3A_103, %add3A_104 : i32
      %shift_right_logical3A_106 = arith.constant 3 : i32
      %shift_right_logical3A_107 = arith.shrui %add3A_105, %shift_right_logical3A_106 : i32
      %and3A_108 = arith.constant 7 : i32
      %and3A_109 = arith.andi %add3A_105, %and3A_108 : i32
      %mul3A_110 = arith.constant 16 : i32
      %mul3A_111 = arith.muli %and3A_109, %mul3A_110 : i32
      %get3A_112 = arith.index_cast %shift_right_logical3A_107 : i32 to index
      %get3A_113 = arith.index_cast %mul3A_111 : i32 to index
      %get3A_114 = tpu.vector_load %arg8[%get3A_112, %get3A_113] {strides = array<i32>} : memref<100x128xi32, #tpu.memory_space<vmem>>, vector<16xi32>,
      %mul3A_115 = arith.constant 16 : i32
      %mul3A_116 = arith.muli %add3A_105, %mul3A_115 : i32
      %add3A_117 = arith.addi %mul3A_4, %mul3A_116 : i32
      %add3A_118 = vector.broadcast %add3A_117 : i32 to vector<16xi32>
      %add3A_119 = arith.addi %add3A_118, %iota3A : vector<16xi32>
      %lt3A_120 = arith.constant 16384 : i32
      %lt3A_121 = vector.broadcast %lt3A_120 : i32 to vector<16xi32>
      %lt3A_122 = arith.cmpi slt, %get3A_114, %lt3A_121 : vector<16xi32>
      %convert_element_type3A = arith.extui %lt3A_122 : vector<16xi1> to vector<16xi32>
      %broadcast_in_dim3A_123 = arith.constant true
      %broadcast_in_dim3A_124 = vector.broadcast %broadcast_in_dim3A_123 : i1 to vector<16xi1>
      %masked_cumsum3A = tpu.scan <sum>, %convert_element_type3A masked %broadcast_in_dim3A_124 : vector<16xi32>, vector<16xi1> -> vector<16xi32>
      %add3A_125 = vector.broadcast %scan3A_95 : i32 to vector<16xi32>
      %add3A_126 = arith.addi %add3A_125, %masked_cumsum3A : vector<16xi32>
      %sub3A_127 = arith.constant 1 : i32
      %sub3A_128 = vector.broadcast %sub3A_127 : i32 to vector<16xi32>
      %sub3A_129 = arith.subi %add3A_126, %sub3A_128 : vector<16xi32>
      tpu.vector_store_idx %arg9[%sub3A_129], %get3A_114 masked %lt3A_122 : memref<12816xi32, #tpu.memory_space<vmem>>[vector<16xi32>], vector<16xi32>, vector<16xi1>
      tpu.vector_store_idx %arg10[%sub3A_129], %add3A_119 masked %lt3A_122 : memref<12816xi32, #tpu.memory_space<vmem>>[vector<16xi32>], vector<16xi32>, vector<16xi1>
      %reduce_max3A = arith.constant true
      %reduce_max3A_130 = vector.broadcast %reduce_max3A : i1 to vector<16xi1>
      %reduce_max3A_131 = arith.constant -2147483648 : i32
      %reduce_max3A_132 = vector.broadcast %reduce_max3A_131 : i32 to vector<16xi32>
      %reduce_max3A_133 = arith.xori %masked_cumsum3A, %reduce_max3A_132 : vector<16xi32>
      %reduce_max3A_134 = tpu.scan <max>, %reduce_max3A_133 masked %reduce_max3A_130 : vector<16xi32>, vector<16xi1> -> vector<16xi32>
      %reduce_max3A_135 = arith.xori %reduce_max3A_134, %reduce_max3A_132 : vector<16xi32>
      %reduce_max3A_136 = vector.extract %reduce_max3A_135[15] : i32 from vector<16xi32>
      %add3A_137 = arith.addi %scan3A_95, %reduce_max3A_136 : i32
      %mul3A_138 = arith.constant 16 : i32
      %mul3A_139 = arith.muli %scan3A_94, %mul3A_138 : i32
      %add3A_140 = arith.constant 0 : i32
      %add3A_141 = arith.addi %mul3A_139, %add3A_140 : i32
      %add3A_142 = arith.constant 1 : i32
      %add3A_143 = arith.addi %add3A_141, %add3A_142 : i32
      %shift_right_logical3A_144 = arith.constant 3 : i32
      %shift_right_logical3A_145 = arith.shrui %add3A_143, %shift_right_logical3A_144 : i32
      %and3A_146 = arith.constant 7 : i32
      %and3A_147 = arith.andi %add3A_143, %and3A_146 : i32
      %mul3A_148 = arith.constant 16 : i32
      %mul3A_149 = arith.muli %and3A_147, %mul3A_148 : i32
      %get3A_150 = arith.index_cast %shift_right_logical3A_145 : i32 to index
      %get3A_151 = arith.index_cast %mul3A_149 : i32 to index
      %get3A_152 = tpu.vector_load %arg8[%get3A_150, %get3A_151] {strides = array<i32>} : memref<100x128xi32, #tpu.memory_space<vmem>>, vector<16xi32>,
      %mul3A_153 = arith.constant 16 : i32
      %mul3A_154 = arith.muli %add3A_143, %mul3A_153 : i32
      %add3A_155 = arith.addi %mul3A_4, %mul3A_154 : i32
      %add3A_156 = vector.broadcast %add3A_155 : i32 to vector<16xi32>
      %add3A_157 = arith.addi %add3A_156, %iota3A : vector<16xi32>
      %lt3A_158 = arith.constant 16384 : i32
      %lt3A_159 = vector.broadcast %lt3A_158 : i32 to vector<16xi32>
      %lt3A_160 = arith.cmpi slt, %get3A_152, %lt3A_159 : vector<16xi32>
      %convert_element_type3A_161 = arith.extui %lt3A_160 : vector<16xi1> to vector<16xi32>
      %broadcast_in_dim3A_162 = arith.constant true
      %broadcast_in_dim3A_163 = vector.broadcast %broadcast_in_dim3A_162 : i1 to vector<16xi1>
      %masked_cumsum3A_164 = tpu.scan <sum>, %convert_element_type3A_161 masked %broadcast_in_dim3A_163 : vector<16xi32>, vector<16xi1> -> vector<16xi32>
      %add3A_165 = vector.broadcast %add3A_137 : i32 to vector<16xi32>
      %add3A_166 = arith.addi %add3A_165, %masked_cumsum3A_164 : vector<16xi32>
      %sub3A_167 = arith.constant 1 : i32
      %sub3A_168 = vector.broadcast %sub3A_167 : i32 to vector<16xi32>
      %sub3A_169 = arith.subi %add3A_166, %sub3A_168 : vector<16xi32>
      tpu.vector_store_idx %arg9[%sub3A_169], %get3A_152 masked %lt3A_160 : memref<12816xi32, #tpu.memory_space<vmem>>[vector<16xi32>], vector<16xi32>, vector<16xi1>
      tpu.vector_store_idx %arg10[%sub3A_169], %add3A_157 masked %lt3A_160 : memref<12816xi32, #tpu.memory_space<vmem>>[vector<16xi32>], vector<16xi32>, vector<16xi1>
      %reduce_max3A_170 = arith.constant true
      %reduce_max3A_171 = vector.broadcast %reduce_max3A_170 : i1 to vector<16xi1>
      %reduce_max3A_172 = arith.constant -2147483648 : i32
      %reduce_max3A_173 = vector.broadcast %reduce_max3A_172 : i32 to vector<16xi32>
      %reduce_max3A_174 = arith.xori %masked_cumsum3A_164, %reduce_max3A_173 : vector<16xi32>
      %reduce_max3A_175 = tpu.scan <max>, %reduce_max3A_174 masked %reduce_max3A_171 : vector<16xi32>, vector<16xi1> -> vector<16xi32>
      %reduce_max3A_176 = arith.xori %reduce_max3A_175, %reduce_max3A_173 : vector<16xi32>
      %reduce_max3A_177 = vector.extract %reduce_max3A_176[15] : i32 from vector<16xi32>
      %add3A_178 = arith.addi %add3A_137, %reduce_max3A_177 : i32
      %mul3A_179 = arith.constant 16 : i32
      %mul3A_180 = arith.muli %scan3A_94, %mul3A_179 : i32
      %add3A_181 = arith.constant 0 : i32
      %add3A_182 = arith.addi %mul3A_180, %add3A_181 : i32
      %add3A_183 = arith.constant 2 : i32
      %add3A_184 = arith.addi %add3A_182, %add3A_183 : i32
      %shift_right_logical3A_185 = arith.constant 3 : i32
      %shift_right_logical3A_186 = arith.shrui %add3A_184, %shift_right_logical3A_185 : i32
      %and3A_187 = arith.constant 7 : i32
      %and3A_188 = arith.andi %add3A_184, %and3A_187 : i32
      %mul3A_189 = arith.constant 16 : i32
      %mul3A_190 = arith.muli %and3A_188, %mul3A_189 : i32
      %get3A_191 = arith.index_cast %shift_right_logical3A_186 : i32 to index
      %get3A_192 = arith.index_cast %mul3A_190 : i32 to index
      %get3A_193 = tpu.vector_load %arg8[%get3A_191, %get3A_192] {strides = array<i32>} : memref<100x128xi32, #tpu.memory_space<vmem>>, vector<16xi32>,
      %mul3A_194 = arith.constant 16 : i32
      %mul3A_195 = arith.muli %add3A_184, %mul3A_194 : i32
      %add3A_196 = arith.addi %mul3A_4, %mul3A_195 : i32
      %add3A_197 = vector.broadcast %add3A_196 : i32 to vector<16xi32>
      %add3A_198 = arith.addi %add3A_197, %iota3A : vector<16xi32>
      %lt3A_199 = arith.constant 16384 : i32
      %lt3A_200 = vector.broadcast %lt3A_199 : i32 to vector<16xi32>
      %lt3A_201 = arith.cmpi slt, %get3A_193, %lt3A_200 : vector<16xi32>
      %convert_element_type3A_202 = arith.extui %lt3A_201 : vector<16xi1> to vector<16xi32>
      %broadcast_in_dim3A_203 = arith.constant true
      %broadcast_in_dim3A_204 = vector.broadcast %broadcast_in_dim3A_203 : i1 to vector<16xi1>
      %masked_cumsum3A_205 = tpu.scan <sum>, %convert_element_type3A_202 masked %broadcast_in_dim3A_204 : vector<16xi32>, vector<16xi1> -> vector<16xi32>
      %add3A_206 = vector.broadcast %add3A_178 : i32 to vector<16xi32>
      %add3A_207 = arith.addi %add3A_206, %masked_cumsum3A_205 : vector<16xi32>
      %sub3A_208 = arith.constant 1 : i32
      %sub3A_209 = vector.broadcast %sub3A_208 : i32 to vector<16xi32>
      %sub3A_210 = arith.subi %add3A_207, %sub3A_209 : vector<16xi32>
      tpu.vector_store_idx %arg9[%sub3A_210], %get3A_193 masked %lt3A_201 : memref<12816xi32, #tpu.memory_space<vmem>>[vector<16xi32>], vector<16xi32>, vector<16xi1>
      tpu.vector_store_idx %arg10[%sub3A_210], %add3A_198 masked %lt3A_201 : memref<12816xi32, #tpu.memory_space<vmem>>[vector<16xi32>], vector<16xi32>, vector<16xi1>
      %reduce_max3A_211 = arith.constant true
      %reduce_max3A_212 = vector.broadcast %reduce_max3A_211 : i1 to vector<16xi1>
      %reduce_max3A_213 = arith.constant -2147483648 : i32
      %reduce_max3A_214 = vector.broadcast %reduce_max3A_213 : i32 to vector<16xi32>
      %reduce_max3A_215 = arith.xori %masked_cumsum3A_205, %reduce_max3A_214 : vector<16xi32>
      %reduce_max3A_216 = tpu.scan <max>, %reduce_max3A_215 masked %reduce_max3A_212 : vector<16xi32>, vector<16xi1> -> vector<16xi32>
      %reduce_max3A_217 = arith.xori %reduce_max3A_216, %reduce_max3A_214 : vector<16xi32>
      %reduce_max3A_218 = vector.extract %reduce_max3A_217[15] : i32 from vector<16xi32>
      %add3A_219 = arith.addi %add3A_178, %reduce_max3A_218 : i32
      %mul3A_220 = arith.constant 16 : i32
      %mul3A_221 = arith.muli %scan3A_94, %mul3A_220 : i32
      %add3A_222 = arith.constant 0 : i32
      %add3A_223 = arith.addi %mul3A_221, %add3A_222 : i32
      %add3A_224 = arith.constant 3 : i32
      %add3A_225 = arith.addi %add3A_223, %add3A_224 : i32
      %shift_right_logical3A_226 = arith.constant 3 : i32
      %shift_right_logical3A_227 = arith.shrui %add3A_225, %shift_right_logical3A_226 : i32
      %and3A_228 = arith.constant 7 : i32
      %and3A_229 = arith.andi %add3A_225, %and3A_228 : i32
      %mul3A_230 = arith.constant 16 : i32
      %mul3A_231 = arith.muli %and3A_229, %mul3A_230 : i32
      %get3A_232 = arith.index_cast %shift_right_logical3A_227 : i32 to index
      %get3A_233 = arith.index_cast %mul3A_231 : i32 to index
      %get3A_234 = tpu.vector_load %arg8[%get3A_232, %get3A_233] {strides = array<i32>} : memref<100x128xi32, #tpu.memory_space<vmem>>, vector<16xi32>,
      %mul3A_235 = arith.constant 16 : i32
      %mul3A_236 = arith.muli %add3A_225, %mul3A_235 : i32
      %add3A_237 = arith.addi %mul3A_4, %mul3A_236 : i32
      %add3A_238 = vector.broadcast %add3A_237 : i32 to vector<16xi32>
      %add3A_239 = arith.addi %add3A_238, %iota3A : vector<16xi32>
      %lt3A_240 = arith.constant 16384 : i32
      %lt3A_241 = vector.broadcast %lt3A_240 : i32 to vector<16xi32>
      %lt3A_242 = arith.cmpi slt, %get3A_234, %lt3A_241 : vector<16xi32>
      %convert_element_type3A_243 = arith.extui %lt3A_242 : vector<16xi1> to vector<16xi32>
      %broadcast_in_dim3A_244 = arith.constant true
      %broadcast_in_dim3A_245 = vector.broadcast %broadcast_in_dim3A_244 : i1 to vector<16xi1>
      %masked_cumsum3A_246 = tpu.scan <sum>, %convert_element_type3A_243 masked %broadcast_in_dim3A_245 : vector<16xi32>, vector<16xi1> -> vector<16xi32>
      %add3A_247 = vector.broadcast %add3A_219 : i32 to vector<16xi32>
      %add3A_248 = arith.addi %add3A_247, %masked_cumsum3A_246 : vector<16xi32>
      %sub3A_249 = arith.constant 1 : i32
      %sub3A_250 = vector.broadcast %sub3A_249 : i32 to vector<16xi32>
      %sub3A_251 = arith.subi %add3A_248, %sub3A_250 : vector<16xi32>
      tpu.vector_store_idx %arg9[%sub3A_251], %get3A_234 masked %lt3A_242 : memref<12816xi32, #tpu.memory_space<vmem>>[vector<16xi32>], vector<16xi32>, vector<16xi1>
      tpu.vector_store_idx %arg10[%sub3A_251], %add3A_239 masked %lt3A_242 : memref<12816xi32, #tpu.memory_space<vmem>>[vector<16xi32>], vector<16xi32>, vector<16xi1>
      %reduce_max3A_252 = arith.constant true
      %reduce_max3A_253 = vector.broadcast %reduce_max3A_252 : i1 to vector<16xi1>
      %reduce_max3A_254 = arith.constant -2147483648 : i32
      %reduce_max3A_255 = vector.broadcast %reduce_max3A_254 : i32 to vector<16xi32>
      %reduce_max3A_256 = arith.xori %masked_cumsum3A_246, %reduce_max3A_255 : vector<16xi32>
      %reduce_max3A_257 = tpu.scan <max>, %reduce_max3A_256 masked %reduce_max3A_253 : vector<16xi32>, vector<16xi1> -> vector<16xi32>
      %reduce_max3A_258 = arith.xori %reduce_max3A_257, %reduce_max3A_255 : vector<16xi32>
      %reduce_max3A_259 = vector.extract %reduce_max3A_258[15] : i32 from vector<16xi32>
      %add3A_260 = arith.addi %add3A_219, %reduce_max3A_259 : i32
      %mul3A_261 = arith.constant 16 : i32
      %mul3A_262 = arith.muli %scan3A_94, %mul3A_261 : i32
      %add3A_263 = arith.constant 0 : i32
      %add3A_264 = arith.addi %mul3A_262, %add3A_263 : i32
      %add3A_265 = arith.constant 4 : i32
      %add3A_266 = arith.addi %add3A_264, %add3A_265 : i32
      %shift_right_logical3A_267 = arith.constant 3 : i32
      %shift_right_logical3A_268 = arith.shrui %add3A_266, %shift_right_logical3A_267 : i32
      %and3A_269 = arith.constant 7 : i32
      %and3A_270 = arith.andi %add3A_266, %and3A_269 : i32
      %mul3A_271 = arith.constant 16 : i32
      %mul3A_272 = arith.muli %and3A_270, %mul3A_271 : i32
      %get3A_273 = arith.index_cast %shift_right_logical3A_268 : i32 to index
      %get3A_274 = arith.index_cast %mul3A_272 : i32 to index
      %get3A_275 = tpu.vector_load %arg8[%get3A_273, %get3A_274] {strides = array<i32>} : memref<100x128xi32, #tpu.memory_space<vmem>>, vector<16xi32>,
      %mul3A_276 = arith.constant 16 : i32
      %mul3A_277 = arith.muli %add3A_266, %mul3A_276 : i32
      %add3A_278 = arith.addi %mul3A_4, %mul3A_277 : i32
      %add3A_279 = vector.broadcast %add3A_278 : i32 to vector<16xi32>
      %add3A_280 = arith.addi %add3A_279, %iota3A : vector<16xi32>
      %lt3A_281 = arith.constant 16384 : i32
      %lt3A_282 = vector.broadcast %lt3A_281 : i32 to vector<16xi32>
      %lt3A_283 = arith.cmpi slt, %get3A_275, %lt3A_282 : vector<16xi32>
      %convert_element_type3A_284 = arith.extui %lt3A_283 : vector<16xi1> to vector<16xi32>
      %broadcast_in_dim3A_285 = arith.constant true
      %broadcast_in_dim3A_286 = vector.broadcast %broadcast_in_dim3A_285 : i1 to vector<16xi1>
      %masked_cumsum3A_287 = tpu.scan <sum>, %convert_element_type3A_284 masked %broadcast_in_dim3A_286 : vector<16xi32>, vector<16xi1> -> vector<16xi32>
      %add3A_288 = vector.broadcast %add3A_260 : i32 to vector<16xi32>
      %add3A_289 = arith.addi %add3A_288, %masked_cumsum3A_287 : vector<16xi32>
      %sub3A_290 = arith.constant 1 : i32
      %sub3A_291 = vector.broadcast %sub3A_290 : i32 to vector<16xi32>
      %sub3A_292 = arith.subi %add3A_289, %sub3A_291 : vector<16xi32>
      tpu.vector_store_idx %arg9[%sub3A_292], %get3A_275 masked %lt3A_283 : memref<12816xi32, #tpu.memory_space<vmem>>[vector<16xi32>], vector<16xi32>, vector<16xi1>
      tpu.vector_store_idx %arg10[%sub3A_292], %add3A_280 masked %lt3A_283 : memref<12816xi32, #tpu.memory_space<vmem>>[vector<16xi32>], vector<16xi32>, vector<16xi1>
      %reduce_max3A_293 = arith.constant true
      %reduce_max3A_294 = vector.broadcast %reduce_max3A_293 : i1 to vector<16xi1>
      %reduce_max3A_295 = arith.constant -2147483648 : i32
      %reduce_max3A_296 = vector.broadcast %reduce_max3A_295 : i32 to vector<16xi32>
      %reduce_max3A_297 = arith.xori %masked_cumsum3A_287, %reduce_max3A_296 : vector<16xi32>
      %reduce_max3A_298 = tpu.scan <max>, %reduce_max3A_297 masked %reduce_max3A_294 : vector<16xi32>, vector<16xi1> -> vector<16xi32>
      %reduce_max3A_299 = arith.xori %reduce_max3A_298, %reduce_max3A_296 : vector<16xi32>
      %reduce_max3A_300 = vector.extract %reduce_max3A_299[15] : i32 from vector<16xi32>
      %add3A_301 = arith.addi %add3A_260, %reduce_max3A_300 : i32
      %mul3A_302 = arith.constant 16 : i32
      %mul3A_303 = arith.muli %scan3A_94, %mul3A_302 : i32
      %add3A_304 = arith.constant 0 : i32
      %add3A_305 = arith.addi %mul3A_303, %add3A_304 : i32
      %add3A_306 = arith.constant 5 : i32
      %add3A_307 = arith.addi %add3A_305, %add3A_306 : i32
      %shift_right_logical3A_308 = arith.constant 3 : i32
      %shift_right_logical3A_309 = arith.shrui %add3A_307, %shift_right_logical3A_308 : i32
      %and3A_310 = arith.constant 7 : i32
      %and3A_311 = arith.andi %add3A_307, %and3A_310 : i32
      %mul3A_312 = arith.constant 16 : i32
      %mul3A_313 = arith.muli %and3A_311, %mul3A_312 : i32
      %get3A_314 = arith.index_cast %shift_right_logical3A_309 : i32 to index
      %get3A_315 = arith.index_cast %mul3A_313 : i32 to index
      %get3A_316 = tpu.vector_load %arg8[%get3A_314, %get3A_315] {strides = array<i32>} : memref<100x128xi32, #tpu.memory_space<vmem>>, vector<16xi32>,
      %mul3A_317 = arith.constant 16 : i32
      %mul3A_318 = arith.muli %add3A_307, %mul3A_317 : i32
      %add3A_319 = arith.addi %mul3A_4, %mul3A_318 : i32
      %add3A_320 = vector.broadcast %add3A_319 : i32 to vector<16xi32>
      %add3A_321 = arith.addi %add3A_320, %iota3A : vector<16xi32>
      %lt3A_322 = arith.constant 16384 : i32
      %lt3A_323 = vector.broadcast %lt3A_322 : i32 to vector<16xi32>
      %lt3A_324 = arith.cmpi slt, %get3A_316, %lt3A_323 : vector<16xi32>
      %convert_element_type3A_325 = arith.extui %lt3A_324 : vector<16xi1> to vector<16xi32>
      %broadcast_in_dim3A_326 = arith.constant true
      %broadcast_in_dim3A_327 = vector.broadcast %broadcast_in_dim3A_326 : i1 to vector<16xi1>
      %masked_cumsum3A_328 = tpu.scan <sum>, %convert_element_type3A_325 masked %broadcast_in_dim3A_327 : vector<16xi32>, vector<16xi1> -> vector<16xi32>
      %add3A_329 = vector.broadcast %add3A_301 : i32 to vector<16xi32>
      %add3A_330 = arith.addi %add3A_329, %masked_cumsum3A_328 : vector<16xi32>
      %sub3A_331 = arith.constant 1 : i32
      %sub3A_332 = vector.broadcast %sub3A_331 : i32 to vector<16xi32>
      %sub3A_333 = arith.subi %add3A_330, %sub3A_332 : vector<16xi32>
      tpu.vector_store_idx %arg9[%sub3A_333], %get3A_316 masked %lt3A_324 : memref<12816xi32, #tpu.memory_space<vmem>>[vector<16xi32>], vector<16xi32>, vector<16xi1>
      tpu.vector_store_idx %arg10[%sub3A_333], %add3A_321 masked %lt3A_324 : memref<12816xi32, #tpu.memory_space<vmem>>[vector<16xi32>], vector<16xi32>, vector<16xi1>
      %reduce_max3A_334 = arith.constant true
      %reduce_max3A_335 = vector.broadcast %reduce_max3A_334 : i1 to vector<16xi1>
      %reduce_max3A_336 = arith.constant -2147483648 : i32
      %reduce_max3A_337 = vector.broadcast %reduce_max3A_336 : i32 to vector<16xi32>
      %reduce_max3A_338 = arith.xori %masked_cumsum3A_328, %reduce_max3A_337 : vector<16xi32>
      %reduce_max3A_339 = tpu.scan <max>, %reduce_max3A_338 masked %reduce_max3A_335 : vector<16xi32>, vector<16xi1> -> vector<16xi32>
      %reduce_max3A_340 = arith.xori %reduce_max3A_339, %reduce_max3A_337 : vector<16xi32>
      %reduce_max3A_341 = vector.extract %reduce_max3A_340[15] : i32 from vector<16xi32>
      %add3A_342 = arith.addi %add3A_301, %reduce_max3A_341 : i32
      %mul3A_343 = arith.constant 16 : i32
      %mul3A_344 = arith.muli %scan3A_94, %mul3A_343 : i32
      %add3A_345 = arith.constant 0 : i32
      %add3A_346 = arith.addi %mul3A_344, %add3A_345 : i32
      %add3A_347 = arith.constant 6 : i32
      %add3A_348 = arith.addi %add3A_346, %add3A_347 : i32
      %shift_right_logical3A_349 = arith.constant 3 : i32
      %shift_right_logical3A_350 = arith.shrui %add3A_348, %shift_right_logical3A_349 : i32
      %and3A_351 = arith.constant 7 : i32
      %and3A_352 = arith.andi %add3A_348, %and3A_351 : i32
      %mul3A_353 = arith.constant 16 : i32
      %mul3A_354 = arith.muli %and3A_352, %mul3A_353 : i32
      %get3A_355 = arith.index_cast %shift_right_logical3A_350 : i32 to index
      %get3A_356 = arith.index_cast %mul3A_354 : i32 to index
      %get3A_357 = tpu.vector_load %arg8[%get3A_355, %get3A_356] {strides = array<i32>} : memref<100x128xi32, #tpu.memory_space<vmem>>, vector<16xi32>,
      %mul3A_358 = arith.constant 16 : i32
      %mul3A_359 = arith.muli %add3A_348, %mul3A_358 : i32
      %add3A_360 = arith.addi %mul3A_4, %mul3A_359 : i32
      %add3A_361 = vector.broadcast %add3A_360 : i32 to vector<16xi32>
      %add3A_362 = arith.addi %add3A_361, %iota3A : vector<16xi32>
      %lt3A_363 = arith.constant 16384 : i32
      %lt3A_364 = vector.broadcast %lt3A_363 : i32 to vector<16xi32>
      %lt3A_365 = arith.cmpi slt, %get3A_357, %lt3A_364 : vector<16xi32>
      %convert_element_type3A_366 = arith.extui %lt3A_365 : vector<16xi1> to vector<16xi32>
      %broadcast_in_dim3A_367 = arith.constant true
      %broadcast_in_dim3A_368 = vector.broadcast %broadcast_in_dim3A_367 : i1 to vector<16xi1>
      %masked_cumsum3A_369 = tpu.scan <sum>, %convert_element_type3A_366 masked %broadcast_in_dim3A_368 : vector<16xi32>, vector<16xi1> -> vector<16xi32>
      %add3A_370 = vector.broadcast %add3A_342 : i32 to vector<16xi32>
      %add3A_371 = arith.addi %add3A_370, %masked_cumsum3A_369 : vector<16xi32>
      %sub3A_372 = arith.constant 1 : i32
      %sub3A_373 = vector.broadcast %sub3A_372 : i32 to vector<16xi32>
      %sub3A_374 = arith.subi %add3A_371, %sub3A_373 : vector<16xi32>
      tpu.vector_store_idx %arg9[%sub3A_374], %get3A_357 masked %lt3A_365 : memref<12816xi32, #tpu.memory_space<vmem>>[vector<16xi32>], vector<16xi32>, vector<16xi1>
      tpu.vector_store_idx %arg10[%sub3A_374], %add3A_362 masked %lt3A_365 : memref<12816xi32, #tpu.memory_space<vmem>>[vector<16xi32>], vector<16xi32>, vector<16xi1>
      %reduce_max3A_375 = arith.constant true
      %reduce_max3A_376 = vector.broadcast %reduce_max3A_375 : i1 to vector<16xi1>
      %reduce_max3A_377 = arith.constant -2147483648 : i32
      %reduce_max3A_378 = vector.broadcast %reduce_max3A_377 : i32 to vector<16xi32>
      %reduce_max3A_379 = arith.xori %masked_cumsum3A_369, %reduce_max3A_378 : vector<16xi32>
      %reduce_max3A_380 = tpu.scan <max>, %reduce_max3A_379 masked %reduce_max3A_376 : vector<16xi32>, vector<16xi1> -> vector<16xi32>
      %reduce_max3A_381 = arith.xori %reduce_max3A_380, %reduce_max3A_378 : vector<16xi32>
      %reduce_max3A_382 = vector.extract %reduce_max3A_381[15] : i32 from vector<16xi32>
      %add3A_383 = arith.addi %add3A_342, %reduce_max3A_382 : i32
      %mul3A_384 = arith.constant 16 : i32
      %mul3A_385 = arith.muli %scan3A_94, %mul3A_384 : i32
      %add3A_386 = arith.constant 0 : i32
      %add3A_387 = arith.addi %mul3A_385, %add3A_386 : i32
      %add3A_388 = arith.constant 7 : i32
      %add3A_389 = arith.addi %add3A_387, %add3A_388 : i32
      %shift_right_logical3A_390 = arith.constant 3 : i32
      %shift_right_logical3A_391 = arith.shrui %add3A_389, %shift_right_logical3A_390 : i32
      %and3A_392 = arith.constant 7 : i32
      %and3A_393 = arith.andi %add3A_389, %and3A_392 : i32
      %mul3A_394 = arith.constant 16 : i32
      %mul3A_395 = arith.muli %and3A_393, %mul3A_394 : i32
      %get3A_396 = arith.index_cast %shift_right_logical3A_391 : i32 to index
      %get3A_397 = arith.index_cast %mul3A_395 : i32 to index
      %get3A_398 = tpu.vector_load %arg8[%get3A_396, %get3A_397] {strides = array<i32>} : memref<100x128xi32, #tpu.memory_space<vmem>>, vector<16xi32>,
      %mul3A_399 = arith.constant 16 : i32
      %mul3A_400 = arith.muli %add3A_389, %mul3A_399 : i32
      %add3A_401 = arith.addi %mul3A_4, %mul3A_400 : i32
      %add3A_402 = vector.broadcast %add3A_401 : i32 to vector<16xi32>
      %add3A_403 = arith.addi %add3A_402, %iota3A : vector<16xi32>
      %lt3A_404 = arith.constant 16384 : i32
      %lt3A_405 = vector.broadcast %lt3A_404 : i32 to vector<16xi32>
      %lt3A_406 = arith.cmpi slt, %get3A_398, %lt3A_405 : vector<16xi32>
      %convert_element_type3A_407 = arith.extui %lt3A_406 : vector<16xi1> to vector<16xi32>
      %broadcast_in_dim3A_408 = arith.constant true
      %broadcast_in_dim3A_409 = vector.broadcast %broadcast_in_dim3A_408 : i1 to vector<16xi1>
      %masked_cumsum3A_410 = tpu.scan <sum>, %convert_element_type3A_407 masked %broadcast_in_dim3A_409 : vector<16xi32>, vector<16xi1> -> vector<16xi32>
      %add3A_411 = vector.broadcast %add3A_383 : i32 to vector<16xi32>
      %add3A_412 = arith.addi %add3A_411, %masked_cumsum3A_410 : vector<16xi32>
      %sub3A_413 = arith.constant 1 : i32
      %sub3A_414 = vector.broadcast %sub3A_413 : i32 to vector<16xi32>
      %sub3A_415 = arith.subi %add3A_412, %sub3A_414 : vector<16xi32>
      tpu.vector_store_idx %arg9[%sub3A_415], %get3A_398 masked %lt3A_406 : memref<12816xi32, #tpu.memory_space<vmem>>[vector<16xi32>], vector<16xi32>, vector<16xi1>
      tpu.vector_store_idx %arg10[%sub3A_415], %add3A_403 masked %lt3A_406 : memref<12816xi32, #tpu.memory_space<vmem>>[vector<16xi32>], vector<16xi32>, vector<16xi1>
      %reduce_max3A_416 = arith.constant true
      %reduce_max3A_417 = vector.broadcast %reduce_max3A_416 : i1 to vector<16xi1>
      %reduce_max3A_418 = arith.constant -2147483648 : i32
      %reduce_max3A_419 = vector.broadcast %reduce_max3A_418 : i32 to vector<16xi32>
      %reduce_max3A_420 = arith.xori %masked_cumsum3A_410, %reduce_max3A_419 : vector<16xi32>
      %reduce_max3A_421 = tpu.scan <max>, %reduce_max3A_420 masked %reduce_max3A_417 : vector<16xi32>, vector<16xi1> -> vector<16xi32>
      %reduce_max3A_422 = arith.xori %reduce_max3A_421, %reduce_max3A_419 : vector<16xi32>
      %reduce_max3A_423 = vector.extract %reduce_max3A_422[15] : i32 from vector<16xi32>
      %add3A_424 = arith.addi %add3A_383, %reduce_max3A_423 : i32
      %mul3A_425 = arith.constant 128 : i32
      %mul3A_426 = arith.muli %add3A_99, %mul3A_425 : i32
      %add3A_427 = arith.addi %mul3A_4, %mul3A_426 : i32
      %dma_wait3A = arith.constant 0 : i32
      %dma_wait3A_428 = tpu.memref_slice %arg5[%add3A_427, %dma_wait3A] : memref<409600x64xf32, #tpu.memory_space<hbm>> -> memref<128x64xf32, #tpu.memory_space<hbm>>
      %dma_wait3A_429 = arith.constant 0 : i32
      %dma_wait3A_430 = tpu.memref_slice %arg5[%add3A_427, %dma_wait3A_429] : memref<409600x64xf32, #tpu.memory_space<hbm>> -> memref<128x64xf32, #tpu.memory_space<hbm>>
      tpu.wait_dma2 semaphore(%arg15 : memref<!tpu.dma_semaphore, #tpu.memory_space<semaphore_mem>>) src(%arg11 : memref<128x64xf32, #tpu.memory_space<vmem>>) dst(%dma_wait3A_430 : memref<128x64xf32, #tpu.memory_space<hbm>>)
      %add3A_431 = arith.constant 2 : i32
      %add3A_432 = arith.addi %add3A_99, %add3A_431 : i32
      %lt3A_433 = arith.constant 100 : i32
      %lt3A_434 = arith.cmpi slt, %add3A_432, %lt3A_433 : i32
      %convert_element_type3A_435 = arith.extui %lt3A_434 : i1 to i32
      %cond3A = arith.constant 0 : i32
      %cond3A_436 = arith.cmpi ne, %convert_element_type3A_435, %cond3A : i32
      scf.if %cond3A_436 {
        %mul3A_783 = arith.constant 128 : i32
        %mul3A_784 = arith.muli %add3A_432, %mul3A_783 : i32
        %add3A_785 = arith.addi %mul3A_4, %mul3A_784 : i32
        %dma_start3A_786 = arith.constant 0 : i32
        %dma_start3A_787 = tpu.memref_slice %arg5[%add3A_785, %dma_start3A_786] : memref<409600x64xf32, #tpu.memory_space<hbm>> -> memref<128x64xf32, #tpu.memory_space<hbm>>
        %dma_start3A_788 = arith.constant 0 : i32
        %dma_start3A_789 = tpu.memref_slice %arg5[%add3A_785, %dma_start3A_788] : memref<409600x64xf32, #tpu.memory_space<hbm>> -> memref<128x64xf32, #tpu.memory_space<hbm>>
        tpu.enqueue_dma source(%arg11 : memref<128x64xf32, #tpu.memory_space<vmem>>) target(%dma_start3A_789 : memref<128x64xf32, #tpu.memory_space<hbm>>) target_semaphore(%arg15 : memref<!tpu.dma_semaphore, #tpu.memory_space<semaphore_mem>>)
      } else {
      }
      %mul3A_437 = arith.constant 2 : i32
      %mul3A_438 = arith.muli %scan3A_94, %mul3A_437 : i32
      %add3A_439 = arith.constant 1 : i32
      %add3A_440 = arith.addi %mul3A_438, %add3A_439 : i32
      %mul3A_441 = arith.constant 16 : i32
      %mul3A_442 = arith.muli %scan3A_94, %mul3A_441 : i32
      %add3A_443 = arith.constant 8 : i32
      %add3A_444 = arith.addi %mul3A_442, %add3A_443 : i32
      %add3A_445 = arith.constant 0 : i32
      %add3A_446 = arith.addi %add3A_444, %add3A_445 : i32
      %shift_right_logical3A_447 = arith.constant 3 : i32
      %shift_right_logical3A_448 = arith.shrui %add3A_446, %shift_right_logical3A_447 : i32
      %and3A_449 = arith.constant 7 : i32
      %and3A_450 = arith.andi %add3A_446, %and3A_449 : i32
      %mul3A_451 = arith.constant 16 : i32
      %mul3A_452 = arith.muli %and3A_450, %mul3A_451 : i32
      %get3A_453 = arith.index_cast %shift_right_logical3A_448 : i32 to index
      %get3A_454 = arith.index_cast %mul3A_452 : i32 to index
      %get3A_455 = tpu.vector_load %arg8[%get3A_453, %get3A_454] {strides = array<i32>} : memref<100x128xi32, #tpu.memory_space<vmem>>, vector<16xi32>,
      %mul3A_456 = arith.constant 16 : i32
      %mul3A_457 = arith.muli %add3A_446, %mul3A_456 : i32
      %add3A_458 = arith.addi %mul3A_4, %mul3A_457 : i32
      %add3A_459 = vector.broadcast %add3A_458 : i32 to vector<16xi32>
      %add3A_460 = arith.addi %add3A_459, %iota3A : vector<16xi32>
      %lt3A_461 = arith.constant 16384 : i32
      %lt3A_462 = vector.broadcast %lt3A_461 : i32 to vector<16xi32>
      %lt3A_463 = arith.cmpi slt, %get3A_455, %lt3A_462 : vector<16xi32>
      %convert_element_type3A_464 = arith.extui %lt3A_463 : vector<16xi1> to vector<16xi32>
      %broadcast_in_dim3A_465 = arith.constant true
      %broadcast_in_dim3A_466 = vector.broadcast %broadcast_in_dim3A_465 : i1 to vector<16xi1>
      %masked_cumsum3A_467 = tpu.scan <sum>, %convert_element_type3A_464 masked %broadcast_in_dim3A_466 : vector<16xi32>, vector<16xi1> -> vector<16xi32>
      %add3A_468 = vector.broadcast %add3A_424 : i32 to vector<16xi32>
      %add3A_469 = arith.addi %add3A_468, %masked_cumsum3A_467 : vector<16xi32>
      %sub3A_470 = arith.constant 1 : i32
      %sub3A_471 = vector.broadcast %sub3A_470 : i32 to vector<16xi32>
      %sub3A_472 = arith.subi %add3A_469, %sub3A_471 : vector<16xi32>
      tpu.vector_store_idx %arg9[%sub3A_472], %get3A_455 masked %lt3A_463 : memref<12816xi32, #tpu.memory_space<vmem>>[vector<16xi32>], vector<16xi32>, vector<16xi1>
      tpu.vector_store_idx %arg10[%sub3A_472], %add3A_460 masked %lt3A_463 : memref<12816xi32, #tpu.memory_space<vmem>>[vector<16xi32>], vector<16xi32>, vector<16xi1>
      %reduce_max3A_473 = arith.constant true
      %reduce_max3A_474 = vector.broadcast %reduce_max3A_473 : i1 to vector<16xi1>
      %reduce_max3A_475 = arith.constant -2147483648 : i32
      %reduce_max3A_476 = vector.broadcast %reduce_max3A_475 : i32 to vector<16xi32>
      %reduce_max3A_477 = arith.xori %masked_cumsum3A_467, %reduce_max3A_476 : vector<16xi32>
      %reduce_max3A_478 = tpu.scan <max>, %reduce_max3A_477 masked %reduce_max3A_474 : vector<16xi32>, vector<16xi1> -> vector<16xi32>
      %reduce_max3A_479 = arith.xori %reduce_max3A_478, %reduce_max3A_476 : vector<16xi32>
      %reduce_max3A_480 = vector.extract %reduce_max3A_479[15] : i32 from vector<16xi32>
      %add3A_481 = arith.addi %add3A_424, %reduce_max3A_480 : i32
      %mul3A_482 = arith.constant 16 : i32
      %mul3A_483 = arith.muli %scan3A_94, %mul3A_482 : i32
      %add3A_484 = arith.constant 8 : i32
      %add3A_485 = arith.addi %mul3A_483, %add3A_484 : i32
      %add3A_486 = arith.constant 1 : i32
      %add3A_487 = arith.addi %add3A_485, %add3A_486 : i32
      %shift_right_logical3A_488 = arith.constant 3 : i32
      %shift_right_logical3A_489 = arith.shrui %add3A_487, %shift_right_logical3A_488 : i32
      %and3A_490 = arith.constant 7 : i32
      %and3A_491 = arith.andi %add3A_487, %and3A_490 : i32
      %mul3A_492 = arith.constant 16 : i32
      %mul3A_493 = arith.muli %and3A_491, %mul3A_492 : i32
      %get3A_494 = arith.index_cast %shift_right_logical3A_489 : i32 to index
      %get3A_495 = arith.index_cast %mul3A_493 : i32 to index
      %get3A_496 = tpu.vector_load %arg8[%get3A_494, %get3A_495] {strides = array<i32>} : memref<100x128xi32, #tpu.memory_space<vmem>>, vector<16xi32>,
      %mul3A_497 = arith.constant 16 : i32
      %mul3A_498 = arith.muli %add3A_487, %mul3A_497 : i32
      %add3A_499 = arith.addi %mul3A_4, %mul3A_498 : i32
      %add3A_500 = vector.broadcast %add3A_499 : i32 to vector<16xi32>
      %add3A_501 = arith.addi %add3A_500, %iota3A : vector<16xi32>
      %lt3A_502 = arith.constant 16384 : i32
      %lt3A_503 = vector.broadcast %lt3A_502 : i32 to vector<16xi32>
      %lt3A_504 = arith.cmpi slt, %get3A_496, %lt3A_503 : vector<16xi32>
      %convert_element_type3A_505 = arith.extui %lt3A_504 : vector<16xi1> to vector<16xi32>
      %broadcast_in_dim3A_506 = arith.constant true
      %broadcast_in_dim3A_507 = vector.broadcast %broadcast_in_dim3A_506 : i1 to vector<16xi1>
      %masked_cumsum3A_508 = tpu.scan <sum>, %convert_element_type3A_505 masked %broadcast_in_dim3A_507 : vector<16xi32>, vector<16xi1> -> vector<16xi32>
      %add3A_509 = vector.broadcast %add3A_481 : i32 to vector<16xi32>
      %add3A_510 = arith.addi %add3A_509, %masked_cumsum3A_508 : vector<16xi32>
      %sub3A_511 = arith.constant 1 : i32
      %sub3A_512 = vector.broadcast %sub3A_511 : i32 to vector<16xi32>
      %sub3A_513 = arith.subi %add3A_510, %sub3A_512 : vector<16xi32>
      tpu.vector_store_idx %arg9[%sub3A_513], %get3A_496 masked %lt3A_504 : memref<12816xi32, #tpu.memory_space<vmem>>[vector<16xi32>], vector<16xi32>, vector<16xi1>
      tpu.vector_store_idx %arg10[%sub3A_513], %add3A_501 masked %lt3A_504 : memref<12816xi32, #tpu.memory_space<vmem>>[vector<16xi32>], vector<16xi32>, vector<16xi1>
      %reduce_max3A_514 = arith.constant true
      %reduce_max3A_515 = vector.broadcast %reduce_max3A_514 : i1 to vector<16xi1>
      %reduce_max3A_516 = arith.constant -2147483648 : i32
      %reduce_max3A_517 = vector.broadcast %reduce_max3A_516 : i32 to vector<16xi32>
      %reduce_max3A_518 = arith.xori %masked_cumsum3A_508, %reduce_max3A_517 : vector<16xi32>
      %reduce_max3A_519 = tpu.scan <max>, %reduce_max3A_518 masked %reduce_max3A_515 : vector<16xi32>, vector<16xi1> -> vector<16xi32>
      %reduce_max3A_520 = arith.xori %reduce_max3A_519, %reduce_max3A_517 : vector<16xi32>
      %reduce_max3A_521 = vector.extract %reduce_max3A_520[15] : i32 from vector<16xi32>
      %add3A_522 = arith.addi %add3A_481, %reduce_max3A_521 : i32
      %mul3A_523 = arith.constant 16 : i32
      %mul3A_524 = arith.muli %scan3A_94, %mul3A_523 : i32
      %add3A_525 = arith.constant 8 : i32
      %add3A_526 = arith.addi %mul3A_524, %add3A_525 : i32
      %add3A_527 = arith.constant 2 : i32
      %add3A_528 = arith.addi %add3A_526, %add3A_527 : i32
      %shift_right_logical3A_529 = arith.constant 3 : i32
      %shift_right_logical3A_530 = arith.shrui %add3A_528, %shift_right_logical3A_529 : i32
      %and3A_531 = arith.constant 7 : i32
      %and3A_532 = arith.andi %add3A_528, %and3A_531 : i32
      %mul3A_533 = arith.constant 16 : i32
      %mul3A_534 = arith.muli %and3A_532, %mul3A_533 : i32
      %get3A_535 = arith.index_cast %shift_right_logical3A_530 : i32 to index
      %get3A_536 = arith.index_cast %mul3A_534 : i32 to index
      %get3A_537 = tpu.vector_load %arg8[%get3A_535, %get3A_536] {strides = array<i32>} : memref<100x128xi32, #tpu.memory_space<vmem>>, vector<16xi32>,
      %mul3A_538 = arith.constant 16 : i32
      %mul3A_539 = arith.muli %add3A_528, %mul3A_538 : i32
      %add3A_540 = arith.addi %mul3A_4, %mul3A_539 : i32
      %add3A_541 = vector.broadcast %add3A_540 : i32 to vector<16xi32>
      %add3A_542 = arith.addi %add3A_541, %iota3A : vector<16xi32>
      %lt3A_543 = arith.constant 16384 : i32
      %lt3A_544 = vector.broadcast %lt3A_543 : i32 to vector<16xi32>
      %lt3A_545 = arith.cmpi slt, %get3A_537, %lt3A_544 : vector<16xi32>
      %convert_element_type3A_546 = arith.extui %lt3A_545 : vector<16xi1> to vector<16xi32>
      %broadcast_in_dim3A_547 = arith.constant true
      %broadcast_in_dim3A_548 = vector.broadcast %broadcast_in_dim3A_547 : i1 to vector<16xi1>
      %masked_cumsum3A_549 = tpu.scan <sum>, %convert_element_type3A_546 masked %broadcast_in_dim3A_548 : vector<16xi32>, vector<16xi1> -> vector<16xi32>
      %add3A_550 = vector.broadcast %add3A_522 : i32 to vector<16xi32>
      %add3A_551 = arith.addi %add3A_550, %masked_cumsum3A_549 : vector<16xi32>
      %sub3A_552 = arith.constant 1 : i32
      %sub3A_553 = vector.broadcast %sub3A_552 : i32 to vector<16xi32>
      %sub3A_554 = arith.subi %add3A_551, %sub3A_553 : vector<16xi32>
      tpu.vector_store_idx %arg9[%sub3A_554], %get3A_537 masked %lt3A_545 : memref<12816xi32, #tpu.memory_space<vmem>>[vector<16xi32>], vector<16xi32>, vector<16xi1>
      tpu.vector_store_idx %arg10[%sub3A_554], %add3A_542 masked %lt3A_545 : memref<12816xi32, #tpu.memory_space<vmem>>[vector<16xi32>], vector<16xi32>, vector<16xi1>
      %reduce_max3A_555 = arith.constant true
      %reduce_max3A_556 = vector.broadcast %reduce_max3A_555 : i1 to vector<16xi1>
      %reduce_max3A_557 = arith.constant -2147483648 : i32
      %reduce_max3A_558 = vector.broadcast %reduce_max3A_557 : i32 to vector<16xi32>
      %reduce_max3A_559 = arith.xori %masked_cumsum3A_549, %reduce_max3A_558 : vector<16xi32>
      %reduce_max3A_560 = tpu.scan <max>, %reduce_max3A_559 masked %reduce_max3A_556 : vector<16xi32>, vector<16xi1> -> vector<16xi32>
      %reduce_max3A_561 = arith.xori %reduce_max3A_560, %reduce_max3A_558 : vector<16xi32>
      %reduce_max3A_562 = vector.extract %reduce_max3A_561[15] : i32 from vector<16xi32>
      %add3A_563 = arith.addi %add3A_522, %reduce_max3A_562 : i32
      %mul3A_564 = arith.constant 16 : i32
      %mul3A_565 = arith.muli %scan3A_94, %mul3A_564 : i32
      %add3A_566 = arith.constant 8 : i32
      %add3A_567 = arith.addi %mul3A_565, %add3A_566 : i32
      %add3A_568 = arith.constant 3 : i32
      %add3A_569 = arith.addi %add3A_567, %add3A_568 : i32
      %shift_right_logical3A_570 = arith.constant 3 : i32
      %shift_right_logical3A_571 = arith.shrui %add3A_569, %shift_right_logical3A_570 : i32
      %and3A_572 = arith.constant 7 : i32
      %and3A_573 = arith.andi %add3A_569, %and3A_572 : i32
      %mul3A_574 = arith.constant 16 : i32
      %mul3A_575 = arith.muli %and3A_573, %mul3A_574 : i32
      %get3A_576 = arith.index_cast %shift_right_logical3A_571 : i32 to index
      %get3A_577 = arith.index_cast %mul3A_575 : i32 to index
      %get3A_578 = tpu.vector_load %arg8[%get3A_576, %get3A_577] {strides = array<i32>} : memref<100x128xi32, #tpu.memory_space<vmem>>, vector<16xi32>,
      %mul3A_579 = arith.constant 16 : i32
      %mul3A_580 = arith.muli %add3A_569, %mul3A_579 : i32
      %add3A_581 = arith.addi %mul3A_4, %mul3A_580 : i32
      %add3A_582 = vector.broadcast %add3A_581 : i32 to vector<16xi32>
      %add3A_583 = arith.addi %add3A_582, %iota3A : vector<16xi32>
      %lt3A_584 = arith.constant 16384 : i32
      %lt3A_585 = vector.broadcast %lt3A_584 : i32 to vector<16xi32>
      %lt3A_586 = arith.cmpi slt, %get3A_578, %lt3A_585 : vector<16xi32>
      %convert_element_type3A_587 = arith.extui %lt3A_586 : vector<16xi1> to vector<16xi32>
      %broadcast_in_dim3A_588 = arith.constant true
      %broadcast_in_dim3A_589 = vector.broadcast %broadcast_in_dim3A_588 : i1 to vector<16xi1>
      %masked_cumsum3A_590 = tpu.scan <sum>, %convert_element_type3A_587 masked %broadcast_in_dim3A_589 : vector<16xi32>, vector<16xi1> -> vector<16xi32>
      %add3A_591 = vector.broadcast %add3A_563 : i32 to vector<16xi32>
      %add3A_592 = arith.addi %add3A_591, %masked_cumsum3A_590 : vector<16xi32>
      %sub3A_593 = arith.constant 1 : i32
      %sub3A_594 = vector.broadcast %sub3A_593 : i32 to vector<16xi32>
      %sub3A_595 = arith.subi %add3A_592, %sub3A_594 : vector<16xi32>
      tpu.vector_store_idx %arg9[%sub3A_595], %get3A_578 masked %lt3A_586 : memref<12816xi32, #tpu.memory_space<vmem>>[vector<16xi32>], vector<16xi32>, vector<16xi1>
      tpu.vector_store_idx %arg10[%sub3A_595], %add3A_583 masked %lt3A_586 : memref<12816xi32, #tpu.memory_space<vmem>>[vector<16xi32>], vector<16xi32>, vector<16xi1>
      %reduce_max3A_596 = arith.constant true
      %reduce_max3A_597 = vector.broadcast %reduce_max3A_596 : i1 to vector<16xi1>
      %reduce_max3A_598 = arith.constant -2147483648 : i32
      %reduce_max3A_599 = vector.broadcast %reduce_max3A_598 : i32 to vector<16xi32>
      %reduce_max3A_600 = arith.xori %masked_cumsum3A_590, %reduce_max3A_599 : vector<16xi32>
      %reduce_max3A_601 = tpu.scan <max>, %reduce_max3A_600 masked %reduce_max3A_597 : vector<16xi32>, vector<16xi1> -> vector<16xi32>
      %reduce_max3A_602 = arith.xori %reduce_max3A_601, %reduce_max3A_599 : vector<16xi32>
      %reduce_max3A_603 = vector.extract %reduce_max3A_602[15] : i32 from vector<16xi32>
      %add3A_604 = arith.addi %add3A_563, %reduce_max3A_603 : i32
      %mul3A_605 = arith.constant 16 : i32
      %mul3A_606 = arith.muli %scan3A_94, %mul3A_605 : i32
      %add3A_607 = arith.constant 8 : i32
      %add3A_608 = arith.addi %mul3A_606, %add3A_607 : i32
      %add3A_609 = arith.constant 4 : i32
      %add3A_610 = arith.addi %add3A_608, %add3A_609 : i32
      %shift_right_logical3A_611 = arith.constant 3 : i32
      %shift_right_logical3A_612 = arith.shrui %add3A_610, %shift_right_logical3A_611 : i32
      %and3A_613 = arith.constant 7 : i32
      %and3A_614 = arith.andi %add3A_610, %and3A_613 : i32
      %mul3A_615 = arith.constant 16 : i32
      %mul3A_616 = arith.muli %and3A_614, %mul3A_615 : i32
      %get3A_617 = arith.index_cast %shift_right_logical3A_612 : i32 to index
      %get3A_618 = arith.index_cast %mul3A_616 : i32 to index
      %get3A_619 = tpu.vector_load %arg8[%get3A_617, %get3A_618] {strides = array<i32>} : memref<100x128xi32, #tpu.memory_space<vmem>>, vector<16xi32>,
      %mul3A_620 = arith.constant 16 : i32
      %mul3A_621 = arith.muli %add3A_610, %mul3A_620 : i32
      %add3A_622 = arith.addi %mul3A_4, %mul3A_621 : i32
      %add3A_623 = vector.broadcast %add3A_622 : i32 to vector<16xi32>
      %add3A_624 = arith.addi %add3A_623, %iota3A : vector<16xi32>
      %lt3A_625 = arith.constant 16384 : i32
      %lt3A_626 = vector.broadcast %lt3A_625 : i32 to vector<16xi32>
      %lt3A_627 = arith.cmpi slt, %get3A_619, %lt3A_626 : vector<16xi32>
      %convert_element_type3A_628 = arith.extui %lt3A_627 : vector<16xi1> to vector<16xi32>
      %broadcast_in_dim3A_629 = arith.constant true
      %broadcast_in_dim3A_630 = vector.broadcast %broadcast_in_dim3A_629 : i1 to vector<16xi1>
      %masked_cumsum3A_631 = tpu.scan <sum>, %convert_element_type3A_628 masked %broadcast_in_dim3A_630 : vector<16xi32>, vector<16xi1> -> vector<16xi32>
      %add3A_632 = vector.broadcast %add3A_604 : i32 to vector<16xi32>
      %add3A_633 = arith.addi %add3A_632, %masked_cumsum3A_631 : vector<16xi32>
      %sub3A_634 = arith.constant 1 : i32
      %sub3A_635 = vector.broadcast %sub3A_634 : i32 to vector<16xi32>
      %sub3A_636 = arith.subi %add3A_633, %sub3A_635 : vector<16xi32>
      tpu.vector_store_idx %arg9[%sub3A_636], %get3A_619 masked %lt3A_627 : memref<12816xi32, #tpu.memory_space<vmem>>[vector<16xi32>], vector<16xi32>, vector<16xi1>
      tpu.vector_store_idx %arg10[%sub3A_636], %add3A_624 masked %lt3A_627 : memref<12816xi32, #tpu.memory_space<vmem>>[vector<16xi32>], vector<16xi32>, vector<16xi1>
      %reduce_max3A_637 = arith.constant true
      %reduce_max3A_638 = vector.broadcast %reduce_max3A_637 : i1 to vector<16xi1>
      %reduce_max3A_639 = arith.constant -2147483648 : i32
      %reduce_max3A_640 = vector.broadcast %reduce_max3A_639 : i32 to vector<16xi32>
      %reduce_max3A_641 = arith.xori %masked_cumsum3A_631, %reduce_max3A_640 : vector<16xi32>
      %reduce_max3A_642 = tpu.scan <max>, %reduce_max3A_641 masked %reduce_max3A_638 : vector<16xi32>, vector<16xi1> -> vector<16xi32>
      %reduce_max3A_643 = arith.xori %reduce_max3A_642, %reduce_max3A_640 : vector<16xi32>
      %reduce_max3A_644 = vector.extract %reduce_max3A_643[15] : i32 from vector<16xi32>
      %add3A_645 = arith.addi %add3A_604, %reduce_max3A_644 : i32
      %mul3A_646 = arith.constant 16 : i32
      %mul3A_647 = arith.muli %scan3A_94, %mul3A_646 : i32
      %add3A_648 = arith.constant 8 : i32
      %add3A_649 = arith.addi %mul3A_647, %add3A_648 : i32
      %add3A_650 = arith.constant 5 : i32
      %add3A_651 = arith.addi %add3A_649, %add3A_650 : i32
      %shift_right_logical3A_652 = arith.constant 3 : i32
      %shift_right_logical3A_653 = arith.shrui %add3A_651, %shift_right_logical3A_652 : i32
      %and3A_654 = arith.constant 7 : i32
      %and3A_655 = arith.andi %add3A_651, %and3A_654 : i32
      %mul3A_656 = arith.constant 16 : i32
      %mul3A_657 = arith.muli %and3A_655, %mul3A_656 : i32
      %get3A_658 = arith.index_cast %shift_right_logical3A_653 : i32 to index
      %get3A_659 = arith.index_cast %mul3A_657 : i32 to index
      %get3A_660 = tpu.vector_load %arg8[%get3A_658, %get3A_659] {strides = array<i32>} : memref<100x128xi32, #tpu.memory_space<vmem>>, vector<16xi32>,
      %mul3A_661 = arith.constant 16 : i32
      %mul3A_662 = arith.muli %add3A_651, %mul3A_661 : i32
      %add3A_663 = arith.addi %mul3A_4, %mul3A_662 : i32
      %add3A_664 = vector.broadcast %add3A_663 : i32 to vector<16xi32>
      %add3A_665 = arith.addi %add3A_664, %iota3A : vector<16xi32>
      %lt3A_666 = arith.constant 16384 : i32
      %lt3A_667 = vector.broadcast %lt3A_666 : i32 to vector<16xi32>
      %lt3A_668 = arith.cmpi slt, %get3A_660, %lt3A_667 : vector<16xi32>
      %convert_element_type3A_669 = arith.extui %lt3A_668 : vector<16xi1> to vector<16xi32>
      %broadcast_in_dim3A_670 = arith.constant true
      %broadcast_in_dim3A_671 = vector.broadcast %broadcast_in_dim3A_670 : i1 to vector<16xi1>
      %masked_cumsum3A_672 = tpu.scan <sum>, %convert_element_type3A_669 masked %broadcast_in_dim3A_671 : vector<16xi32>, vector<16xi1> -> vector<16xi32>
      %add3A_673 = vector.broadcast %add3A_645 : i32 to vector<16xi32>
      %add3A_674 = arith.addi %add3A_673, %masked_cumsum3A_672 : vector<16xi32>
      %sub3A_675 = arith.constant 1 : i32
      %sub3A_676 = vector.broadcast %sub3A_675 : i32 to vector<16xi32>
      %sub3A_677 = arith.subi %add3A_674, %sub3A_676 : vector<16xi32>
      tpu.vector_store_idx %arg9[%sub3A_677], %get3A_660 masked %lt3A_668 : memref<12816xi32, #tpu.memory_space<vmem>>[vector<16xi32>], vector<16xi32>, vector<16xi1>
      tpu.vector_store_idx %arg10[%sub3A_677], %add3A_665 masked %lt3A_668 : memref<12816xi32, #tpu.memory_space<vmem>>[vector<16xi32>], vector<16xi32>, vector<16xi1>
      %reduce_max3A_678 = arith.constant true
      %reduce_max3A_679 = vector.broadcast %reduce_max3A_678 : i1 to vector<16xi1>
      %reduce_max3A_680 = arith.constant -2147483648 : i32
      %reduce_max3A_681 = vector.broadcast %reduce_max3A_680 : i32 to vector<16xi32>
      %reduce_max3A_682 = arith.xori %masked_cumsum3A_672, %reduce_max3A_681 : vector<16xi32>
      %reduce_max3A_683 = tpu.scan <max>, %reduce_max3A_682 masked %reduce_max3A_679 : vector<16xi32>, vector<16xi1> -> vector<16xi32>
      %reduce_max3A_684 = arith.xori %reduce_max3A_683, %reduce_max3A_681 : vector<16xi32>
      %reduce_max3A_685 = vector.extract %reduce_max3A_684[15] : i32 from vector<16xi32>
      %add3A_686 = arith.addi %add3A_645, %reduce_max3A_685 : i32
      %mul3A_687 = arith.constant 16 : i32
      %mul3A_688 = arith.muli %scan3A_94, %mul3A_687 : i32
      %add3A_689 = arith.constant 8 : i32
      %add3A_690 = arith.addi %mul3A_688, %add3A_689 : i32
      %add3A_691 = arith.constant 6 : i32
      %add3A_692 = arith.addi %add3A_690, %add3A_691 : i32
      %shift_right_logical3A_693 = arith.constant 3 : i32
      %shift_right_logical3A_694 = arith.shrui %add3A_692, %shift_right_logical3A_693 : i32
      %and3A_695 = arith.constant 7 : i32
      %and3A_696 = arith.andi %add3A_692, %and3A_695 : i32
      %mul3A_697 = arith.constant 16 : i32
      %mul3A_698 = arith.muli %and3A_696, %mul3A_697 : i32
      %get3A_699 = arith.index_cast %shift_right_logical3A_694 : i32 to index
      %get3A_700 = arith.index_cast %mul3A_698 : i32 to index
      %get3A_701 = tpu.vector_load %arg8[%get3A_699, %get3A_700] {strides = array<i32>} : memref<100x128xi32, #tpu.memory_space<vmem>>, vector<16xi32>,
      %mul3A_702 = arith.constant 16 : i32
      %mul3A_703 = arith.muli %add3A_692, %mul3A_702 : i32
      %add3A_704 = arith.addi %mul3A_4, %mul3A_703 : i32
      %add3A_705 = vector.broadcast %add3A_704 : i32 to vector<16xi32>
      %add3A_706 = arith.addi %add3A_705, %iota3A : vector<16xi32>
      %lt3A_707 = arith.constant 16384 : i32
      %lt3A_708 = vector.broadcast %lt3A_707 : i32 to vector<16xi32>
      %lt3A_709 = arith.cmpi slt, %get3A_701, %lt3A_708 : vector<16xi32>
      %convert_element_type3A_710 = arith.extui %lt3A_709 : vector<16xi1> to vector<16xi32>
      %broadcast_in_dim3A_711 = arith.constant true
      %broadcast_in_dim3A_712 = vector.broadcast %broadcast_in_dim3A_711 : i1 to vector<16xi1>
      %masked_cumsum3A_713 = tpu.scan <sum>, %convert_element_type3A_710 masked %broadcast_in_dim3A_712 : vector<16xi32>, vector<16xi1> -> vector<16xi32>
      %add3A_714 = vector.broadcast %add3A_686 : i32 to vector<16xi32>
      %add3A_715 = arith.addi %add3A_714, %masked_cumsum3A_713 : vector<16xi32>
      %sub3A_716 = arith.constant 1 : i32
      %sub3A_717 = vector.broadcast %sub3A_716 : i32 to vector<16xi32>
      %sub3A_718 = arith.subi %add3A_715, %sub3A_717 : vector<16xi32>
      tpu.vector_store_idx %arg9[%sub3A_718], %get3A_701 masked %lt3A_709 : memref<12816xi32, #tpu.memory_space<vmem>>[vector<16xi32>], vector<16xi32>, vector<16xi1>
      tpu.vector_store_idx %arg10[%sub3A_718], %add3A_706 masked %lt3A_709 : memref<12816xi32, #tpu.memory_space<vmem>>[vector<16xi32>], vector<16xi32>, vector<16xi1>
      %reduce_max3A_719 = arith.constant true
      %reduce_max3A_720 = vector.broadcast %reduce_max3A_719 : i1 to vector<16xi1>
      %reduce_max3A_721 = arith.constant -2147483648 : i32
      %reduce_max3A_722 = vector.broadcast %reduce_max3A_721 : i32 to vector<16xi32>
      %reduce_max3A_723 = arith.xori %masked_cumsum3A_713, %reduce_max3A_722 : vector<16xi32>
      %reduce_max3A_724 = tpu.scan <max>, %reduce_max3A_723 masked %reduce_max3A_720 : vector<16xi32>, vector<16xi1> -> vector<16xi32>
      %reduce_max3A_725 = arith.xori %reduce_max3A_724, %reduce_max3A_722 : vector<16xi32>
      %reduce_max3A_726 = vector.extract %reduce_max3A_725[15] : i32 from vector<16xi32>
      %add3A_727 = arith.addi %add3A_686, %reduce_max3A_726 : i32
      %mul3A_728 = arith.constant 16 : i32
      %mul3A_729 = arith.muli %scan3A_94, %mul3A_728 : i32
      %add3A_730 = arith.constant 8 : i32
      %add3A_731 = arith.addi %mul3A_729, %add3A_730 : i32
      %add3A_732 = arith.constant 7 : i32
      %add3A_733 = arith.addi %add3A_731, %add3A_732 : i32
      %shift_right_logical3A_734 = arith.constant 3 : i32
      %shift_right_logical3A_735 = arith.shrui %add3A_733, %shift_right_logical3A_734 : i32
      %and3A_736 = arith.constant 7 : i32
      %and3A_737 = arith.andi %add3A_733, %and3A_736 : i32
      %mul3A_738 = arith.constant 16 : i32
      %mul3A_739 = arith.muli %and3A_737, %mul3A_738 : i32
      %get3A_740 = arith.index_cast %shift_right_logical3A_735 : i32 to index
      %get3A_741 = arith.index_cast %mul3A_739 : i32 to index
      %get3A_742 = tpu.vector_load %arg8[%get3A_740, %get3A_741] {strides = array<i32>} : memref<100x128xi32, #tpu.memory_space<vmem>>, vector<16xi32>,
      %mul3A_743 = arith.constant 16 : i32
      %mul3A_744 = arith.muli %add3A_733, %mul3A_743 : i32
      %add3A_745 = arith.addi %mul3A_4, %mul3A_744 : i32
      %add3A_746 = vector.broadcast %add3A_745 : i32 to vector<16xi32>
      %add3A_747 = arith.addi %add3A_746, %iota3A : vector<16xi32>
      %lt3A_748 = arith.constant 16384 : i32
      %lt3A_749 = vector.broadcast %lt3A_748 : i32 to vector<16xi32>
      %lt3A_750 = arith.cmpi slt, %get3A_742, %lt3A_749 : vector<16xi32>
      %convert_element_type3A_751 = arith.extui %lt3A_750 : vector<16xi1> to vector<16xi32>
      %broadcast_in_dim3A_752 = arith.constant true
      %broadcast_in_dim3A_753 = vector.broadcast %broadcast_in_dim3A_752 : i1 to vector<16xi1>
      %masked_cumsum3A_754 = tpu.scan <sum>, %convert_element_type3A_751 masked %broadcast_in_dim3A_753 : vector<16xi32>, vector<16xi1> -> vector<16xi32>
      %add3A_755 = vector.broadcast %add3A_727 : i32 to vector<16xi32>
      %add3A_756 = arith.addi %add3A_755, %masked_cumsum3A_754 : vector<16xi32>
      %sub3A_757 = arith.constant 1 : i32
      %sub3A_758 = vector.broadcast %sub3A_757 : i32 to vector<16xi32>
      %sub3A_759 = arith.subi %add3A_756, %sub3A_758 : vector<16xi32>
      tpu.vector_store_idx %arg9[%sub3A_759], %get3A_742 masked %lt3A_750 : memref<12816xi32, #tpu.memory_space<vmem>>[vector<16xi32>], vector<16xi32>, vector<16xi1>
      tpu.vector_store_idx %arg10[%sub3A_759], %add3A_747 masked %lt3A_750 : memref<12816xi32, #tpu.memory_space<vmem>>[vector<16xi32>], vector<16xi32>, vector<16xi1>
      %reduce_max3A_760 = arith.constant true
      %reduce_max3A_761 = vector.broadcast %reduce_max3A_760 : i1 to vector<16xi1>
      %reduce_max3A_762 = arith.constant -2147483648 : i32
      %reduce_max3A_763 = vector.broadcast %reduce_max3A_762 : i32 to vector<16xi32>
      %reduce_max3A_764 = arith.xori %masked_cumsum3A_754, %reduce_max3A_763 : vector<16xi32>
      %reduce_max3A_765 = tpu.scan <max>, %reduce_max3A_764 masked %reduce_max3A_761 : vector<16xi32>, vector<16xi1> -> vector<16xi32>
      %reduce_max3A_766 = arith.xori %reduce_max3A_765, %reduce_max3A_763 : vector<16xi32>
      %reduce_max3A_767 = vector.extract %reduce_max3A_766[15] : i32 from vector<16xi32>
      %add3A_768 = arith.addi %add3A_727, %reduce_max3A_767 : i32
      %mul3A_769 = arith.constant 128 : i32
      %mul3A_770 = arith.muli %add3A_440, %mul3A_769 : i32
      %add3A_771 = arith.addi %mul3A_4, %mul3A_770 : i32
      %dma_wait3A_772 = arith.constant 0 : i32
      %dma_wait3A_773 = tpu.memref_slice %arg5[%add3A_771, %dma_wait3A_772] : memref<409600x64xf32, #tpu.memory_space<hbm>> -> memref<128x64xf32, #tpu.memory_space<hbm>>
      %dma_wait3A_774 = arith.constant 0 : i32
      %dma_wait3A_775 = tpu.memref_slice %arg5[%add3A_771, %dma_wait3A_774] : memref<409600x64xf32, #tpu.memory_space<hbm>> -> memref<128x64xf32, #tpu.memory_space<hbm>>
      tpu.wait_dma2 semaphore(%arg16 : memref<!tpu.dma_semaphore, #tpu.memory_space<semaphore_mem>>) src(%arg11 : memref<128x64xf32, #tpu.memory_space<vmem>>) dst(%dma_wait3A_775 : memref<128x64xf32, #tpu.memory_space<hbm>>)
      %add3A_776 = arith.constant 2 : i32
      %add3A_777 = arith.addi %add3A_440, %add3A_776 : i32
      %lt3A_778 = arith.constant 100 : i32
      %lt3A_779 = arith.cmpi slt, %add3A_777, %lt3A_778 : i32
      %convert_element_type3A_780 = arith.extui %lt3A_779 : i1 to i32
      %cond3A_781 = arith.constant 0 : i32
      %cond3A_782 = arith.cmpi ne, %convert_element_type3A_780, %cond3A_781 : i32
      scf.if %cond3A_782 {
        %mul3A_783 = arith.constant 128 : i32
        %mul3A_784 = arith.muli %add3A_777, %mul3A_783 : i32
        %add3A_785 = arith.addi %mul3A_4, %mul3A_784 : i32
        %dma_start3A_786 = arith.constant 0 : i32
        %dma_start3A_787 = tpu.memref_slice %arg5[%add3A_785, %dma_start3A_786] : memref<409600x64xf32, #tpu.memory_space<hbm>> -> memref<128x64xf32, #tpu.memory_space<hbm>>
        %dma_start3A_788 = arith.constant 0 : i32
        %dma_start3A_789 = tpu.memref_slice %arg5[%add3A_785, %dma_start3A_788] : memref<409600x64xf32, #tpu.memory_space<hbm>> -> memref<128x64xf32, #tpu.memory_space<hbm>>
        tpu.enqueue_dma source(%arg11 : memref<128x64xf32, #tpu.memory_space<vmem>>) target(%dma_start3A_789 : memref<128x64xf32, #tpu.memory_space<hbm>>) target_semaphore(%arg16 : memref<!tpu.dma_semaphore, #tpu.memory_space<semaphore_mem>>)
      } else {
      }
      scf.yield %add3A_768 : i32
    }
    %scan3A_60 = arith.constant 50 : i32
    %broadcast_in_dim3A_61 = arith.constant 0 : i32
    %broadcast_in_dim3A_62 = vector.broadcast %broadcast_in_dim3A_61 : i32 to vector<16xi32>
    %get3A = arith.constant 0 : index
    %get3A_63 = tpu.vector_load %arg9[%get3A] {strides = array<i32>} : memref<12816xi32, #tpu.memory_space<vmem>>, vector<16xi32>,
    %broadcast_in_dim3A_64 = vector.shape_cast %broadcast_in_dim3A_62 : vector<16xi32> to vector<16x1xi32>
    %gather3A = vector.shape_cast %broadcast_in_dim3A_64 : vector<16x1xi32> to vector<16xi32>
    %gather3A_65 = tpu.dynamic_gather %get3A_63[%gather3A] in [0] : vector<16xi32>, vector<16xi32> -> vector<16xi32>
    %get3A_66 = arith.constant 0 : index
    %get3A_67 = tpu.vector_load %arg10[%get3A_66] {strides = array<i32>} : memref<12816xi32, #tpu.memory_space<vmem>>, vector<16xi32>,
    %broadcast_in_dim3A_68 = vector.shape_cast %broadcast_in_dim3A_62 : vector<16xi32> to vector<16x1xi32>
    %gather3A_69 = vector.shape_cast %broadcast_in_dim3A_68 : vector<16x1xi32> to vector<16xi32>
    %gather3A_70 = tpu.dynamic_gather %get3A_67[%gather3A_69] in [0] : vector<16xi32>, vector<16xi32> -> vector<16xi32>
    %lt3A = arith.constant 8 : i32
    %lt3A_71 = vector.broadcast %lt3A : i32 to vector<16xi32>
    %lt3A_72 = arith.cmpi slt, %iota3A, %lt3A_71 : vector<16xi32>
    %add3A_73 = vector.broadcast %scan3A_59 : i32 to vector<16xi32>
    %add3A_74 = arith.addi %add3A_73, %iota3A : vector<16xi32>
    tpu.vector_store_idx %arg9[%add3A_74], %gather3A_65 masked %lt3A_72 : memref<12816xi32, #tpu.memory_space<vmem>>[vector<16xi32>], vector<16xi32>, vector<16xi1>
    %add3A_75 = vector.broadcast %scan3A_59 : i32 to vector<16xi32>
    %add3A_76 = arith.addi %add3A_75, %iota3A : vector<16xi32>
    tpu.vector_store_idx %arg10[%add3A_76], %gather3A_70 masked %lt3A_72 : memref<12816xi32, #tpu.memory_space<vmem>>[vector<16xi32>], vector<16xi32>, vector<16xi1>
    %add3A_77 = arith.constant 7 : i32
    %add3A_78 = arith.addi %scan3A_59, %add3A_77 : i32
    %not3A = arith.constant 7 : i32
    %not3A_79 = arith.constant -1 : i32
    %not3A_80 = arith.xori %not3A, %not3A_79 : i32
    %and3A = arith.andi %add3A_78, %not3A_80 : i32
    %add3A_81 = arith.constant 128 : i32
    %add3A_82 = arith.addi %and3A, %add3A_81 : i32
    %sub3A = arith.constant 1 : i32
    %sub3A_83 = arith.subi %add3A_82, %sub3A : i32
    %shift_right_logical3A = arith.constant 7 : i32
    %shift_right_logical3A_84 = arith.shrui %sub3A_83, %shift_right_logical3A : i32
    %while3A = arith.constant 0 : i32
    %while3A_85 = arith.constant 0 : i32
    %while3A_86 = arith.subi %shift_right_logical3A_84, %while3A_85 : i32
    %while3A_87 = arith.addi %while3A_85, %while3A_86 : i32
    %while3A_88 = arith.constant 1 : i32
    %while3A_89 = arith.divsi %while3A_86, %while3A_88 : i32
    %while3A_90 = arith.muli %while3A_89, %while3A_88 : i32
    %while3A_91 = arith.addi %while3A_85, %while3A_90 : i32
    %while3A_92 = arith.constant 1 : i32
    scf.for %while3A_94 = %while3A_85 to %while3A_91 step %while3A_92  : i32 {
      %mul3A_95 = arith.constant 128 : i32
      %mul3A_96 = arith.muli %while3A_94, %mul3A_95 : i32
      %sub3A_97 = arith.constant 128 : i32
      %sub3A_98 = arith.subi %and3A, %sub3A_97 : i32
      %min3A = arith.minsi %mul3A_96, %sub3A_98 : i32
      %multiple_of3A = tpu.assume_multiple %min3A, 8 : i32
      %add3A_99 = arith.constant 0 : i32
      %add3A_100 = arith.addi %multiple_of3A, %add3A_99 : i32
      %get3A_101 = arith.index_cast %add3A_100 : i32 to index
      %get3A_102 = tpu.vector_load %arg9[%get3A_101] {strides = array<i32>} : memref<12816xi32, #tpu.memory_space<vmem>>, vector<16xi32>,
      %swap3A = arith.constant 0 : index
      %swap3A_103 = tpu.vector_load %arg13[%swap3A] {strides = array<i32>} : memref<128xi32, #tpu.memory_space<vmem>>, vector<16xi32>,
      tpu.vector_store %arg13[%swap3A], %get3A_102 {strides = array<i32>} : memref<128xi32, #tpu.memory_space<vmem>>, vector<16xi32>,
      %add3A_104 = arith.constant 0 : i32
      %add3A_105 = arith.addi %multiple_of3A, %add3A_104 : i32
      %get3A_106 = arith.index_cast %add3A_105 : i32 to index
      %get3A_107 = tpu.vector_load %arg10[%get3A_106] {strides = array<i32>} : memref<12816xi32, #tpu.memory_space<vmem>>, vector<16xi32>,
      %swap3A_108 = arith.constant 0 : index
      %swap3A_109 = tpu.vector_load %arg14[%swap3A_108] {strides = array<i32>} : memref<128xi32, #tpu.memory_space<vmem>>, vector<16xi32>,
      tpu.vector_store %arg14[%swap3A_108], %get3A_107 {strides = array<i32>} : memref<128xi32, #tpu.memory_space<vmem>>, vector<16xi32>,
      %add3A_110 = arith.constant 16 : i32
      %add3A_111 = arith.addi %multiple_of3A, %add3A_110 : i32
      %get3A_112 = arith.index_cast %add3A_111 : i32 to index
      %get3A_113 = tpu.vector_load %arg9[%get3A_112] {strides = array<i32>} : memref<12816xi32, #tpu.memory_space<vmem>>, vector<16xi32>,
      %swap3A_114 = arith.constant 16 : index
      %swap3A_115 = tpu.vector_load %arg13[%swap3A_114] {strides = array<i32>} : memref<128xi32, #tpu.memory_space<vmem>>, vector<16xi32>,
      tpu.vector_store %arg13[%swap3A_114], %get3A_113 {strides = array<i32>} : memref<128xi32, #tpu.memory_space<vmem>>, vector<16xi32>,
      %add3A_116 = arith.constant 16 : i32
      %add3A_117 = arith.addi %multiple_of3A, %add3A_116 : i32
      %get3A_118 = arith.index_cast %add3A_117 : i32 to index
      %get3A_119 = tpu.vector_load %arg10[%get3A_118] {strides = array<i32>} : memref<12816xi32, #tpu.memory_space<vmem>>, vector<16xi32>,
      %swap3A_120 = arith.constant 16 : index
      %swap3A_121 = tpu.vector_load %arg14[%swap3A_120] {strides = array<i32>} : memref<128xi32, #tpu.memory_space<vmem>>, vector<16xi32>,
      tpu.vector_store %arg14[%swap3A_120], %get3A_119 {strides = array<i32>} : memref<128xi32, #tpu.memory_space<vmem>>, vector<16xi32>,
      %add3A_122 = arith.constant 32 : i32
      %add3A_123 = arith.addi %multiple_of3A, %add3A_122 : i32
      %get3A_124 = arith.index_cast %add3A_123 : i32 to index
      %get3A_125 = tpu.vector_load %arg9[%get3A_124] {strides = array<i32>} : memref<12816xi32, #tpu.memory_space<vmem>>, vector<16xi32>,
      %swap3A_126 = arith.constant 32 : index
      %swap3A_127 = tpu.vector_load %arg13[%swap3A_126] {strides = array<i32>} : memref<128xi32, #tpu.memory_space<vmem>>, vector<16xi32>,
      tpu.vector_store %arg13[%swap3A_126], %get3A_125 {strides = array<i32>} : memref<128xi32, #tpu.memory_space<vmem>>, vector<16xi32>,
      %add3A_128 = arith.constant 32 : i32
      %add3A_129 = arith.addi %multiple_of3A, %add3A_128 : i32
      %get3A_130 = arith.index_cast %add3A_129 : i32 to index
      %get3A_131 = tpu.vector_load %arg10[%get3A_130] {strides = array<i32>} : memref<12816xi32, #tpu.memory_space<vmem>>, vector<16xi32>,
      %swap3A_132 = arith.constant 32 : index
      %swap3A_133 = tpu.vector_load %arg14[%swap3A_132] {strides = array<i32>} : memref<128xi32, #tpu.memory_space<vmem>>, vector<16xi32>,
      tpu.vector_store %arg14[%swap3A_132], %get3A_131 {strides = array<i32>} : memref<128xi32, #tpu.memory_space<vmem>>, vector<16xi32>,
      %add3A_134 = arith.constant 48 : i32
      %add3A_135 = arith.addi %multiple_of3A, %add3A_134 : i32
      %get3A_136 = arith.index_cast %add3A_135 : i32 to index
      %get3A_137 = tpu.vector_load %arg9[%get3A_136] {strides = array<i32>} : memref<12816xi32, #tpu.memory_space<vmem>>, vector<16xi32>,
      %swap3A_138 = arith.constant 48 : index
      %swap3A_139 = tpu.vector_load %arg13[%swap3A_138] {strides = array<i32>} : memref<128xi32, #tpu.memory_space<vmem>>, vector<16xi32>,
      tpu.vector_store %arg13[%swap3A_138], %get3A_137 {strides = array<i32>} : memref<128xi32, #tpu.memory_space<vmem>>, vector<16xi32>,
      %add3A_140 = arith.constant 48 : i32
      %add3A_141 = arith.addi %multiple_of3A, %add3A_140 : i32
      %get3A_142 = arith.index_cast %add3A_141 : i32 to index
      %get3A_143 = tpu.vector_load %arg10[%get3A_142] {strides = array<i32>} : memref<12816xi32, #tpu.memory_space<vmem>>, vector<16xi32>,
      %swap3A_144 = arith.constant 48 : index
      %swap3A_145 = tpu.vector_load %arg14[%swap3A_144] {strides = array<i32>} : memref<128xi32, #tpu.memory_space<vmem>>, vector<16xi32>,
      tpu.vector_store %arg14[%swap3A_144], %get3A_143 {strides = array<i32>} : memref<128xi32, #tpu.memory_space<vmem>>, vector<16xi32>,
      %add3A_146 = arith.constant 64 : i32
      %add3A_147 = arith.addi %multiple_of3A, %add3A_146 : i32
      %get3A_148 = arith.index_cast %add3A_147 : i32 to index
      %get3A_149 = tpu.vector_load %arg9[%get3A_148] {strides = array<i32>} : memref<12816xi32, #tpu.memory_space<vmem>>, vector<16xi32>,
      %swap3A_150 = arith.constant 64 : index
      %swap3A_151 = tpu.vector_load %arg13[%swap3A_150] {strides = array<i32>} : memref<128xi32, #tpu.memory_space<vmem>>, vector<16xi32>,
      tpu.vector_store %arg13[%swap3A_150], %get3A_149 {strides = array<i32>} : memref<128xi32, #tpu.memory_space<vmem>>, vector<16xi32>,
      %add3A_152 = arith.constant 64 : i32
      %add3A_153 = arith.addi %multiple_of3A, %add3A_152 : i32
      %get3A_154 = arith.index_cast %add3A_153 : i32 to index
      %get3A_155 = tpu.vector_load %arg10[%get3A_154] {strides = array<i32>} : memref<12816xi32, #tpu.memory_space<vmem>>, vector<16xi32>,
      %swap3A_156 = arith.constant 64 : index
      %swap3A_157 = tpu.vector_load %arg14[%swap3A_156] {strides = array<i32>} : memref<128xi32, #tpu.memory_space<vmem>>, vector<16xi32>,
      tpu.vector_store %arg14[%swap3A_156], %get3A_155 {strides = array<i32>} : memref<128xi32, #tpu.memory_space<vmem>>, vector<16xi32>,
      %add3A_158 = arith.constant 80 : i32
      %add3A_159 = arith.addi %multiple_of3A, %add3A_158 : i32
      %get3A_160 = arith.index_cast %add3A_159 : i32 to index
      %get3A_161 = tpu.vector_load %arg9[%get3A_160] {strides = array<i32>} : memref<12816xi32, #tpu.memory_space<vmem>>, vector<16xi32>,
      %swap3A_162 = arith.constant 80 : index
      %swap3A_163 = tpu.vector_load %arg13[%swap3A_162] {strides = array<i32>} : memref<128xi32, #tpu.memory_space<vmem>>, vector<16xi32>,
      tpu.vector_store %arg13[%swap3A_162], %get3A_161 {strides = array<i32>} : memref<128xi32, #tpu.memory_space<vmem>>, vector<16xi32>,
      %add3A_164 = arith.constant 80 : i32
      %add3A_165 = arith.addi %multiple_of3A, %add3A_164 : i32
      %get3A_166 = arith.index_cast %add3A_165 : i32 to index
      %get3A_167 = tpu.vector_load %arg10[%get3A_166] {strides = array<i32>} : memref<12816xi32, #tpu.memory_space<vmem>>, vector<16xi32>,
      %swap3A_168 = arith.constant 80 : index
      %swap3A_169 = tpu.vector_load %arg14[%swap3A_168] {strides = array<i32>} : memref<128xi32, #tpu.memory_space<vmem>>, vector<16xi32>,
      tpu.vector_store %arg14[%swap3A_168], %get3A_167 {strides = array<i32>} : memref<128xi32, #tpu.memory_space<vmem>>, vector<16xi32>,
      %add3A_170 = arith.constant 96 : i32
      %add3A_171 = arith.addi %multiple_of3A, %add3A_170 : i32
      %get3A_172 = arith.index_cast %add3A_171 : i32 to index
      %get3A_173 = tpu.vector_load %arg9[%get3A_172] {strides = array<i32>} : memref<12816xi32, #tpu.memory_space<vmem>>, vector<16xi32>,
      %swap3A_174 = arith.constant 96 : index
      %swap3A_175 = tpu.vector_load %arg13[%swap3A_174] {strides = array<i32>} : memref<128xi32, #tpu.memory_space<vmem>>, vector<16xi32>,
      tpu.vector_store %arg13[%swap3A_174], %get3A_173 {strides = array<i32>} : memref<128xi32, #tpu.memory_space<vmem>>, vector<16xi32>,
      %add3A_176 = arith.constant 96 : i32
      %add3A_177 = arith.addi %multiple_of3A, %add3A_176 : i32
      %get3A_178 = arith.index_cast %add3A_177 : i32 to index
      %get3A_179 = tpu.vector_load %arg10[%get3A_178] {strides = array<i32>} : memref<12816xi32, #tpu.memory_space<vmem>>, vector<16xi32>,
      %swap3A_180 = arith.constant 96 : index
      %swap3A_181 = tpu.vector_load %arg14[%swap3A_180] {strides = array<i32>} : memref<128xi32, #tpu.memory_space<vmem>>, vector<16xi32>,
      tpu.vector_store %arg14[%swap3A_180], %get3A_179 {strides = array<i32>} : memref<128xi32, #tpu.memory_space<vmem>>, vector<16xi32>,
      %add3A_182 = arith.constant 112 : i32
      %add3A_183 = arith.addi %multiple_of3A, %add3A_182 : i32
      %get3A_184 = arith.index_cast %add3A_183 : i32 to index
      %get3A_185 = tpu.vector_load %arg9[%get3A_184] {strides = array<i32>} : memref<12816xi32, #tpu.memory_space<vmem>>, vector<16xi32>,
      %swap3A_186 = arith.constant 112 : index
      %swap3A_187 = tpu.vector_load %arg13[%swap3A_186] {strides = array<i32>} : memref<128xi32, #tpu.memory_space<vmem>>, vector<16xi32>,
      tpu.vector_store %arg13[%swap3A_186], %get3A_185 {strides = array<i32>} : memref<128xi32, #tpu.memory_space<vmem>>, vector<16xi32>,
      %add3A_188 = arith.constant 112 : i32
      %add3A_189 = arith.addi %multiple_of3A, %add3A_188 : i32
      %get3A_190 = arith.index_cast %add3A_189 : i32 to index
      %get3A_191 = tpu.vector_load %arg10[%get3A_190] {strides = array<i32>} : memref<12816xi32, #tpu.memory_space<vmem>>, vector<16xi32>,
      %swap3A_192 = arith.constant 112 : index
      %swap3A_193 = tpu.vector_load %arg14[%swap3A_192] {strides = array<i32>} : memref<128xi32, #tpu.memory_space<vmem>>, vector<16xi32>,
      tpu.vector_store %arg14[%swap3A_192], %get3A_191 {strides = array<i32>} : memref<128xi32, #tpu.memory_space<vmem>>, vector<16xi32>,
      %dma_start3A_194 = arith.constant 0 : i32
      %dma_start3A_195 = arith.constant 0 : i32
      %dma_start3A_196 = tpu.memref_slice %arg4[%dma_start3A_194, %dma_start3A_195] : memref<16384x64xf32, #tpu.memory_space<hbm>> -> memref<16384x64xf32, #tpu.memory_space<hbm>>
      tpu.enqueue_indirect_dma source(%dma_start3A_196 : memref<16384x64xf32, #tpu.memory_space<hbm>>) target(%arg12 : memref<128x64xf32, #tpu.memory_space<vmem>>) offsets(%arg13 : memref<128xi32, #tpu.memory_space<vmem>>) semaphore(%arg17 : memref<!tpu.dma_semaphore, #tpu.memory_space<semaphore_mem>>)
      %dma_wait3A = arith.constant 0 : i32
      %dma_wait3A_197 = arith.constant 0 : i32
      %dma_wait3A_198 = tpu.memref_slice %arg4[%dma_wait3A, %dma_wait3A_197] : memref<16384x64xf32, #tpu.memory_space<hbm>> -> memref<16384x64xf32, #tpu.memory_space<hbm>>
      tpu.wait_indirect_dma semaphore(%arg17 : memref<!tpu.dma_semaphore, #tpu.memory_space<semaphore_mem>>) src(%dma_wait3A_198 : memref<16384x64xf32, #tpu.memory_space<hbm>>) dst(%arg12 : memref<128x64xf32, #tpu.memory_space<vmem>>)
      %dma_start3A_199 = arith.constant 0 : i32
      %dma_start3A_200 = arith.constant 0 : i32
      %dma_start3A_201 = tpu.memref_slice %arg5[%dma_start3A_199, %dma_start3A_200] : memref<409600x64xf32, #tpu.memory_space<hbm>> -> memref<409600x64xf32, #tpu.memory_space<hbm>>
      tpu.enqueue_indirect_dma source(%arg12 : memref<128x64xf32, #tpu.memory_space<vmem>>) target(%dma_start3A_201 : memref<409600x64xf32, #tpu.memory_space<hbm>>) offsets(%arg14 : memref<128xi32, #tpu.memory_space<vmem>>) semaphore(%arg18 : memref<!tpu.dma_semaphore, #tpu.memory_space<semaphore_mem>>)
      %dma_wait3A_202 = arith.constant 0 : i32
      %dma_wait3A_203 = arith.constant 0 : i32
      %dma_wait3A_204 = tpu.memref_slice %arg5[%dma_wait3A_202, %dma_wait3A_203] : memref<409600x64xf32, #tpu.memory_space<hbm>> -> memref<409600x64xf32, #tpu.memory_space<hbm>>
      tpu.wait_indirect_dma semaphore(%arg18 : memref<!tpu.dma_semaphore, #tpu.memory_space<semaphore_mem>>) src(%arg12 : memref<128x64xf32, #tpu.memory_space<vmem>>) dst(%dma_wait3A_204 : memref<409600x64xf32, #tpu.memory_space<hbm>>)
    }
    %while3A_93 = arith.constant 1 : i32
    scf.for %while3A_94 = %while3A_91 to %while3A_87 step %while3A_93  : i32 {
      %mul3A_95 = arith.constant 128 : i32
      %mul3A_96 = arith.muli %while3A_94, %mul3A_95 : i32
      %sub3A_97 = arith.constant 128 : i32
      %sub3A_98 = arith.subi %and3A, %sub3A_97 : i32
      %min3A = arith.minsi %mul3A_96, %sub3A_98 : i32
      %multiple_of3A = tpu.assume_multiple %min3A, 8 : i32
      %add3A_99 = arith.constant 0 : i32
      %add3A_100 = arith.addi %multiple_of3A, %add3A_99 : i32
      %get3A_101 = arith.index_cast %add3A_100 : i32 to index
      %get3A_102 = tpu.vector_load %arg9[%get3A_101] {strides = array<i32>} : memref<12816xi32, #tpu.memory_space<vmem>>, vector<16xi32>,
      %swap3A = arith.constant 0 : index
      %swap3A_103 = tpu.vector_load %arg13[%swap3A] {strides = array<i32>} : memref<128xi32, #tpu.memory_space<vmem>>, vector<16xi32>,
      tpu.vector_store %arg13[%swap3A], %get3A_102 {strides = array<i32>} : memref<128xi32, #tpu.memory_space<vmem>>, vector<16xi32>,
      %add3A_104 = arith.constant 0 : i32
      %add3A_105 = arith.addi %multiple_of3A, %add3A_104 : i32
      %get3A_106 = arith.index_cast %add3A_105 : i32 to index
      %get3A_107 = tpu.vector_load %arg10[%get3A_106] {strides = array<i32>} : memref<12816xi32, #tpu.memory_space<vmem>>, vector<16xi32>,
      %swap3A_108 = arith.constant 0 : index
      %swap3A_109 = tpu.vector_load %arg14[%swap3A_108] {strides = array<i32>} : memref<128xi32, #tpu.memory_space<vmem>>, vector<16xi32>,
      tpu.vector_store %arg14[%swap3A_108], %get3A_107 {strides = array<i32>} : memref<128xi32, #tpu.memory_space<vmem>>, vector<16xi32>,
      %add3A_110 = arith.constant 16 : i32
      %add3A_111 = arith.addi %multiple_of3A, %add3A_110 : i32
      %get3A_112 = arith.index_cast %add3A_111 : i32 to index
      %get3A_113 = tpu.vector_load %arg9[%get3A_112] {strides = array<i32>} : memref<12816xi32, #tpu.memory_space<vmem>>, vector<16xi32>,
      %swap3A_114 = arith.constant 16 : index
      %swap3A_115 = tpu.vector_load %arg13[%swap3A_114] {strides = array<i32>} : memref<128xi32, #tpu.memory_space<vmem>>, vector<16xi32>,
      tpu.vector_store %arg13[%swap3A_114], %get3A_113 {strides = array<i32>} : memref<128xi32, #tpu.memory_space<vmem>>, vector<16xi32>,
      %add3A_116 = arith.constant 16 : i32
      %add3A_117 = arith.addi %multiple_of3A, %add3A_116 : i32
      %get3A_118 = arith.index_cast %add3A_117 : i32 to index
      %get3A_119 = tpu.vector_load %arg10[%get3A_118] {strides = array<i32>} : memref<12816xi32, #tpu.memory_space<vmem>>, vector<16xi32>,
      %swap3A_120 = arith.constant 16 : index
      %swap3A_121 = tpu.vector_load %arg14[%swap3A_120] {strides = array<i32>} : memref<128xi32, #tpu.memory_space<vmem>>, vector<16xi32>,
      tpu.vector_store %arg14[%swap3A_120], %get3A_119 {strides = array<i32>} : memref<128xi32, #tpu.memory_space<vmem>>, vector<16xi32>,
      %add3A_122 = arith.constant 32 : i32
      %add3A_123 = arith.addi %multiple_of3A, %add3A_122 : i32
      %get3A_124 = arith.index_cast %add3A_123 : i32 to index
      %get3A_125 = tpu.vector_load %arg9[%get3A_124] {strides = array<i32>} : memref<12816xi32, #tpu.memory_space<vmem>>, vector<16xi32>,
      %swap3A_126 = arith.constant 32 : index
      %swap3A_127 = tpu.vector_load %arg13[%swap3A_126] {strides = array<i32>} : memref<128xi32, #tpu.memory_space<vmem>>, vector<16xi32>,
      tpu.vector_store %arg13[%swap3A_126], %get3A_125 {strides = array<i32>} : memref<128xi32, #tpu.memory_space<vmem>>, vector<16xi32>,
      %add3A_128 = arith.constant 32 : i32
      %add3A_129 = arith.addi %multiple_of3A, %add3A_128 : i32
      %get3A_130 = arith.index_cast %add3A_129 : i32 to index
      %get3A_131 = tpu.vector_load %arg10[%get3A_130] {strides = array<i32>} : memref<12816xi32, #tpu.memory_space<vmem>>, vector<16xi32>,
      %swap3A_132 = arith.constant 32 : index
      %swap3A_133 = tpu.vector_load %arg14[%swap3A_132] {strides = array<i32>} : memref<128xi32, #tpu.memory_space<vmem>>, vector<16xi32>,
      tpu.vector_store %arg14[%swap3A_132], %get3A_131 {strides = array<i32>} : memref<128xi32, #tpu.memory_space<vmem>>, vector<16xi32>,
      %add3A_134 = arith.constant 48 : i32
      %add3A_135 = arith.addi %multiple_of3A, %add3A_134 : i32
      %get3A_136 = arith.index_cast %add3A_135 : i32 to index
      %get3A_137 = tpu.vector_load %arg9[%get3A_136] {strides = array<i32>} : memref<12816xi32, #tpu.memory_space<vmem>>, vector<16xi32>,
      %swap3A_138 = arith.constant 48 : index
      %swap3A_139 = tpu.vector_load %arg13[%swap3A_138] {strides = array<i32>} : memref<128xi32, #tpu.memory_space<vmem>>, vector<16xi32>,
      tpu.vector_store %arg13[%swap3A_138], %get3A_137 {strides = array<i32>} : memref<128xi32, #tpu.memory_space<vmem>>, vector<16xi32>,
      %add3A_140 = arith.constant 48 : i32
      %add3A_141 = arith.addi %multiple_of3A, %add3A_140 : i32
      %get3A_142 = arith.index_cast %add3A_141 : i32 to index
      %get3A_143 = tpu.vector_load %arg10[%get3A_142] {strides = array<i32>} : memref<12816xi32, #tpu.memory_space<vmem>>, vector<16xi32>,
      %swap3A_144 = arith.constant 48 : index
      %swap3A_145 = tpu.vector_load %arg14[%swap3A_144] {strides = array<i32>} : memref<128xi32, #tpu.memory_space<vmem>>, vector<16xi32>,
      tpu.vector_store %arg14[%swap3A_144], %get3A_143 {strides = array<i32>} : memref<128xi32, #tpu.memory_space<vmem>>, vector<16xi32>,
      %add3A_146 = arith.constant 64 : i32
      %add3A_147 = arith.addi %multiple_of3A, %add3A_146 : i32
      %get3A_148 = arith.index_cast %add3A_147 : i32 to index
      %get3A_149 = tpu.vector_load %arg9[%get3A_148] {strides = array<i32>} : memref<12816xi32, #tpu.memory_space<vmem>>, vector<16xi32>,
      %swap3A_150 = arith.constant 64 : index
      %swap3A_151 = tpu.vector_load %arg13[%swap3A_150] {strides = array<i32>} : memref<128xi32, #tpu.memory_space<vmem>>, vector<16xi32>,
      tpu.vector_store %arg13[%swap3A_150], %get3A_149 {strides = array<i32>} : memref<128xi32, #tpu.memory_space<vmem>>, vector<16xi32>,
      %add3A_152 = arith.constant 64 : i32
      %add3A_153 = arith.addi %multiple_of3A, %add3A_152 : i32
      %get3A_154 = arith.index_cast %add3A_153 : i32 to index
      %get3A_155 = tpu.vector_load %arg10[%get3A_154] {strides = array<i32>} : memref<12816xi32, #tpu.memory_space<vmem>>, vector<16xi32>,
      %swap3A_156 = arith.constant 64 : index
      %swap3A_157 = tpu.vector_load %arg14[%swap3A_156] {strides = array<i32>} : memref<128xi32, #tpu.memory_space<vmem>>, vector<16xi32>,
      tpu.vector_store %arg14[%swap3A_156], %get3A_155 {strides = array<i32>} : memref<128xi32, #tpu.memory_space<vmem>>, vector<16xi32>,
      %add3A_158 = arith.constant 80 : i32
      %add3A_159 = arith.addi %multiple_of3A, %add3A_158 : i32
      %get3A_160 = arith.index_cast %add3A_159 : i32 to index
      %get3A_161 = tpu.vector_load %arg9[%get3A_160] {strides = array<i32>} : memref<12816xi32, #tpu.memory_space<vmem>>, vector<16xi32>,
      %swap3A_162 = arith.constant 80 : index
      %swap3A_163 = tpu.vector_load %arg13[%swap3A_162] {strides = array<i32>} : memref<128xi32, #tpu.memory_space<vmem>>, vector<16xi32>,
      tpu.vector_store %arg13[%swap3A_162], %get3A_161 {strides = array<i32>} : memref<128xi32, #tpu.memory_space<vmem>>, vector<16xi32>,
      %add3A_164 = arith.constant 80 : i32
      %add3A_165 = arith.addi %multiple_of3A, %add3A_164 : i32
      %get3A_166 = arith.index_cast %add3A_165 : i32 to index
      %get3A_167 = tpu.vector_load %arg10[%get3A_166] {strides = array<i32>} : memref<12816xi32, #tpu.memory_space<vmem>>, vector<16xi32>,
      %swap3A_168 = arith.constant 80 : index
      %swap3A_169 = tpu.vector_load %arg14[%swap3A_168] {strides = array<i32>} : memref<128xi32, #tpu.memory_space<vmem>>, vector<16xi32>,
      tpu.vector_store %arg14[%swap3A_168], %get3A_167 {strides = array<i32>} : memref<128xi32, #tpu.memory_space<vmem>>, vector<16xi32>,
      %add3A_170 = arith.constant 96 : i32
      %add3A_171 = arith.addi %multiple_of3A, %add3A_170 : i32
      %get3A_172 = arith.index_cast %add3A_171 : i32 to index
      %get3A_173 = tpu.vector_load %arg9[%get3A_172] {strides = array<i32>} : memref<12816xi32, #tpu.memory_space<vmem>>, vector<16xi32>,
      %swap3A_174 = arith.constant 96 : index
      %swap3A_175 = tpu.vector_load %arg13[%swap3A_174] {strides = array<i32>} : memref<128xi32, #tpu.memory_space<vmem>>, vector<16xi32>,
      tpu.vector_store %arg13[%swap3A_174], %get3A_173 {strides = array<i32>} : memref<128xi32, #tpu.memory_space<vmem>>, vector<16xi32>,
      %add3A_176 = arith.constant 96 : i32
      %add3A_177 = arith.addi %multiple_of3A, %add3A_176 : i32
      %get3A_178 = arith.index_cast %add3A_177 : i32 to index
      %get3A_179 = tpu.vector_load %arg10[%get3A_178] {strides = array<i32>} : memref<12816xi32, #tpu.memory_space<vmem>>, vector<16xi32>,
      %swap3A_180 = arith.constant 96 : index
      %swap3A_181 = tpu.vector_load %arg14[%swap3A_180] {strides = array<i32>} : memref<128xi32, #tpu.memory_space<vmem>>, vector<16xi32>,
      tpu.vector_store %arg14[%swap3A_180], %get3A_179 {strides = array<i32>} : memref<128xi32, #tpu.memory_space<vmem>>, vector<16xi32>,
      %add3A_182 = arith.constant 112 : i32
      %add3A_183 = arith.addi %multiple_of3A, %add3A_182 : i32
      %get3A_184 = arith.index_cast %add3A_183 : i32 to index
      %get3A_185 = tpu.vector_load %arg9[%get3A_184] {strides = array<i32>} : memref<12816xi32, #tpu.memory_space<vmem>>, vector<16xi32>,
      %swap3A_186 = arith.constant 112 : index
      %swap3A_187 = tpu.vector_load %arg13[%swap3A_186] {strides = array<i32>} : memref<128xi32, #tpu.memory_space<vmem>>, vector<16xi32>,
      tpu.vector_store %arg13[%swap3A_186], %get3A_185 {strides = array<i32>} : memref<128xi32, #tpu.memory_space<vmem>>, vector<16xi32>,
      %add3A_188 = arith.constant 112 : i32
      %add3A_189 = arith.addi %multiple_of3A, %add3A_188 : i32
      %get3A_190 = arith.index_cast %add3A_189 : i32 to index
      %get3A_191 = tpu.vector_load %arg10[%get3A_190] {strides = array<i32>} : memref<12816xi32, #tpu.memory_space<vmem>>, vector<16xi32>,
      %swap3A_192 = arith.constant 112 : index
      %swap3A_193 = tpu.vector_load %arg14[%swap3A_192] {strides = array<i32>} : memref<128xi32, #tpu.memory_space<vmem>>, vector<16xi32>,
      tpu.vector_store %arg14[%swap3A_192], %get3A_191 {strides = array<i32>} : memref<128xi32, #tpu.memory_space<vmem>>, vector<16xi32>,
      %dma_start3A_194 = arith.constant 0 : i32
      %dma_start3A_195 = arith.constant 0 : i32
      %dma_start3A_196 = tpu.memref_slice %arg4[%dma_start3A_194, %dma_start3A_195] : memref<16384x64xf32, #tpu.memory_space<hbm>> -> memref<16384x64xf32, #tpu.memory_space<hbm>>
      tpu.enqueue_indirect_dma source(%dma_start3A_196 : memref<16384x64xf32, #tpu.memory_space<hbm>>) target(%arg12 : memref<128x64xf32, #tpu.memory_space<vmem>>) offsets(%arg13 : memref<128xi32, #tpu.memory_space<vmem>>) semaphore(%arg17 : memref<!tpu.dma_semaphore, #tpu.memory_space<semaphore_mem>>)
      %dma_wait3A = arith.constant 0 : i32
      %dma_wait3A_197 = arith.constant 0 : i32
      %dma_wait3A_198 = tpu.memref_slice %arg4[%dma_wait3A, %dma_wait3A_197] : memref<16384x64xf32, #tpu.memory_space<hbm>> -> memref<16384x64xf32, #tpu.memory_space<hbm>>
      tpu.wait_indirect_dma semaphore(%arg17 : memref<!tpu.dma_semaphore, #tpu.memory_space<semaphore_mem>>) src(%dma_wait3A_198 : memref<16384x64xf32, #tpu.memory_space<hbm>>) dst(%arg12 : memref<128x64xf32, #tpu.memory_space<vmem>>)
      %dma_start3A_199 = arith.constant 0 : i32
      %dma_start3A_200 = arith.constant 0 : i32
      %dma_start3A_201 = tpu.memref_slice %arg5[%dma_start3A_199, %dma_start3A_200] : memref<409600x64xf32, #tpu.memory_space<hbm>> -> memref<409600x64xf32, #tpu.memory_space<hbm>>
      tpu.enqueue_indirect_dma source(%arg12 : memref<128x64xf32, #tpu.memory_space<vmem>>) target(%dma_start3A_201 : memref<409600x64xf32, #tpu.memory_space<hbm>>) offsets(%arg14 : memref<128xi32, #tpu.memory_space<vmem>>) semaphore(%arg18 : memref<!tpu.dma_semaphore, #tpu.memory_space<semaphore_mem>>)
      %dma_wait3A_202 = arith.constant 0 : i32
      %dma_wait3A_203 = arith.constant 0 : i32
      %dma_wait3A_204 = tpu.memref_slice %arg5[%dma_wait3A_202, %dma_wait3A_203] : memref<409600x64xf32, #tpu.memory_space<hbm>> -> memref<409600x64xf32, #tpu.memory_space<hbm>>
      tpu.wait_indirect_dma semaphore(%arg18 : memref<!tpu.dma_semaphore, #tpu.memory_space<semaphore_mem>>) src(%arg12 : memref<128x64xf32, #tpu.memory_space<vmem>>) dst(%dma_wait3A_204 : memref<409600x64xf32, #tpu.memory_space<hbm>>)
    }
    return
  }
}

</mosaic_0001>

<sc_bundles>
// kernel: kernel.4.cloned.1.call-start
scs
__scs_entry_jumppad:
0x0: {  	(pc) =	sbr.rel $0x88, $3  }
0x1: {  	(tag) =	ssettag $0x0;
	lr =	simm.s32 $0x1  }
0x2: {  	[smem:$0x3F9F] =	sst lr;
	_ =	strace $0xD0000000  }
0x3: {  	_ = 	snop  }
0x4: {  	_ = 	snop  }
0x5: {  	_ = 	snop  }
0x6: {  	_ = 	snop  }
0x7: {  	_ = 	snop  }
__scs_overlays_trampoline_lowered:
0x8: {  	[smem:$0x3FAE] =	sst s0  }
0x9: {  	[smem:$0x3FAF] =	sst s1  }
0xa: {  	[smem:$0x3FB0] =	sst s2  }
0xb: {  	[smem:$0x3FB1] =	sst s3  }
0xc: {  	[smem:$0x3FB2] =	sst s4  }
0xd: {  	[smem:$0x3FB3] =	sst s5  }
0xe: {  	[smem:$0x3FB4] =	sst s6  }
0xf: {  	[smem:$0x3FB5] =	sst s7  }
0x10: {  	[smem:$0x3FB6] =	sst s8  }
0x11: {  	[smem:$0x3FB7] =	sst s9;
	s0 =	simm.s32 @!p0 $0x0  }
0x12: {  	s1 =	sld [smem:$0x3F9D];
	s0 =	simm.s32 @p0 $0x1  }
0x13: {  	[smem:$0x3FB8] =	sst s0;
	s0 =	simm.s32 @!p1 $0x0  }
0x14: {  	s2 =	sld [smem:$0x3F9C];
	s0 =	simm.s32 @p1 $0x1  }
0x15: {  	[smem:$0x3FB9] =	sst s0;
	s0 =	simm.s32 @!p2 $0x0  }
0x16: {  	s3 =	sld [smem:$0x3FDB];
	s0 =	simm.s32 @p2 $0x1  }
0x17: {  	s4 =	simm.s32 $0x1BF5;
	[smem:$0x3FBB] =	sst s0  }
0x18: {  	s0 =	sld [smem:$0x3F9E];
	_ =	swait.ge [sflag:s4], $0x0  }
0x19: {  	s7 =	sld [smem:$0x3F9F]  }
0x1a: {  	s8 =	sadd.s32 $0xFFFFE003, lr  }
0x1b: {  	s9 =	sadd.s32 $0xFFFFFEF7, lr;
	s5 =	simm.s32 $0xFFFFFFFF;
	p2 =	slt.u32 s8, $0xFFFFF086  }
0x1c: {  	p1 =	slt.u32 s9, $0xF7A;
	s5 =	simm.s32 @!p2 $0x0  }
0x1d: {  	s5 =	simm.s32 @p1 $0x1;
	p0 =	seq.s32 s7, s2  }
0x1e: {  	s7 =	smul.u32 @!p0 $0xF7A, s2;
	p2 =	seq.s32 @!p0 s5, $0x0  }
0x1f: {  	s9 =	smul.u32 $0xF7A, s1;
	s8 =	simm.s32 @!p0 $0x1BF5;
	p2 =	por !p2, p0  }
0x20: {  	[sflag:s8] =	ssyncset.s32 @!p0 $0xFFFFF086;
	s6 =	sadd.s32 @!p0 s3, s7;
	s7 =	simm.s32 @!p0 $0x108  }
0x21: {  	s3 =	sadd.s32 s3, s9;
	s6 =	sadd.s32 @!p0 $0x88, s6;
	s7 =	simm.s32 @p2 $0x1082  }
0x22: {  	[simem:s7], [sflag:s8] =	dma.local @!p0 [hbm:s6], $0xF7A  }
0x23: {  	s9 =	sor.u32 $0xD0000000, s2;
	s6 =	simm.s32 $0x108;
	_ =	swait.ge @!p0 [sflag:s8], $0x0  }
0x24: {  	s3 =	sadd.s32 $0x88, s3;
	s6 =	simm.s32 @!p1 $0x1082;
	[sflag:s4] =	ssyncset.s32 $0xFFFFF086  }
0x25: {  	[simem:s6], [sflag:s4] =	dma.local [hbm:s3], $0xF7A  }
0x26: {  	[smem:$0x3F9F] =	sst s1;
	(tag) =	ssettag s2;
	_ =	strace s9  }
0x27: {  	s1 =	sld [smem:$0x3FAF]  }
0x28: {  	s2 =	sld [smem:$0x3FB0]  }
0x29: {  	s4 =	sld [smem:$0x3FB2]  }
0x2a: {  	p0 =	seq.s32 s5, $0x0;
	s5 =	sld [smem:$0x3FB3]  }
0x2b: {  	s6 =	sld [smem:$0x3FB4]  }
0x2c: {  	s7 =	sld [smem:$0x3FB5]  }
0x2d: {  	s3 =	simm.s32 $0x108;
	s8 =	sld [smem:$0x3FB6]  }
0x2e: {  	s3 =	simm.s32 @!p0 $0x1082;
	s9 =	sld [smem:$0x3FB7]  }
0x2f: {  	lr =	sadd.s32 s0, s3;
	s0 =	sld [smem:$0x3FAE]  }
0x30: {  	s3 =	sld [smem:$0x3FB1]  }
0x31: {  	[smem:$0x3FBA] =	sst s10  }
0x32: {  	s10 =	sld [smem:$0x3FB8];
	_ =	sdelay $0x3  }
0x33: {  	p0 =	seq.s32 s10, $0x1;
	s10 =	sld [smem:$0x3FBA];
	_ =	sdelay $0x3  }
0x34: {  	[smem:$0x3FBA] =	sst s10  }
0x35: {  	s10 =	sld [smem:$0x3FB9];
	_ =	sdelay $0x3  }
0x36: {  	p1 =	seq.s32 s10, $0x1;
	s10 =	sld [smem:$0x3FBA];
	_ =	sdelay $0x3  }
0x37: {  	[smem:$0x3FBA] =	sst s10  }
0x38: {  	s10 =	sld [smem:$0x3FBB]  }
0x39: {  	_ = 	snop;
	(pc) =	sbr.ind lr, $3  }
0x3a: {  	_ = 	snop  }
0x3b: {  	_ = 	snop  }
0x3c: {  	p2 =	seq.s32 s10, $0x1;
	s10 =	sld [smem:$0x3FBA]  }
0x3d: {  	_ =	shalt  }
0x3e: {  	_ =	shalt  }
0x3f: {  	_ =	shalt  }
0x40: {  	_ =	shalt  }
0x41: {  	_ =	shalt  }
0x42: {  	_ =	shalt  }
0x43: {  	_ =	shalt  }
0x44: {  	_ =	shalt  }
0x45: {  	_ =	shalt  }
0x46: {  	_ =	shalt  }
0x47: {  	_ =	shalt  }
0x48: {  	_ =	shalt  }
0x49: {  	_ =	shalt  }
0x4a: {  	_ =	shalt  }
0x4b: {  	_ =	shalt  }
0x4c: {  	_ =	shalt  }
0x4d: {  	_ =	shalt  }
0x4e: {  	_ =	shalt  }
0x4f: {  	_ =	shalt  }
0x50: {  	_ =	shalt  }
0x51: {  	_ =	shalt  }
0x52: {  	_ =	shalt  }
0x53: {  	_ =	shalt  }
0x54: {  	_ =	shalt  }
0x55: {  	_ =	shalt  }
0x56: {  	_ =	shalt  }
0x57: {  	_ =	shalt  }
0x58: {  	_ =	shalt  }
0x59: {  	_ =	shalt  }
0x5a: {  	_ =	shalt  }
0x5b: {  	_ =	shalt  }
0x5c: {  	_ =	shalt  }
0x5d: {  	_ =	shalt  }
0x5e: {  	_ =	shalt  }
0x5f: {  	_ =	shalt  }
0x60: {  	_ =	shalt  }
0x61: {  	_ =	shalt  }
0x62: {  	_ =	shalt  }
0x63: {  	_ =	shalt  }
0x64: {  	_ =	shalt  }
0x65: {  	_ =	shalt  }
0x66: {  	_ =	shalt  }
0x67: {  	_ =	shalt  }
0x68: {  	_ =	shalt  }
0x69: {  	_ =	shalt  }
0x6a: {  	_ =	shalt  }
0x6b: {  	_ =	shalt  }
0x6c: {  	_ =	shalt  }
0x6d: {  	_ =	shalt  }
0x6e: {  	_ =	shalt  }
0x6f: {  	_ =	shalt  }
0x70: {  	_ =	shalt  }
0x71: {  	_ =	shalt  }
0x72: {  	_ =	shalt  }
0x73: {  	_ =	shalt  }
0x74: {  	_ =	shalt  }
0x75: {  	_ =	shalt  }
0x76: {  	_ =	shalt  }
0x77: {  	_ =	shalt  }
0x78: {  	_ =	shalt  }
0x79: {  	_ =	shalt  }
0x7a: {  	_ =	shalt  }
0x7b: {  	_ =	shalt  }
0x7c: {  	_ =	shalt  }
0x7d: {  	_ =	shalt  }
0x7e: {  	_ =	shalt  }
0x7f: {  	_ =	shalt  }
0x80: {  	_ =	shalt  }
0x81: {  	_ =	shalt  }
0x82: {  	_ =	shalt  }
0x83: {  	_ =	shalt  }
0x84: {  	_ =	shalt  }
0x85: {  	_ =	shalt  }
0x86: {  	_ =	shalt  }
0x87: {  	_ =	shalt  }
.Lfunc_end0:
.L_simem_size_0:
called_computation.1_lowered:
.L_overlay_start_0:
0x88: {  	s2 =	sld [smem:$0x3FD9]  }
0x89: {  	s3 =	sld [smem:$0x3FFE];
	_ =	sdelay $0x1  }
0x8a: {  	s1 =	srdreg.scid  }
0x8b: {  	s0 =	sand.u32 $0x1, s1  }
0x8c: {  	s16 =	sshll.u32 s0, $0xA;
	s2 =	sadd.s32 s3, s2  }
0x8d: {  	s2 =	sadd.s32 s2, s16  }
0x8e: {  	[smem:$0x3FC6] =	sst s2  }
0x8f: {  	_ = 	snop  }
0x90: {  	(tm) =	ssettm $0x1  }
0x91: {  	s17 =	sld [smem:$0x3FFB];
	_ =	sdelay $0x3  }
0x92: {  	_ =	strace s17  }
0x93: {  	s2 =	sld [smem:$0x3FFC];
	_ =	sdelay $0x3  }
0x94: {  	_ =	strace s2  }
0x95: {  	s2 =	sld [smem:$0x3FFD];
	_ =	sdelay $0x3  }
0x96: {  	_ =	strace s2  }
0x97: {  	_ =	strace $0x8FFFFFFF  }
0x98: {  	s18 =	sld [smem:$0x3FDB];
	_ =	sdelay $0x1  }
0x99: {  	s19 =	simm.s32 $_scs_section_size  }
0x9a: {  	s4 =	simm.s32 $_size__tile_overlayer_lowered;
	s5 =	simm.s32 $_tile_overlayer_lowered  }
0x9b: {  	s22 =	simm.s32 $0x1BFF;
	s21 =	sshll.u32 s5, $0x1;
	s2 =	sadd.s32 s19, s18  }
0x9c: {  	s6 =	simm.s32 $0x0;
	s20 =	sshll.u32 s4, $0x1;
	s4 =	sadd.s32 s21, s2  }
0x9d: {  	[timem:s6], [sflag:s22] =	dma.local [hbm:s4], s20  }
0x9e: {  	_ =	swait.ge [sflag:s22], s20  }
0x9f: {  	s3 =	ssub.s32 $0x0, s20;
	[sflag:s22] =	ssyncset.done $0x0  }
0xa0: {  	[sflag:s22] =	ssyncadd.s32 s3;
	_ =	sdelay $0x1  }
0xa1: {  	s23 =	simm.s32 $0x1B8B  }
0xa2: {  	_ =	swait.ge [sflag:s23], $0x1  }
0xa3: {  	[sflag:s23] =	ssyncset.done $0x0  }
0xa4: {  	s25 =	simm.s32 $0x1B8E;
	s24 =	sld [smem:$0x3FFE];
	[sflag:s23] =	ssyncadd.s32 $0xFFFFFFFF  }
0xa5: {  	s26 =	simm.s32 $execute0_lowered;
	[smem:$0x3FD2] =	sst s25  }
0xa6: {  	s4 =	sshll.u32 s26, $0x1;
	_ =	strace $0x80000046;
	[dreg:$0x1] =	wrdreg $0xFFFFFFFF  }
0xa7: {  	s28 =	simm.s32 $_size_execute0_lowered;
	s2 =	sadd.s32 s2, s4;
	[dreg:$0x0] =	wrdreg $0x0  }
0xa8: {  	s4 =	sshll.u32 s28, $0x1;
	[dreg:$0x2] =	wrdreg s2  }
0xa9: {  	[dreg:$0x3] =	wrdreg s4  }
0xaa: {  	[dreg:$0x4] =	wrdreg $0xC0  }
0xab: {  	_ =	task [dreg:s6], $0x5FFFF  }
0xac: {  	[dreg:$0x1] =	wrdreg $0xFFFFFFFF  }
0xad: {  	[dreg:$0x0] =	wrdreg $0x60  }
0xae: {  	[dreg:$0x2] =	wrdreg s24  }
0xaf: {  	[dreg:$0x3] =	wrdreg $0x9  }
0xb0: {  	_ =	task.clear_ibuf [dreg:s6], $0x4FFFF;
	_ =	strace $0x90000046  }
0xb1: {  	s29 =	simm.s32 $0x9;
	_ =	strace $0x80000048  }
0xb2: {  	_ =	swait.ge [sflag:s29], $0x1  }
0xb3: {  	[sflag:s29] =	ssyncadd.s32 $0xFFFFFFFF  }
0xb4: {  	_ =	strace $0x90000048  }
0xb5: {  	_ =	sfence  }
0xb6: {  	s30 =	sld [smem:$0x0];
	_ =	sdelay $0x2  }
0xb7: {  	s31 =	sshll.u32 s1, $0xD;
	s1 =	sshrl.u32 s1, $0x2  }
0xb8: {  	s3 =	sand.u32 $0x4000, s31;
	s1 =	sadd.s32 s1, s30  }
0xb9: {  	s0 =	sor.u32 s3, s0;
	s1 =	sshll.u32 s1, $0x11  }
0xba: {  	s0 =	sor.u32 s1, s0  }
0xbb: {  	s0 =	sadd.s32 $0x8F2B, s0  }
0xbc: {  	[sflag:s0] =	ssyncadd.remote.s32 $0x1  }
0xbd: {  	_ =	sfence.sel $0xFFFF  }
0xbe: {  	[dreg:$0x0] =	wrdreg $0xFFFFFFFF;
	(pc) =	sbr.abs _section_cstart, $3  }
0xbf: {  	[dreg:$0x1] =	wrdreg $0xFFFFFFFF  }
0xc0: {  	_ =	task.clear_ibuf [dreg:s6], $0x2FFFF;
	_ =	strace $0x9FFFFFFF  }
0xc1: {  	(tm) =	ssettm $0x7FFFFFFF  }
tec
execute0_lowered:
.L_overlay_start_1:
0x0: {  	(tag) =	ssettag $0x1  }
0x1: {  	s5 =	rddreg [dreg:$0x0];
	s2 =	srdreg.scid  }
0x2: {  	s0 =	rddreg [dreg:$0x1];
	s1 =	stileid.u32  }
0x3: {  	s8 =	simm.s32 $0x0;
	s4 =	sand.u32 $0x1, s2;
	s2 =	simm.s32 $0x0  }
0x4: {  	s3 =	sshll.u32 s1, $0x10;
	s6 =	sshll.u32 s4, $0xF;
	[smem:$0x7FF] =	sst s2  }
0x5: {  	s7 =	ssub.s32 $0x2, s4;
	s4 =	sadd.s32 $0xE00, s5;
	s3 =	sor.u32 s6, s3  }
0x6: {  	_ =	strace $0x80000047;
	s30 =	sshrl.u32 s7, $0x1;
	s6 =	sshrl.u32 s3, $0x3  }
0x7: {  	s31 =	sadd.s32 $0x8000, s3;
	s5 =	sadd.s32 s6, s5;
	s6 =	ssub.s32 s7, s30  }
0x8: {  	v2 =	vlaneseq.u32;
	v0 =	vmov s3;
	v1 =	vmov s31;
	s7 =	simm.s32 $0x1;
	s5 =	sadd.s32 $0x1600, s5;
	s6 =	smax.u32 s6, $0x1  }
.LBB2_1:
0x9: {  	v3 =	vor.u32 s3, v2  }
0xa: {  	v3 =	vand.u32 $0x3FFF, v3  }
0xb: {  	s9 =	simm.s32 $0x40;
	s11 =	simm.s32 $0x0;
	s10 =	smov.u32 s3;
	v3 =	vor.u32 $0x4000, v3  }
.LBB2_2:
0xc: {  	p0 =	sne.s32 s9, $0x1FFC0  }
0xd: {  	[tilespmem:s11+$0x0] =	vst v3;
	s10 =	sadd.s32 $0x10, s10;
	s11 =	smov.u32 s9;
	s9 =	sadd.s32 $0x40, s9  }
.Ltmp0:
0xe: {  	(pc) =	sbr.rel @p0 .LBB2_2-.Ltmp0, $4  }
0xf: {  	_ = 	snop  }
0x10: {  	v3 =	vor.u32 s10, v2  }
0x11: {  	v3 =	vand.u32 $0x3FFF, v3  }
0x12: {  	s11 =	sshra.s32 s11, $0x2;
	v3 =	vor.u32 $0x4000, v3  }
0x13: {  	[tilespmem:s11+$0x0] =	vst v3;
	s9 =	simm.s32 $0x0;
	s10 =	simm.s32 $0x8000  }
0x14: {  	[tilespmem:s10], [sflag:$0x1] =	stream.linear.gather [hbm4b:s4+s9], $0x4000, $0x38;
	[tilespmem:$0xC000] =	vst v63  }
0x15: {  	_ =	swait.ge [sflag:s7], $0x4000  }
0x16: {  	[sflag:s7] =	ssyncset.done $0x0  }
0x17: {  	[sflag:s7] =	ssyncadd.s32 $0xFFFFC000  }
0x18: {  	s11 =	simm.s32 $0x10;
	v3 =	vld [tilespmem:s10+$0x0]  }
.LBB2_4:
0x19: {  	p0 =	sne.s32 s11, $0x3FF0;
	_ =	sdelay $0x3  }
0x1a: {  	(xrf1) =	vunique.msk.u32 $0xffff, v3;
	_ =	sdelay $0xd  }
0x1b: {  	vm0 =	vge.s32 v3, v0;
	v4 =	vsub.s32 v3, v0;
	_, v5, vm1 =	vpop (xrf1)  }
0x1c: {  	vm2 =	vgt.s32 v4, $0x0;
	vm0 =	vmand vm0, vm1;
	vm1 =	vlt.s32 v3, v1  }
0x1d: {  	v3 =	vnsel vm2, $0x0, v4;
	vm0 =	vmand vm1, vm0  }
0x1e: {  	v3 =	vmin.u32 v3, $0x7FFF;
	_ =	sdelay $0x1  }
.Ltmp1:
0x1f: {  	(pc) =	sbr.rel @p0 .LBB2_4-.Ltmp1, $4  }
0x20: {  	_ = 	snop  }
0x21: {  	v4 =	vor.u32 s9, v2;
	s9 =	smov.u32 s11  }
0x22: {  	s10 =	sadd.s32 $0x10, s10;
	[tilespmem:v3+s2+$0x0] =	vst.idx.msk vm0, v4  }
0x23: {  	s11 =	sadd.s32 $0x10, s11;
	v3 =	vld [tilespmem:s10+$0x0]  }
0x24: {  	_ =	sdelay $0x3  }
0x25: {  	(xrf1) =	vunique.msk.u32 $0xffff, v3;
	_ =	sdelay $0xd  }
0x26: {  	vm0 =	vge.s32 v3, v0;
	v4 =	vsub.s32 v3, v0;
	_, v5, vm1 =	vpop (xrf1)  }
0x27: {  	vm15 =	vlt.s32 v3, v1;
	vm2 =	vgt.s32 v4, $0x0;
	vm0 =	vmand vm0, vm1  }
0x28: {  	v3 =	vnsel vm2, $0x0, v4;
	vm0 =	vmand vm15, vm0  }
0x29: {  	v3 =	vmin.u32 v3, $0x7FFF;
	_ =	sdelay $0x2  }
0x2a: {  	s8 =	sadd.s32 $0x1, s8  }
0x2b: {  	v63 =	vor.u32 s9, v2;
	p0 =	sne.s32 s8, s6  }
.Ltmp2:
0x2c: {  	[tilespmem:v3+s2+$0x0] =	vst.idx.msk vm0, v63;
	(pc) =	sbr.rel @p0 .LBB2_1-.Ltmp2, $4  }
0x2d: {  	[hbm4b:s5+s2] =	stream.linear.scatter [tilespmem:s2], [sflag:$0x1], $0x8000, $0x38;
	[tilespmem:$0xC000] =	vst v63  }
0x2e: {  	_ =	swait.ge [sflag:s7], $0x8000  }
0x2f: {  	[sflag:s7] =	ssyncset.done $0x0  }
0x30: {  	[sflag:s7] =	ssyncadd.s32 $0xFFFF8000  }
0x31: {  	_ =	sfence.sel $0x180000  }
0x32: {  	[bflag:$0x0] =	sbarrier.arrive $0xFFFF  }
0x33: {  	p0 =	sne.s32 s1, $0x0;
	_ =	strace $0x90000047  }
0x34: {  	s0 =	sadd.s32 @!p0 $0x100000, s0;
	[bflag:$0x2] =	sbarrier.arrive $0xFFFF  }
0x35: {  	[sflag:s0] =	ssyncadd.tile.s32 @!p0 $0x1;
	_ =	shalt  }
.Lfunc_end2:
_tile_overlayer_lowered:
.L_overlay_start_2:
0x36: {  	(tag) =	ssettag $0x2  }
0x37: {  	s0 =	rddreg [dreg:$0x0];
	s2 =	stileid.u32  }
0x38: {  	s1 =	rddreg [dreg:$0x1];
	p0 =	sne.s32 s2, $0x0  }
0x39: {  	s3 =	rddreg [dreg:$0x2];
	[bflag:$0x3] =	sbarrier.arrive $0xFFFF;
	s2 =	simm.s32 @!p0 $0x1C01  }
0x3a: {  	[timem:s3], [sflag:s2] =	dma.local @!p0 [hbm:s0], s1  }
0x3b: {  	s0 =	simm.s32 @!p0 $0x1  }
0x3c: {  	_ =	swait.ge @!p0 [sflag:s0], s1  }
0x3d: {  	s1 =	ssub.s32 @!p0 $0x0, s1;
	[sflag:s0] =	ssyncset.done @!p0 $0x0  }
0x3e: {  	[sflag:s0] =	ssyncadd.s32 @!p0 s1  }
0x3f: {  	[bflag:$0x3] =	sbarrier.arrive $0xFFFF  }
0x40: {  	_ =	shalt  }

// kernel: kernel.7.cloned.1.call-start
scs
__scs_entry_jumppad:
0x0: {  	(pc) =	sbr.rel $0x88, $3  }
0x1: {  	(tag) =	ssettag $0x0;
	lr =	simm.s32 $0x1  }
0x2: {  	[smem:$0x3F9F] =	sst lr;
	_ =	strace $0xD0000000  }
0x3: {  	_ = 	snop  }
0x4: {  	_ = 	snop  }
0x5: {  	_ = 	snop  }
0x6: {  	_ = 	snop  }
0x7: {  	_ = 	snop  }
__scs_overlays_trampoline_lowered:
0x8: {  	[smem:$0x3FAE] =	sst s0  }
0x9: {  	[smem:$0x3FAF] =	sst s1  }
0xa: {  	[smem:$0x3FB0] =	sst s2  }
0xb: {  	[smem:$0x3FB1] =	sst s3  }
0xc: {  	[smem:$0x3FB2] =	sst s4  }
0xd: {  	[smem:$0x3FB3] =	sst s5  }
0xe: {  	[smem:$0x3FB4] =	sst s6  }
0xf: {  	[smem:$0x3FB5] =	sst s7  }
0x10: {  	[smem:$0x3FB6] =	sst s8  }
0x11: {  	[smem:$0x3FB7] =	sst s9;
	s0 =	simm.s32 @!p0 $0x0  }
0x12: {  	s1 =	sld [smem:$0x3F9D];
	s0 =	simm.s32 @p0 $0x1  }
0x13: {  	[smem:$0x3FB8] =	sst s0;
	s0 =	simm.s32 @!p1 $0x0  }
0x14: {  	s2 =	sld [smem:$0x3F9C];
	s0 =	simm.s32 @p1 $0x1  }
0x15: {  	[smem:$0x3FB9] =	sst s0;
	s0 =	simm.s32 @!p2 $0x0  }
0x16: {  	s3 =	sld [smem:$0x3FDB];
	s0 =	simm.s32 @p2 $0x1  }
0x17: {  	s4 =	simm.s32 $0x1BF5;
	[smem:$0x3FBB] =	sst s0  }
0x18: {  	s0 =	sld [smem:$0x3F9E];
	_ =	swait.ge [sflag:s4], $0x0  }
0x19: {  	s7 =	sld [smem:$0x3F9F]  }
0x1a: {  	s8 =	sadd.s32 $0xFFFFE003, lr  }
0x1b: {  	s9 =	sadd.s32 $0xFFFFFEF7, lr;
	s5 =	simm.s32 $0xFFFFFFFF;
	p2 =	slt.u32 s8, $0xFFFFF086  }
0x1c: {  	p1 =	slt.u32 s9, $0xF7A;
	s5 =	simm.s32 @!p2 $0x0  }
0x1d: {  	s5 =	simm.s32 @p1 $0x1;
	p0 =	seq.s32 s7, s2  }
0x1e: {  	s7 =	smul.u32 @!p0 $0xF7A, s2;
	p2 =	seq.s32 @!p0 s5, $0x0  }
0x1f: {  	s9 =	smul.u32 $0xF7A, s1;
	s8 =	simm.s32 @!p0 $0x1BF5;
	p2 =	por !p2, p0  }
0x20: {  	[sflag:s8] =	ssyncset.s32 @!p0 $0xFFFFF086;
	s6 =	sadd.s32 @!p0 s3, s7;
	s7 =	simm.s32 @!p0 $0x108  }
0x21: {  	s3 =	sadd.s32 s3, s9;
	s6 =	sadd.s32 @!p0 $0x88, s6;
	s7 =	simm.s32 @p2 $0x1082  }
0x22: {  	[simem:s7], [sflag:s8] =	dma.local @!p0 [hbm:s6], $0xF7A  }
0x23: {  	s9 =	sor.u32 $0xD0000000, s2;
	s6 =	simm.s32 $0x108;
	_ =	swait.ge @!p0 [sflag:s8], $0x0  }
0x24: {  	s3 =	sadd.s32 $0x88, s3;
	s6 =	simm.s32 @!p1 $0x1082;
	[sflag:s4] =	ssyncset.s32 $0xFFFFF086  }
0x25: {  	[simem:s6], [sflag:s4] =	dma.local [hbm:s3], $0xF7A  }
0x26: {  	[smem:$0x3F9F] =	sst s1;
	(tag) =	ssettag s2;
	_ =	strace s9  }
0x27: {  	s1 =	sld [smem:$0x3FAF]  }
0x28: {  	s2 =	sld [smem:$0x3FB0]  }
0x29: {  	s4 =	sld [smem:$0x3FB2]  }
0x2a: {  	p0 =	seq.s32 s5, $0x0;
	s5 =	sld [smem:$0x3FB3]  }
0x2b: {  	s6 =	sld [smem:$0x3FB4]  }
0x2c: {  	s7 =	sld [smem:$0x3FB5]  }
0x2d: {  	s3 =	simm.s32 $0x108;
	s8 =	sld [smem:$0x3FB6]  }
0x2e: {  	s3 =	simm.s32 @!p0 $0x1082;
	s9 =	sld [smem:$0x3FB7]  }
0x2f: {  	lr =	sadd.s32 s0, s3;
	s0 =	sld [smem:$0x3FAE]  }
0x30: {  	s3 =	sld [smem:$0x3FB1]  }
0x31: {  	[smem:$0x3FBA] =	sst s10  }
0x32: {  	s10 =	sld [smem:$0x3FB8];
	_ =	sdelay $0x3  }
0x33: {  	p0 =	seq.s32 s10, $0x1;
	s10 =	sld [smem:$0x3FBA];
	_ =	sdelay $0x3  }
0x34: {  	[smem:$0x3FBA] =	sst s10  }
0x35: {  	s10 =	sld [smem:$0x3FB9];
	_ =	sdelay $0x3  }
0x36: {  	p1 =	seq.s32 s10, $0x1;
	s10 =	sld [smem:$0x3FBA];
	_ =	sdelay $0x3  }
0x37: {  	[smem:$0x3FBA] =	sst s10  }
0x38: {  	s10 =	sld [smem:$0x3FBB]  }
0x39: {  	_ = 	snop;
	(pc) =	sbr.ind lr, $3  }
0x3a: {  	_ = 	snop  }
0x3b: {  	_ = 	snop  }
0x3c: {  	p2 =	seq.s32 s10, $0x1;
	s10 =	sld [smem:$0x3FBA]  }
0x3d: {  	_ =	shalt  }
0x3e: {  	_ =	shalt  }
0x3f: {  	_ =	shalt  }
0x40: {  	_ =	shalt  }
0x41: {  	_ =	shalt  }
0x42: {  	_ =	shalt  }
0x43: {  	_ =	shalt  }
0x44: {  	_ =	shalt  }
0x45: {  	_ =	shalt  }
0x46: {  	_ =	shalt  }
0x47: {  	_ =	shalt  }
0x48: {  	_ =	shalt  }
0x49: {  	_ =	shalt  }
0x4a: {  	_ =	shalt  }
0x4b: {  	_ =	shalt  }
0x4c: {  	_ =	shalt  }
0x4d: {  	_ =	shalt  }
0x4e: {  	_ =	shalt  }
0x4f: {  	_ =	shalt  }
0x50: {  	_ =	shalt  }
0x51: {  	_ =	shalt  }
0x52: {  	_ =	shalt  }
0x53: {  	_ =	shalt  }
0x54: {  	_ =	shalt  }
0x55: {  	_ =	shalt  }
0x56: {  	_ =	shalt  }
0x57: {  	_ =	shalt  }
0x58: {  	_ =	shalt  }
0x59: {  	_ =	shalt  }
0x5a: {  	_ =	shalt  }
0x5b: {  	_ =	shalt  }
0x5c: {  	_ =	shalt  }
0x5d: {  	_ =	shalt  }
0x5e: {  	_ =	shalt  }
0x5f: {  	_ =	shalt  }
0x60: {  	_ =	shalt  }
0x61: {  	_ =	shalt  }
0x62: {  	_ =	shalt  }
0x63: {  	_ =	shalt  }
0x64: {  	_ =	shalt  }
0x65: {  	_ =	shalt  }
0x66: {  	_ =	shalt  }
0x67: {  	_ =	shalt  }
0x68: {  	_ =	shalt  }
0x69: {  	_ =	shalt  }
0x6a: {  	_ =	shalt  }
0x6b: {  	_ =	shalt  }
0x6c: {  	_ =	shalt  }
0x6d: {  	_ =	shalt  }
0x6e: {  	_ =	shalt  }
0x6f: {  	_ =	shalt  }
0x70: {  	_ =	shalt  }
0x71: {  	_ =	shalt  }
0x72: {  	_ =	shalt  }
0x73: {  	_ =	shalt  }
0x74: {  	_ =	shalt  }
0x75: {  	_ =	shalt  }
0x76: {  	_ =	shalt  }
0x77: {  	_ =	shalt  }
0x78: {  	_ =	shalt  }
0x79: {  	_ =	shalt  }
0x7a: {  	_ =	shalt  }
0x7b: {  	_ =	shalt  }
0x7c: {  	_ =	shalt  }
0x7d: {  	_ =	shalt  }
0x7e: {  	_ =	shalt  }
0x7f: {  	_ =	shalt  }
0x80: {  	_ =	shalt  }
0x81: {  	_ =	shalt  }
0x82: {  	_ =	shalt  }
0x83: {  	_ =	shalt  }
0x84: {  	_ =	shalt  }
0x85: {  	_ =	shalt  }
0x86: {  	_ =	shalt  }
0x87: {  	_ =	shalt  }
.Lfunc_end0:
.L_simem_size_0:
called_computation.2_lowered:
.L_overlay_start_0:
0x88: {  	s2 =	sld [smem:$0x3FD9]  }
0x89: {  	s3 =	sld [smem:$0x3FFE];
	_ =	sdelay $0x1  }
0x8a: {  	s1 =	srdreg.scid  }
0x8b: {  	s0 =	sand.u32 $0x1, s1  }
0x8c: {  	s17 =	sshll.u32 s0, $0xA;
	s2 =	sadd.s32 s3, s2  }
0x8d: {  	s2 =	sadd.s32 s2, s17  }
0x8e: {  	[smem:$0x3FC6] =	sst s2  }
0x8f: {  	_ = 	snop  }
0x90: {  	s2 =	sld [smem:$0x3FD0];
	(tm) =	ssettm $0x1  }
0x91: {  	s18 =	sld [smem:$0x3FFB];
	_ =	sdelay $0x3  }
0x92: {  	_ =	strace s18  }
0x93: {  	s3 =	sld [smem:$0x3FFC];
	_ =	sdelay $0x3  }
0x94: {  	_ =	strace s3  }
0x95: {  	s3 =	sld [smem:$0x3FFD];
	_ =	sdelay $0x3  }
0x96: {  	_ =	strace s3  }
0x97: {  	_ =	strace $0x8FFFFFFF  }
0x98: {  	s19 =	sld [smem:$0x3FDB];
	_ =	sdelay $0x1  }
0x99: {  	s4 =	simm.s32 $_scs_section_size  }
0x9a: {  	s5 =	simm.s32 $_size__tile_overlayer_lowered;
	s6 =	simm.s32 $_tile_overlayer_lowered  }
0x9b: {  	s22 =	simm.s32 $0x1BFF;
	s21 =	sshll.u32 s6, $0x1;
	s3 =	sadd.s32 s4, s19  }
0x9c: {  	s7 =	simm.s32 $0x0;
	s20 =	sshll.u32 s5, $0x1;
	s5 =	sadd.s32 s21, s3  }
0x9d: {  	[timem:s7], [sflag:s22] =	dma.local [hbm:s5], s20  }
0x9e: {  	_ =	swait.ge [sflag:s22], s20  }
0x9f: {  	s4 =	ssub.s32 $0x0, s20;
	[sflag:s22] =	ssyncset.done $0x0  }
0xa0: {  	[sflag:s22] =	ssyncadd.s32 s4;
	_ =	sdelay $0x1  }
0xa1: {  	s23 =	simm.s32 $0x1B8B  }
0xa2: {  	_ =	swait.ge [sflag:s23], $0x1  }
0xa3: {  	[sflag:s23] =	ssyncset.done $0x0  }
0xa4: {  	s25 =	simm.s32 $0x1B8E;
	s24 =	sld [smem:$0x3FFE];
	[sflag:s23] =	ssyncadd.s32 $0xFFFFFFFF  }
0xa5: {  	s26 =	simm.s32 $execute0_lowered;
	[smem:$0x3FD2] =	sst s25  }
0xa6: {  	s5 =	sshll.u32 s26, $0x1;
	_ =	strace $0x80000049;
	[dreg:$0x1] =	wrdreg $0xFFFFFFFF  }
0xa7: {  	s28 =	simm.s32 $_size_execute0_lowered;
	s3 =	sadd.s32 s3, s5;
	[dreg:$0x0] =	wrdreg $0x0  }
0xa8: {  	s5 =	sshll.u32 s28, $0x1;
	[dreg:$0x2] =	wrdreg s3  }
0xa9: {  	[dreg:$0x3] =	wrdreg s5  }
0xaa: {  	[dreg:$0x4] =	wrdreg $0xC0  }
0xab: {  	_ =	task [dreg:s7], $0x5FFFF  }
0xac: {  	[dreg:$0x1] =	wrdreg $0xFFFFFFFF  }
0xad: {  	[dreg:$0x0] =	wrdreg $0x60  }
0xae: {  	[dreg:$0x2] =	wrdreg s24  }
0xaf: {  	[dreg:$0x3] =	wrdreg s2  }
0xb0: {  	[dreg:$0x4] =	wrdreg $0x9  }
0xb1: {  	_ =	task.clear_ibuf [dreg:s7], $0x5FFFF;
	_ =	strace $0x90000049  }
0xb2: {  	s29 =	simm.s32 $0x9;
	_ =	strace $0x8000004B  }
0xb3: {  	_ =	swait.ge [sflag:s29], $0x1  }
0xb4: {  	[sflag:s29] =	ssyncadd.s32 $0xFFFFFFFF  }
0xb5: {  	_ =	strace $0x9000004B  }
0xb6: {  	_ =	sfence  }
0xb7: {  	s30 =	sld [smem:$0x0];
	_ =	sdelay $0x2  }
0xb8: {  	s31 =	sshll.u32 s1, $0xD;
	s1 =	sshrl.u32 s1, $0x2  }
0xb9: {  	s3 =	sand.u32 $0x4000, s31;
	s1 =	sadd.s32 s1, s30  }
0xba: {  	s0 =	sor.u32 s3, s0;
	s1 =	sshll.u32 s1, $0x11  }
0xbb: {  	s0 =	sor.u32 s1, s0  }
0xbc: {  	s0 =	sadd.s32 $0x8F2B, s0  }
0xbd: {  	[sflag:s0] =	ssyncadd.remote.s32 $0x1  }
0xbe: {  	_ =	sfence.sel $0xFFFF  }
0xbf: {  	[dreg:$0x0] =	wrdreg $0xFFFFFFFF;
	(pc) =	sbr.abs _section_cstart, $3  }
0xc0: {  	[dreg:$0x1] =	wrdreg $0xFFFFFFFF  }
0xc1: {  	_ =	task.clear_ibuf [dreg:s7], $0x2FFFF;
	_ =	strace $0x9FFFFFFF  }
0xc2: {  	(tm) =	ssettm $0x7FFFFFFF  }
0xc3: {  	_ =	shalt  }
tec
execute0_lowered:
.L_overlay_start_1:
0x0: {  	(tag) =	ssettag $0x1  }
0x1: {  	s0 =	rddreg [dreg:$0x0]  }
0x2: {  	s2 =	rddreg [dreg:$0x1]  }
0x3: {  	v1 =	vlaneseq.u32;
	s1 =	srdreg.scid;
	s12 =	stileid.u32;
	v6 =	vimm.s32 $0x2  }
0x4: {  	v0 =	vimm.s32 $0x7654321;
	s3 =	simm.s32 $0x0;
	v31 =	vimm.s32 $0x1;
	s13 =	simm.s32 $0x5;
	s14 =	simm.s32 $0x200;
	v30 =	vmul.u32 $0x19, v1  }
0x5: {  	s15 =	simm.s32 $0x80;
	s19 =	simm.s32 $0x1;
	s20 =	simm.s32 $0x2;
	v3 =	vand.u32 $0x7, v1;
	v0 =	vunpack.c.l.s4.s8 v0;
	v1 =	vimm.s32 $0x10765432  }
0x6: {  	v2 =	vimm.s32 $0x21076543;
	v4 =	vimm.s32 $0x65432107;
	s21 =	simm.s32 $0xCA20;
	s28 =	simm.s32 $0x10AA0;
	s29 =	simm.s32 $0x4;
	v1 =	vunpack.c.l.s4.s8 v1  }
0x7: {  	s1 =	sand.u32 $0x1, s1;
	[smem:$0x7FF] =	sst s3;
	s9 =	smul.u32 $0x190000, s12;
	v32 =	vadd.s32 $0x1, v30;
	v8 =	vunpack.c.0.s8.s32 v0;
	v46 =	vadd.s32 $0x10, v30  }
0x8: {  	s4 =	sshll.u32 s12, $0x1;
	s23 =	smul.u32 $0x6400, s12;
	_ =	strace $0x8000004A;
	v0 =	vunpack.c.l.s4.s8 v2;
	v10 =	vadd.s32 $0x2, v30;
	v47 =	vadd.s32 $0x11, v30;
	[tilespmem:$0x1FF40] =	vst v46  }
0x9: {  	s30 =	simm.s32 $0x0;
	s4 =	sor.u32 s1, s4;
	s11 =	smul.u32 $0xC8000, s1;
	v14 =	vadd.s32 $0x3, v30;
	v18 =	vadd.s32 $0x4, v30;
	v28 =	vadd.s32 $0x12, v30;
	[tilespmem:$0x1FF50] =	vst v47  }
0xa: {  	s8 =	ssub.s32 $0x2, s1;
	s1 =	smul.u32 $0x3200, s1;
	s5 =	sshll.u32 s4, $0x6;
	v2 =	vimm.s32 $0x54321076;
	v33 =	vadd.s32 $0x5, v30;
	v49 =	vadd.s32 $0x13, v30;
	[tilespmem:$0x1FF60] =	vst v28  }
0xb: {  	s7 =	smul.u32 $0x19000, s4;
	s4 =	sadd.s32 $0x1600, s0;
	s10 =	sshrl.u32 s8, $0x1;
	v39 =	vadd.s32 $0x6, v30;
	v41 =	vadd.s32 $0x7, v30;
	v38 =	vadd.s32 $0x17, v30;
	[tilespmem:$0x1FF70] =	vst v49  }
0xc: {  	v43 =	vadd.s32 $0x8, v30;
	v44 =	vadd.s32 $0x9, v30;
	v25 =	vadd.s32 $0x18, v30;
	s6 =	sadd.s32 s5, s0;
	s5 =	sadd.s32 $0x21600, s0;
	s22 =	ssub.s32 s8, s10;
	[tilespmem:$0x1FF80] =	vst v38  }
0xd: {  	v45 =	vadd.s32 $0xA, v30;
	v13 =	vadd.s32 $0xD, v30;
	v54 =	vadd.s32 $0x16, v30;
	s11 =	sadd.s32 s11, s9;
	s10 =	sadd.s32 s1, s23;
	s23 =	simm.s32 $0x9810;
	[tilespmem:$0x1FF90] =	vst v25  }
0xe: {  	v36 =	vadd.s32 $0x15, v30;
	[tilespmem:$0x1FFA0] =	vst v54;
	v16 =	vunpack.c.0.s8.s32 v0;
	v0 =	vimm.s32 $0x32107654;
	s6 =	sadd.s32 $0xE00, s6;
	s7 =	sadd.s32 s2, s7;
	s25 =	sor.u32 $0x4000, s11  }
.Ltmp0:
0xf: {  	v26 =	vadd.s32 $0xF, v30;
	v37 =	vadd.s32 $0x14, v30;
	[tilespmem:$0x1FFB0] =	vst v36;
	s0 =	smax.u32 s22, $0x1;
	s11 =	sor.u32 $0x6000, s11;
	v0 =	vunpack.c.l.s4.s8 v0;
	(pc) =	sbr.rel .LBB2_1-.Ltmp0, $4  }
0x10: {  	v12 =	vunpack.c.0.s8.s32 v1;
	v1 =	vimm.s32 $0x43210765;
	v2 =	vunpack.c.l.s4.s8 v2;
	[tilespmem:$0x1FFC0] =	vst v37;
	s22 =	simm.s32 $0x6600;
	[dreg:$0x3] =	wrdreg s6;
	s24 =	sadd.s32 $0x400, s7  }
0x11: {  	[tilespmem:$0x1FFD0] =	vst v26;
	v1 =	vunpack.c.l.s4.s8 v1;
	[dreg:$0x5] =	wrdreg s0;
	s26 =	sshrl.u32 s25, $0x3;
	s31 =	sshrl.u32 s11, $0x3;
	v34 =	vunpack.c.0.s8.s32 v0;
	v0 =	vunpack.c.l.s4.s8 v4  }
0x12: {  	v48 =	vadd.s32 $0xB, v30;
	v29 =	vadd.s32 $0xC, v30;
	v50 =	vadd.s32 $0xE, v30;
	[tilespmem:$0x1FFE0] =	vst v13;
	s25 =	simm.s32 $0xEA20;
	[dreg:$0x4] =	wrdreg s24;
	s16 =	sadd.s32 s26, s2  }
0x13: {  	[tilespmem:$0x1FFF0] =	vst v29;
	v40 =	vunpack.c.0.s8.s32 v2;
	v35 =	vunpack.c.0.s8.s32 v1;
	s1 =	sadd.s32 s31, s2;
	s24 =	simm.s32 $0x10A20;
	s26 =	simm.s32 $0x3;
	v42 =	vunpack.c.0.s8.s32 v0  }
.LBB2_14:
0x14: {  	s0 =	smov.u32 @p2 s11;
	[sflag:s29] =	ssyncadd.s32 @p0 $0xFFFFE000  }
0x15: {  	v0 =	vld [tilespmem:s0+$0x6600];
	_ =	sdelay $0x4  }
0x16: {  	[tilespmem:$0x10A20] =	vst v0  }
0x17: {  	v0 =	vld [tilespmem:s0+$0x9810];
	_ =	sdelay $0x4  }
0x18: {  	[tilespmem:$0x10AA0] =	vst v0  }
0x19: {  	v0 =	vld [tilespmem:s0+$0x6610];
	_ =	sdelay $0x4  }
0x1a: {  	[tilespmem:$0x10A30] =	vst v0  }
0x1b: {  	v0 =	vld [tilespmem:s0+$0x9820];
	_ =	sdelay $0x4  }
0x1c: {  	[tilespmem:$0x10AB0] =	vst v0  }
0x1d: {  	v0 =	vld [tilespmem:s0+$0x6620];
	_ =	sdelay $0x4  }
0x1e: {  	[tilespmem:$0x10A40] =	vst v0  }
0x1f: {  	v0 =	vld [tilespmem:s0+$0x9830];
	_ =	sdelay $0x4  }
0x20: {  	[tilespmem:$0x10AC0] =	vst v0  }
0x21: {  	v0 =	vld [tilespmem:s0+$0x6630];
	_ =	sdelay $0x4  }
0x22: {  	[tilespmem:$0x10A50] =	vst v0  }
0x23: {  	v0 =	vld [tilespmem:s0+$0x9840];
	_ =	sdelay $0x4  }
0x24: {  	[tilespmem:$0x10AD0] =	vst v0  }
0x25: {  	v0 =	vld [tilespmem:s0+$0x6640];
	_ =	sdelay $0x4  }
0x26: {  	[tilespmem:$0x10A60] =	vst v0  }
0x27: {  	v0 =	vld [tilespmem:s0+$0x9850];
	_ =	sdelay $0x4  }
0x28: {  	[tilespmem:$0x10AE0] =	vst v0  }
0x29: {  	v0 =	vld [tilespmem:s0+$0x6650];
	_ =	sdelay $0x4  }
0x2a: {  	[tilespmem:$0x10A70] =	vst v0  }
0x2b: {  	v0 =	vld [tilespmem:s0+$0x9860];
	_ =	sdelay $0x4  }
0x2c: {  	[tilespmem:$0x10AF0] =	vst v0  }
0x2d: {  	v0 =	vld [tilespmem:s0+$0x6660];
	_ =	sdelay $0x4  }
0x2e: {  	[tilespmem:$0x10A80] =	vst v0  }
0x2f: {  	v0 =	vld [tilespmem:s0+$0x9870];
	_ =	sdelay $0x4  }
0x30: {  	[tilespmem:$0x10B00] =	vst v0  }
0x31: {  	v0 =	vld [tilespmem:s0+$0x6670];
	_ =	sdelay $0x4  }
0x32: {  	[tilespmem:$0x10A90] =	vst v0  }
0x33: {  	v0 =	vld [tilespmem:s0+$0x9880];
	_ =	sdelay $0x4  }
0x34: {  	[tilespmem:$0x10B10] =	vst v0  }
0x35: {  	[tilespmem:s25], [sflag:$0x3] =	stream.indirect.gather [hbm4b:s5+s15], $0x40, s24, s15, $0xb8;
	[tilespmem:$0x10B20] =	vst v63  }
0x36: {  	_ =	swait.ge [sflag:s26], $0x2000  }
0x37: {  	[sflag:s26] =	ssyncset.done $0x0  }
0x38: {  	[sflag:s26] =	ssyncadd.s32 $0xFFFFE000  }
0x39: {  	[hbm4b:s2+s15] =	stream.indirect.scatter [tilespmem:s25], [sflag:$0x4], $0x40, s28, s15, $0xb8;
	[tilespmem:$0x10B20] =	vst v63  }
0x3a: {  	_ =	swait.ge [sflag:s29], $0x2000  }
0x3b: {  	[sflag:s29] =	ssyncset.done $0x0  }
0x3c: {  	[sflag:s29] =	ssyncadd.s32 $0xFFFFE000  }
.LBB2_15:
0x3d: {  	s30 =	sadd.s32 $0x1, s30;
	s0 =	rddreg [dreg:$0x5]  }
0x3e: {  	p0 =	sne.s32 s30, s0  }
.Ltmp1:
0x3f: {  	_ = 	snop;
	(pc) =	sbr.rel @!p0 .LBB2_16-.Ltmp1, $1  }
0x40: {  	_ =	sdelay $0x3  }
.LBB2_1:
0x41: {  	v0 =	vmov s3  }
0x42: {  	v0 =	vmul.u32 $0x19, v0;
	_ =	sdelay $0x1  }
0x43: {  	v2 =	vbroadcast v0, $0x0;
	_ =	sdelay $0x1  }
0x44: {  	v0 =	vadd.s32 v30, v2;
	v1 =	vadd.s32 v32, v2;
	v11 =	vadd.s32 v14, v2  }
0x45: {  	v5 =	vadd.s32 v45, v2;
	v17 =	vadd.s32 v28, v2;
	v7 =	vadd.s32 v10, v2  }
0x46: {  	v19 =	vadd.s32 v48, v2;
	v4 =	vadd.s32 v33, v2;
	v1 =	vand.u32 $0xFFFFFFF8, v1  }
0x47: {  	v20 =	vadd.s32 v26, v2;
	v15 =	vor.u32 v8, v1;
	v1 =	vadd.s32 v18, v2  }
0x48: {  	v22 =	vadd.s32 v41, v2;
	v0 =	vand.u32 $0xFFFFFFF8, v0;
	v1 =	vand.u32 $0xFFFFFFF8, v1  }
0x49: {  	v9 =	vor.u32 v3, v0;
	v0 =	vor.u32 v34, v1;
	v1 =	vand.u32 $0xFFFFFFF8, v4  }
0x4a: {  	[tilespmem:$0x1FED0] =	vst v0;
	v0 =	vor.u32 v35, v1;
	v1 =	vand.u32 $0xFFFFFFF8, v22;
	v22 =	vadd.s32 v43, v2  }
0x4b: {  	v21 =	vadd.s32 v13, v2;
	[tilespmem:$0x1FEE0] =	vst v0;
	v0 =	vor.u32 v42, v1;
	v1 =	vand.u32 $0xFFFFFFF8, v22  }
0x4c: {  	v5 =	vand.u32 $0xFFFFFFF8, v5;
	v19 =	vand.u32 $0xFFFFFFF8, v19;
	[tilespmem:$0x1FEF0] =	vst v0;
	v0 =	vor.u32 v3, v1  }
0x4d: {  	v24 =	vand.u32 $0xFFFFFFF8, v7;
	v4 =	vadd.s32 v39, v2;
	[tilespmem:$0x1FF00] =	vst v0;
	v0 =	vor.u32 v12, v5  }
0x4e: {  	v11 =	vand.u32 $0xFFFFFFF8, v11;
	v23 =	vand.u32 $0xFFFFFFF8, v4;
	[tilespmem:$0x1FF20] =	vst v0;
	v0 =	vor.u32 v16, v19  }
0x4f: {  	v19 =	vor.u32 v12, v24;
	v24 =	vor.u32 v16, v11;
	v11 =	vadd.s32 v29, v2  }
0x50: {  	v17 =	vand.u32 $0xFFFFFFF8, v17;
	v27 =	vor.u32 v40, v23;
	v11 =	vand.u32 $0xFFFFFFF8, v11  }
0x51: {  	v23 =	vadd.s32 v50, v2;
	v53 =	vor.u32 v34, v11;
	v11 =	vand.u32 $0xFFFFFFF8, v21  }
0x52: {  	v22 =	vadd.s32 v44, v2;
	[tilespmem:$0x1FF30] =	vst v0;
	v21 =	vand.u32 $0xFFFFFFF8, v23;
	v0 =	vor.u32 v35, v11  }
0x53: {  	v51 =	vor.u32 v40, v21;
	v11 =	vand.u32 $0xFFFFFFF8, v20;
	v20 =	vadd.s32 v46, v2  }
0x54: {  	v52 =	vor.u32 v42, v11;
	v11 =	vadd.s32 v47, v2;
	v20 =	vand.u32 $0xFFFFFFF8, v20  }
0x55: {  	v21 =	vadd.s32 v49, v2;
	[tilespmem:$0x1FE10] =	vst v0;
	v11 =	vand.u32 $0xFFFFFFF8, v11;
	v0 =	vor.u32 v3, v20  }
0x56: {  	s31 =	simm.s32 $0x10;
	v23 =	vadd.s32 v54, v2;
	[tilespmem:$0x1FE20] =	vst v0;
	v0 =	vor.u32 v8, v11;
	v11 =	vand.u32 $0xFFFFFFF8, v21  }
0x57: {  	v21 =	vadd.s32 v25, v2;
	v25 =	vmov s31;
	[tilespmem:$0x1FE30] =	vst v0;
	v0 =	vor.u32 v16, v11  }
0x58: {  	s0 =	rddreg [dreg:$0x3];
	v20 =	vadd.s32 v36, v2;
	[tilespmem:$0x1FE40] =	vst v0;
	v0 =	vand.u32 $0xFFFFFFF8, v23;
	v23 =	vmul.u32 $0x19, v25  }
0x59: {  	[tilespmem:s3], [sflag:$0x5] =	stream.linear.gather [hbm4b:s0+s3], $0x200, $0x38;
	v22 =	vand.u32 $0xFFFFFFF8, v22;
	v20 =	vand.u32 $0xFFFFFFF8, v20;
	v11 =	vadd.s32 v37, v2;
	[tilespmem:$0x10B20] =	vst v63  }
0x5a: {  	v2 =	vadd.s32 v38, v2;
	[tilespmem:$0x1FE50] =	vst v0;
	v0 =	vor.u32 v12, v17;
	v38 =	vbroadcast v23, $0x0  }
0x5b: {  	v11 =	vand.u32 $0xFFFFFFF8, v11;
	v2 =	vand.u32 $0xFFFFFFF8, v2;
	[tilespmem:$0x1FE60] =	vst v0;
	v0 =	vor.u32 v8, v22  }
0x5c: {  	v17 =	vand.u32 $0xFFFFFFF8, v21;
	[tilespmem:$0x1FF10] =	vst v0;
	v0 =	vor.u32 v35, v20;
	v20 =	vadd.s32 v45, v38  }
0x5d: {  	_ =	swait.ge [sflag:s13], $0x200;
	v23 =	vadd.s32 v48, v38;
	v25 =	vadd.s32 v33, v38;
	v22 =	vadd.s32 v26, v38  }
0x5e: {  	v26 =	vadd.s32 v41, v38;
	v5 =	vadd.s32 v29, v38;
	[tilespmem:$0x1FE70] =	vst v0;
	v0 =	vor.u32 v3, v17  }
0x5f: {  	v17 =	vadd.s32 v14, v38;
	v20 =	vand.u32 $0xFFFFFFF8, v20;
	v7 =	vand.u32 $0xFFFFFFF8, v5  }
0x60: {  	[sflag:s13] =	ssyncset.done $0x0;
	[tilespmem:$0x1FE80] =	vst v0;
	v0 =	vor.u32 v34, v11;
	v11 =	vadd.s32 v32, v38;
	v58 =	vor.u32 v12, v20  }
0x61: {  	[sflag:s13] =	ssyncadd.s32 $0xFFFFFE00;
	v20 =	vand.u32 $0xFFFFFFF8, v23;
	[tilespmem:$0x1FE90] =	vst v0;
	v0 =	vor.u32 v42, v2;
	v2 =	vadd.s32 v30, v38  }
0x62: {  	v11 =	vand.u32 $0xFFFFFFF8, v11;
	v21 =	vld [tilespmem:s3+$0x0];
	v54 =	vor.u32 v16, v20;
	v2 =	vand.u32 $0xFFFFFFF8, v2  }
0x63: {  	[tilespmem:$0x1FEA0] =	vst v0;
	v55 =	vor.u32 v8, v11;
	v11 =	vadd.s32 v10, v38;
	v0 =	vor.u32 v3, v2  }
0x64: {  	v2 =	vadd.s32 v18, v38;
	v11 =	vand.u32 $0xFFFFFFF8, v11;
	[tilespmem:$0x1FEB0] =	vst v0;
	v0 =	vadd.s32 v28, v38  }
0x65: {  	v2 =	vand.u32 $0xFFFFFFF8, v2;
	v63 =	vor.u32 v12, v11;
	v11 =	vand.u32 $0xFFFFFFF8, v17  }
0x66: {  	v57 =	vor.u32 v34, v2;
	v2 =	vand.u32 $0xFFFFFFF8, v25;
	v25 =	vadd.s32 v39, v38  }
0x67: {  	v56 =	vand.u32 $0x3FF, v21;
	v60 =	vor.u32 v35, v2;
	v2 =	vand.u32 $0xFFFFFFF8, v26  }
0x68: {  	v21 =	vshrl.u32 v21, $0xA;
	v26 =	vand.u32 $0xFFFFFFF8, v25;
	v25 =	vadd.s32 v43, v38  }
0x69: {  	v61 =	vor.u32 v42, v2;
	v2 =	vand.u32 $0xFFFFFFF8, v25;
	v25 =	vmax.u32 v56, $0x2  }
0x6a: {  	v59 =	vmax.u32 v21, $0x1;
	v23 =	vmax.u32 v21, $0x2;
	v62 =	vor.u32 v3, v2  }
0x6b: {  	v5 =	vld [tilespmem:$0x1FED0];
	v17 =	vmin.u32 v59, $0x400;
	v59 =	vor.u32 v16, v11;
	v11 =	vmin.u32 v23, $0x401  }
0x6c: {  	v2 =	vsub.s32 v25, v6;
	v25 =	vmin.u32 v56, $0x3FE;
	v11 =	vshll.u32 v11, $0xA  }
0x6d: {  	v20 =	vmax.u32 v56, $0x1;
	v37 =	vadd.s32 $0x1, v25;
	v25 =	vadd.s32 $0xFFFFF800, v11  }
0x6e: {  	[tilespmem:$0x1FEC0] =	vst v0;
	v11 =	vsub.s32 v20, v31;
	v0 =	vor.u32 v2, v25  }
0x6f: {  	v1 =	vor.u32 v11, v25;
	[tilespmem:v9+s14+$0x0] =	vst.idx.msk $0xffff, v0  }
0x70: {  	v23 =	vmin.u32 v56, $0x3FD;
	v4 =	vor.u32 v56, v25;
	[tilespmem:v15+s14+$0x0] =	vst.idx.msk $0xffff, v1  }
0x71: {  	v0 =	vadd.s32 v37, v25;
	v9 =	vadd.s32 $0x2, v23;
	[tilespmem:v19+s14+$0x0] =	vst.idx.msk $0xffff, v4  }
0x72: {  	v1 =	vadd.s32 v9, v25;
	[tilespmem:v24+s14+$0x0] =	vst.idx.msk $0xffff, v0  }
0x73: {  	[tilespmem:v5+s14+$0x0] =	vst.idx.msk $0xffff, v1;
	v5 =	vld [tilespmem:$0x1FEE0];
	_ =	sdelay $0x4  }
0x74: {  	v17 =	vshll.u32 v17, $0xA  }
0x75: {  	v17 =	vadd.s32 $0xFFFFFC00, v17  }
0x76: {  	v1 =	vor.u32 v2, v17  }
0x77: {  	[tilespmem:v5+s14+$0x0] =	vst.idx.msk $0xffff, v1;
	v1 =	vor.u32 v11, v17  }
0x78: {  	[tilespmem:v27+s14+$0x0] =	vst.idx.msk $0xffff, v1;
	v1 =	vld [tilespmem:$0x1FEF0]  }
0x79: {  	v36 =	vadd.s32 v13, v38;
	v13 =	vadd.s32 v44, v38;
	v28 =	vmin.u32 v21, $0x3FF  }
0x7a: {  	v20 =	vmin.u32 v21, $0x3FE;
	v4 =	vmin.u32 v21, $0x3FD;
	v21 =	vand.u32 $0xFFFFFFF8, v13;
	v13 =	vld [tilespmem:$0x1FF00];
	_ =	sdelay $0x3  }
0x7b: {  	v15 =	vshll.u32 v28, $0xA  }
0x7c: {  	v0 =	vor.u32 v40, v26;
	v24 =	vor.u32 v56, v17;
	v26 =	vshll.u32 v4, $0xA  }
0x7d: {  	v4 =	vor.u32 v34, v7;
	v7 =	vadd.s32 v50, v38;
	[tilespmem:v1+s14+$0x0] =	vst.idx.msk $0xffff, v24;
	v1 =	vand.u32 $0xFFFFFFF8, v36  }
0x7e: {  	v5 =	vadd.s32 v37, v17;
	v36 =	vor.u32 v35, v1;
	v1 =	vand.u32 $0xFFFFFFF8, v7;
	v7 =	vld [tilespmem:$0x1FF10]  }
0x7f: {  	v25 =	vshll.u32 v20, $0xA;
	v19 =	vor.u32 v2, v15;
	v20 =	vor.u32 v11, v15;
	[tilespmem:v13+s14+$0x0] =	vst.idx.msk $0xffff, v5;
	v13 =	vld [tilespmem:$0x1FF20]  }
0x80: {  	v23 =	vor.u32 v56, v15;
	v28 =	vadd.s32 v37, v15;
	v27 =	vadd.s32 v9, v15;
	v15 =	vld [tilespmem:$0x1FF30];
	_ =	sdelay $0x4  }
0x81: {  	v5 =	vadd.s32 v9, v17  }
0x82: {  	v1 =	vor.u32 v40, v1;
	[tilespmem:v7+s14+$0x0] =	vst.idx.msk $0xffff, v5;
	v5 =	vand.u32 $0xFFFFFFF8, v22;
	v7 =	vadd.s32 v46, v38  }
0x83: {  	[tilespmem:v13+s14+$0x0] =	vst.idx.msk $0xffff, v19;
	v5 =	vor.u32 v42, v5;
	v7 =	vand.u32 $0xFFFFFFF8, v7;
	v13 =	vadd.s32 v47, v38  }
0x84: {  	s11 =	simm.s32 $0x20;
	s0 =	simm.s32 $0x10;
	[tilespmem:v15+s14+$0x0] =	vst.idx.msk $0xffff, v20;
	v7 =	vor.u32 v3, v7;
	v15 =	vand.u32 $0xFFFFFFF8, v13;
	v13 =	vadd.s32 v49, v38  }
.LBB2_2:
0x85: {  	v17 =	vand.u32 $0xFFFFFFF8, v13;
	v13 =	vld [tilespmem:$0x1FFB0];
	_ =	sdelay $0x4  }
0x86: {  	v24 =	vadd.s32 v13, v38;
	v13 =	vmov v62  }
0x87: {  	[tilespmem:$0x1FE00] =	vst v13;
	v13 =	vld [tilespmem:$0x1FFC0];
	_ =	sdelay $0x2  }
0x88: {  	v29 =	vld [tilespmem:$0x1FF90];
	_ =	sdelay $0x1  }
0x89: {  	v20 =	vmov v57;
	v57 =	vor.u32 v16, v17;
	v17 =	vadd.s32 v13, v38;
	v13 =	vld [tilespmem:$0x1FE10];
	_ =	sdelay $0x2  }
0x8a: {  	v62 =	vadd.s32 v29, v38;
	v29 =	vld [tilespmem:$0x1FE20];
	_ =	sdelay $0x3  }
0x8b: {  	[tilespmem:v53+s14+$0x0] =	vst.idx.msk $0xffff, v23  }
0x8c: {  	v25 =	vadd.s32 $0x400, v25;
	[tilespmem:v13+s14+$0x0] =	vst.idx.msk $0xffff, v28  }
0x8d: {  	v28 =	vand.u32 $0xFFFFFFF8, v17;
	v17 =	vor.u32 v2, v25;
	[tilespmem:v51+s14+$0x0] =	vst.idx.msk $0xffff, v27  }
0x8e: {  	[tilespmem:v52+s14+$0x0] =	vst.idx.msk $0xffff, v17;
	v17 =	vor.u32 v11, v25  }
0x8f: {  	[tilespmem:v29+s14+$0x0] =	vst.idx.msk $0xffff, v17;
	v29 =	vld [tilespmem:$0x1FEC0];
	_ =	sdelay $0x4  }
0x90: {  	v47 =	vand.u32 $0xFFFFFFF8, v29;
	v29 =	vld [tilespmem:$0x1FFA0];
	_ =	sdelay $0x4  }
0x91: {  	v22 =	vor.u32 v8, v15;
	v46 =	vadd.s32 v29, v38  }
0x92: {  	v19 =	vmovc v60;
	v60 =	vand.u32 $0xFFFFFFF8, v24;
	v24 =	vmov v22;
	v17 =	vld [tilespmem:$0x1FE50];
	v22 =	vand.u32 $0xFFFFFFF8, v46  }
0x93: {  	[tilespmem:$0x1FE50] =	vst v22;
	v22 =	vld [tilespmem:$0x1FF80];
	_ =	sdelay $0x3  }
0x94: {  	v29 =	vld [tilespmem:$0x1FE30]  }
0x95: {  	v46 =	vadd.s32 v22, v38;
	v22 =	vld [tilespmem:$0x1FE60];
	_ =	sdelay $0x4  }
0x96: {  	[tilespmem:$0x1FE30] =	vst v24;
	v24 =	vor.u32 v12, v47  }
0x97: {  	v15 =	vmov v61;
	v61 =	vor.u32 v56, v25;
	[tilespmem:$0x1FE60] =	vst v24  }
0x98: {  	v27 =	vadd.s32 v37, v25;
	[tilespmem:v29+s14+$0x0] =	vst.idx.msk $0xffff, v61  }
0x99: {  	v24 =	vld [tilespmem:$0x1FE40];
	[tilespmem:v22+s14+$0x0] =	vst.idx.msk $0xffff, v27;
	v22 =	vmov v57  }
0x9a: {  	[tilespmem:$0x1FE40] =	vst v22;
	v22 =	vld [tilespmem:$0x1FE90];
	_ =	sdelay $0x5  }
0x9b: {  	s12 =	smov.u32 s11;
	v26 =	vadd.s32 $0x800, v26;
	v25 =	vadd.s32 v9, v25  }
0x9c: {  	v2 =	vor.u32 v2, v26;
	[tilespmem:v24+s14+$0x0] =	vst.idx.msk $0xffff, v25;
	v24 =	vmov s12  }
0x9d: {  	[tilespmem:v22+s14+$0x0] =	vst.idx.msk $0xffff, v2;
	v2 =	vor.u32 v11, v26;
	v11 =	vmul.u32 $0x19, v24;
	v24 =	vld [tilespmem:$0x1FE70];
	_ =	sdelay $0x2  }
0x9e: {  	v38 =	vbroadcast v11, $0x0;
	v11 =	vld [tilespmem:$0x1FEA0];
	_ =	sdelay $0x1  }
0x9f: {  	v49 =	vor.u32 v40, v17;
	_ =	sdelay $0x2  }
0xa0: {  	[tilespmem:v24+s14+$0x0] =	vst.idx.msk $0xffff, v2;
	v24 =	vor.u32 v8, v21;
	v21 =	vor.u32 v35, v60  }
0xa1: {  	v25 =	vand.u32 $0xFFFFFFF8, v62;
	v2 =	vor.u32 v56, v26;
	[tilespmem:$0x1FE70] =	vst v21  }
0xa2: {  	v47 =	vadd.s32 v37, v26;
	[tilespmem:v49+s14+$0x0] =	vst.idx.msk $0xffff, v2;
	v2 =	vor.u32 v3, v25  }
0xa3: {  	v21 =	vand.u32 $0xFFFFFFF8, v46;
	v25 =	vadd.s32 v9, v26;
	[tilespmem:v11+s14+$0x0] =	vst.idx.msk $0xffff, v47;
	v11 =	vor.u32 v34, v28  }
0xa4: {  	v9 =	vmov v2;
	v2 =	vadd.s32 v30, v38;
	[tilespmem:$0x1FE90] =	vst v11;
	v11 =	vor.u32 v42, v21  }
0xa5: {  	v2 =	vand.u32 $0xFFFFFFF8, v2;
	[tilespmem:$0x1FEA0] =	vst v11;
	v11 =	vld [tilespmem:$0x1FE80]  }
0xa6: {  	v28 =	vmov v0;
	v0 =	vor.u32 v3, v2;
	v2 =	vld [tilespmem:$0x1FF60];
	_ =	sdelay $0x4  }
0xa7: {  	v53 =	vmov v4;
	v4 =	vadd.s32 v2, v38;
	v2 =	vmov v36  }
0xa8: {  	[tilespmem:$0x1FE10] =	vst v2;
	v2 =	vadd.s32 v18, v38  }
0xa9: {  	v51 =	vmov v1;
	v1 =	vand.u32 $0xFFFFFFF8, v2;
	v2 =	vadd.s32 v33, v38  }
0xaa: {  	[tilespmem:v11+s14+$0x0] =	vst.idx.msk $0xffff, v25;
	v57 =	vor.u32 v34, v1;
	v1 =	vand.u32 $0xFFFFFFF8, v2;
	v2 =	vld [tilespmem:$0x1FFE0]  }
0xab: {  	[tilespmem:$0x1FE80] =	vst v9;
	v9 =	vadd.s32 v32, v38;
	v26 =	vld [tilespmem:s0+$0x0]  }
0xac: {  	v9 =	vand.u32 $0xFFFFFFF8, v9  }
0xad: {  	v23 =	vmov v55;
	v55 =	vor.u32 v8, v9;
	v9 =	vadd.s32 v48, v38  }
0xae: {  	v52 =	vmovc v5;
	v5 =	vmov v7;
	v7 =	vadd.s32 v41, v38;
	v9 =	vand.u32 $0xFFFFFFF8, v9  }
0xaf: {  	[tilespmem:$0x1FE20] =	vst v5;
	v46 =	vld [tilespmem:$0x1FFF0];
	v60 =	vor.u32 v35, v1;
	v1 =	vand.u32 $0xFFFFFFF8, v7;
	v5 =	vadd.s32 v2, v38  }
0xb0: {  	v2 =	vadd.s32 v39, v38;
	v56 =	vand.u32 $0x3FF, v26;
	v7 =	vshrl.u32 v26, $0xA  }
0xb1: {  	v13 =	vmovc v50;
	v26 =	vand.u32 $0xFFFFFFF8, v2;
	v2 =	vadd.s32 v43, v38;
	v50 =	vmax.u32 v7, $0x1  }
0xb2: {  	v22 =	vmovc v54;
	v54 =	vor.u32 v16, v9;
	v61 =	vor.u32 v42, v1;
	v1 =	vand.u32 $0xFFFFFFF8, v2  }
0xb3: {  	[tilespmem:$0x1FEC0] =	vst v4;
	v4 =	vadd.s32 v10, v38;
	v25 =	vadd.s32 v45, v38;
	v62 =	vor.u32 v3, v1  }
0xb4: {  	v1 =	vadd.s32 v44, v38;
	v9 =	vmin.u32 v50, $0x400;
	v50 =	vmovc v44;
	v44 =	vmovc v34;
	v34 =	vadd.s32 v46, v38;
	v46 =	vld [tilespmem:$0x1FEB0]  }
0xb5: {  	v4 =	vand.u32 $0xFFFFFFF8, v4;
	v11 =	vadd.s32 v14, v38;
	v25 =	vand.u32 $0xFFFFFFF8, v25  }
0xb6: {  	v17 =	vmovc v58;
	v27 =	vmovc v63;
	v58 =	vor.u32 v12, v25;
	v63 =	vmin.u32 v56, $0x3FE;
	v25 =	vmax.u32 v7, $0x2  }
0xb7: {  	v47 =	vmovc v43;
	v37 =	vadd.s32 $0x1, v63;
	v63 =	vor.u32 v12, v4;
	v4 =	vand.u32 $0xFFFFFFF8, v11  }
0xb8: {  	v21 =	vmovc v59;
	v43 =	vmovc v39;
	v2 =	vmax.u32 v56, $0x2;
	v59 =	vor.u32 v16, v4;
	v4 =	vmin.u32 v25, $0x401  }
0xb9: {  	v39 =	vmovc v3;
	v36 =	vmin.u32 v7, $0x3FF;
	v2 =	vsub.s32 v2, v6;
	v6 =	vmovc v30;
	v4 =	vshll.u32 v4, $0xA  }
0xba: {  	v3 =	vmovc v18;
	v18 =	vmovc v16;
	v30 =	vshll.u32 v9, $0xA;
	v9 =	vmax.u32 v56, $0x1;
	v4 =	vadd.s32 $0xFFFFF800, v4  }
0xbb: {  	v36 =	vshll.u32 v36, $0xA;
	v16 =	vmovc v14;
	v14 =	vmovc v12;
	v11 =	vsub.s32 v9, v31;
	v9 =	vor.u32 v2, v4  }
0xbc: {  	v12 =	vmovc v10;
	v10 =	vmov v8;
	v8 =	vmov v32;
	v32 =	vor.u32 v11, v4;
	[tilespmem:v46+s14+$0x0] =	vst.idx.msk $0xffff, v9  }
0xbd: {  	v25 =	vmin.u32 v56, $0x3FD;
	v31 =	vmin.u32 v7, $0x3FE;
	v30 =	vadd.s32 $0xFFFFFC00, v30;
	[tilespmem:v23+s14+$0x0] =	vst.idx.msk $0xffff, v32;
	v23 =	vmovc v0  }
0xbe: {  	v49 =	vmovc v33;
	v33 =	vor.u32 v56, v4;
	v46 =	vadd.s32 v37, v4;
	v9 =	vadd.s32 $0x2, v25;
	[tilespmem:$0x1FEB0] =	vst v23  }
0xbf: {  	v25 =	vshll.u32 v31, $0xA;
	v31 =	vor.u32 v2, v36;
	v4 =	vadd.s32 v9, v4;
	[tilespmem:v27+s14+$0x0] =	vst.idx.msk $0xffff, v33  }
0xc0: {  	v34 =	vand.u32 $0xFFFFFFF8, v34;
	v33 =	vor.u32 v11, v36;
	v23 =	vor.u32 v56, v36;
	[tilespmem:v21+s14+$0x0] =	vst.idx.msk $0xffff, v46  }
0xc1: {  	v27 =	vadd.s32 v9, v36;
	v21 =	vand.u32 $0xFFFFFFF8, v1;
	[tilespmem:v20+s14+$0x0] =	vst.idx.msk $0xffff, v4;
	v4 =	vor.u32 v2, v30  }
0xc2: {  	v1 =	vand.u32 $0xFFFFFFF8, v5;
	v5 =	vadd.s32 v13, v38;
	[tilespmem:v19+s14+$0x0] =	vst.idx.msk $0xffff, v4;
	v4 =	vor.u32 v11, v30  }
0xc3: {  	[tilespmem:v28+s14+$0x0] =	vst.idx.msk $0xffff, v4;
	v28 =	vadd.s32 v37, v36;
	v36 =	vor.u32 v35, v1;
	v1 =	vand.u32 $0xFFFFFFF8, v5;
	v5 =	vld [tilespmem:$0x1FE00]  }
0xc4: {  	v29 =	vld [tilespmem:$0x1FFD0];
	_ =	sdelay $0x1  }
0xc5: {  	v4 =	vor.u32 v44, v34;
	v34 =	vmovc v44;
	v44 =	vmov v50;
	v50 =	vmov v13;
	v13 =	vld [tilespmem:$0x1FF40];
	_ =	sdelay $0x2  }
0xc6: {  	v29 =	vadd.s32 v29, v38;
	v7 =	vmin.u32 v7, $0x3FD;
	v20 =	vor.u32 v56, v30  }
0xc7: {  	v0 =	vor.u32 v40, v26;
	v26 =	vshll.u32 v7, $0xA;
	v19 =	vadd.s32 v37, v30;
	[tilespmem:v15+s14+$0x0] =	vst.idx.msk $0xffff, v20  }
0xc8: {  	v7 =	vand.u32 $0xFFFFFFF8, v29;
	v13 =	vadd.s32 v13, v38;
	[tilespmem:v5+s14+$0x0] =	vst.idx.msk $0xffff, v19;
	v5 =	vadd.s32 v9, v30  }
0xc9: {  	[tilespmem:v24+s14+$0x0] =	vst.idx.msk $0xffff, v5;
	v5 =	vor.u32 v42, v7;
	v7 =	vand.u32 $0xFFFFFFF8, v13;
	v13 =	vld [tilespmem:$0x1FF50];
	_ =	sdelay $0x4  }
0xca: {  	v13 =	vadd.s32 v13, v38  }
0xcb: {  	p0 =	sne.s32 s11, $0x1F0;
	v15 =	vand.u32 $0xFFFFFFF8, v13;
	v13 =	vld [tilespmem:$0x1FF70]  }
.Ltmp2:
0xcc: {  	_ = 	snop;
	(pc) =	sbr.rel @p0 .LBB2_2-.Ltmp2, $4  }
0xcd: {  	v32 =	vmov v8;
	v8 =	vmov v10;
	v10 =	vmov v12  }
0xce: {  	v12 =	vmovc v14;
	v14 =	vmovc v16;
	v16 =	vmov v18;
	v18 =	vmov v3;
	v3 =	vmov v39  }
0xcf: {  	s31 =	sadd.s32 $0x10, s31;
	v39 =	vmovc v43;
	v43 =	vmovc v47;
	v1 =	vor.u32 v40, v1;
	v30 =	vmov v6;
	v6 =	vimm.s32 $0x2;
	[tilespmem:v17+s14+$0x0] =	vst.idx.msk $0xffff, v31  }
0xd0: {  	s11 =	sadd.s32 $0x10, s11;
	s0 =	smov.u32 s31;
	v31 =	vimm.s32 $0x1;
	v7 =	vor.u32 v3, v7;
	[tilespmem:v22+s14+$0x0] =	vst.idx.msk $0xffff, v33;
	v33 =	vmovc v49;
	v13 =	vadd.s32 v13, v38  }
0xd1: {  	v17 =	vld [tilespmem:$0x1FE10];
	_ =	sdelay $0x6  }
0xd2: {  	[tilespmem:v53+s14+$0x0] =	vst.idx.msk $0xffff, v23  }
0xd3: {  	[tilespmem:v17+s14+$0x0] =	vst.idx.msk $0xffff, v28;
	v17 =	vadd.s32 $0x400, v25  }
0xd4: {  	v22 =	vld [tilespmem:$0x1FE20];
	[tilespmem:v51+s14+$0x0] =	vst.idx.msk $0xffff, v27;
	v19 =	vor.u32 v2, v17  }
0xd5: {  	[tilespmem:v52+s14+$0x0] =	vst.idx.msk $0xffff, v19;
	v52 =	vld [tilespmem:$0x1FE30]  }
0xd6: {  	v53 =	vld [tilespmem:$0x1FE60];
	_ =	sdelay $0x4  }
0xd7: {  	v19 =	vor.u32 v11, v17  }
0xd8: {  	v20 =	vor.u32 v56, v17;
	[tilespmem:v22+s14+$0x0] =	vst.idx.msk $0xffff, v19  }
0xd9: {  	v19 =	vadd.s32 v37, v17;
	[tilespmem:v52+s14+$0x0] =	vst.idx.msk $0xffff, v20  }
0xda: {  	[tilespmem:v53+s14+$0x0] =	vst.idx.msk $0xffff, v19;
	v19 =	vld [tilespmem:$0x1FE40];
	_ =	sdelay $0x6  }
0xdb: {  	v17 =	vadd.s32 v9, v17  }
0xdc: {  	[tilespmem:v19+s14+$0x0] =	vst.idx.msk $0xffff, v17;
	v17 =	vld [tilespmem:$0x1FE90];
	_ =	sdelay $0x5  }
0xdd: {  	v20 =	vadd.s32 $0x800, v26  }
0xde: {  	v51 =	vld [tilespmem:$0x1FE50];
	v2 =	vor.u32 v2, v20  }
0xdf: {  	[tilespmem:v17+s14+$0x0] =	vst.idx.msk $0xffff, v2;
	v2 =	vor.u32 v11, v20;
	v11 =	vld [tilespmem:$0x1FE70];
	_ =	sdelay $0x3  }
0xe0: {  	v22 =	vor.u32 v40, v51;
	_ =	sdelay $0x3  }
0xe1: {  	[tilespmem:v11+s14+$0x0] =	vst.idx.msk $0xffff, v2;
	v2 =	vor.u32 v56, v20  }
0xe2: {  	[tilespmem:v22+s14+$0x0] =	vst.idx.msk $0xffff, v2;
	v2 =	vld [tilespmem:$0x1FEA0];
	_ =	sdelay $0x6  }
0xe3: {  	v11 =	vadd.s32 v37, v20  }
0xe4: {  	[tilespmem:v2+s14+$0x0] =	vst.idx.msk $0xffff, v11;
	v2 =	vadd.s32 v9, v20;
	v9 =	vld [tilespmem:$0x1FE80];
	_ =	sdelay $0x7  }
0xe5: {  	[tilespmem:v9+s14+$0x0] =	vst.idx.msk $0xffff, v2  }
0xe6: {  	v2 =	vld [tilespmem:s0+$0x0];
	_ =	sdelay $0x2  }
0xe7: {  	v25 =	vld [tilespmem:$0x1FEB0];
	_ =	sdelay $0x1  }
0xe8: {  	v9 =	vshrl.u32 v2, $0xA  }
0xe9: {  	v11 =	vmax.u32 v9, $0x2  }
0xea: {  	v2 =	vand.u32 $0x3FF, v2;
	v11 =	vmin.u32 v11, $0x401  }
0xeb: {  	v17 =	vmax.u32 v2, $0x2;
	v11 =	vshll.u32 v11, $0xA  }
0xec: {  	v19 =	vmax.u32 v2, $0x1;
	v17 =	vsub.s32 v17, v6;
	v11 =	vadd.s32 $0xFFFFF800, v11  }
0xed: {  	v20 =	vmin.u32 v2, $0x3FE;
	v19 =	vsub.s32 v19, v31;
	v37 =	vor.u32 v17, v11  }
0xee: {  	v51 =	vmax.u32 v9, $0x1;
	v53 =	vmin.u32 v2, $0x3FD;
	v24 =	vor.u32 v19, v11;
	[tilespmem:v25+s14+$0x0] =	vst.idx.msk $0xffff, v37  }
0xef: {  	v20 =	vadd.s32 $0x1, v20;
	v52 =	vmin.u32 v51, $0x400;
	v25 =	vor.u32 v2, v11;
	[tilespmem:v55+s14+$0x0] =	vst.idx.msk $0xffff, v24  }
0xf0: {  	v23 =	vadd.s32 $0x2, v53;
	v22 =	vshll.u32 v52, $0xA;
	v24 =	vadd.s32 v20, v11;
	[tilespmem:v63+s14+$0x0] =	vst.idx.msk $0xffff, v25  }
0xf1: {  	v22 =	vadd.s32 $0xFFFFFC00, v22;
	v37 =	vld [tilespmem:$0x1FFC0];
	v11 =	vadd.s32 v23, v11;
	[tilespmem:v59+s14+$0x0] =	vst.idx.msk $0xffff, v24  }
0xf2: {  	v21 =	vor.u32 v8, v21;
	v55 =	vld [tilespmem:$0x1FFB0];
	[tilespmem:v57+s14+$0x0] =	vst.idx.msk $0xffff, v11;
	v11 =	vor.u32 v17, v22  }
0xf3: {  	v15 =	vor.u32 v8, v15;
	[tilespmem:v60+s14+$0x0] =	vst.idx.msk $0xffff, v11;
	v11 =	vor.u32 v19, v22  }
0xf4: {  	v13 =	vand.u32 $0xFFFFFFF8, v13;
	v27 =	vmin.u32 v9, $0x3FE;
	v25 =	vor.u32 v2, v22;
	v59 =	vld [tilespmem:$0x1FEC0];
	[tilespmem:v0+s14+$0x0] =	vst.idx.msk $0xffff, v11  }
0xf5: {  	v57 =	vld [tilespmem:$0x1FF90];
	v0 =	vor.u32 v16, v13;
	v11 =	vmin.u32 v9, $0x3FF;
	v13 =	vadd.s32 v20, v22;
	[tilespmem:v61+s14+$0x0] =	vst.idx.msk $0xffff, v25  }
0xf6: {  	v60 =	vld [tilespmem:$0x1FFA0];
	v25 =	vadd.s32 v37, v38;
	v11 =	vshll.u32 v11, $0xA;
	[tilespmem:v62+s14+$0x0] =	vst.idx.msk $0xffff, v13;
	v13 =	vadd.s32 v23, v22  }
0xf7: {  	v24 =	vadd.s32 v55, v38;
	v61 =	vld [tilespmem:$0x1FF80];
	v56 =	vand.u32 $0xFFFFFFF8, v25;
	v25 =	vor.u32 v17, v11;
	[tilespmem:v21+s14+$0x0] =	vst.idx.msk $0xffff, v13  }
0xf8: {  	v27 =	vshll.u32 v27, $0xA;
	v26 =	vor.u32 v19, v11;
	v28 =	vor.u32 v2, v11;
	[tilespmem:v58+s14+$0x0] =	vst.idx.msk $0xffff, v25  }
0xf9: {  	v24 =	vand.u32 $0xFFFFFFF8, v24;
	v29 =	vadd.s32 v20, v11;
	v11 =	vadd.s32 v23, v11;
	[tilespmem:v54+s14+$0x0] =	vst.idx.msk $0xffff, v26  }
0xfa: {  	v24 =	vor.u32 v35, v24;
	v13 =	vadd.s32 v57, v38;
	v21 =	vand.u32 $0xFFFFFFF8, v59;
	[tilespmem:v4+s14+$0x0] =	vst.idx.msk $0xffff, v28  }
0xfb: {  	v62 =	vadd.s32 $0x400, v27;
	v25 =	vadd.s32 v60, v38;
	v4 =	vor.u32 v12, v21;
	[tilespmem:v36+s14+$0x0] =	vst.idx.msk $0xffff, v29  }
0xfc: {  	v9 =	vmin.u32 v9, $0x3FD;
	v26 =	vadd.s32 v61, v38;
	[tilespmem:v1+s14+$0x0] =	vst.idx.msk $0xffff, v11;
	v1 =	vor.u32 v17, v62  }
0xfd: {  	v11 =	vand.u32 $0xFFFFFFF8, v13;
	v13 =	vor.u32 v34, v56;
	[tilespmem:v5+s14+$0x0] =	vst.idx.msk $0xffff, v1;
	v1 =	vor.u32 v19, v62  }
0xfe: {  	v63 =	vor.u32 v2, v62;
	v25 =	vand.u32 $0xFFFFFFF8, v25;
	v5 =	vand.u32 $0xFFFFFFF8, v26;
	[tilespmem:v7+s14+$0x0] =	vst.idx.msk $0xffff, v1  }
0xff: {  	v1 =	vshll.u32 v9, $0xA;
	v7 =	vadd.s32 v20, v62;
	v9 =	vor.u32 v40, v25;
	[tilespmem:v15+s14+$0x0] =	vst.idx.msk $0xffff, v63  }
0x100: {  	v5 =	vor.u32 v42, v5;
	v1 =	vadd.s32 $0x800, v1;
	[tilespmem:v4+s14+$0x0] =	vst.idx.msk $0xffff, v7;
	v4 =	vadd.s32 v23, v62  }
0x101: {  	v7 =	vor.u32 v3, v11;
	[tilespmem:v0+s14+$0x0] =	vst.idx.msk $0xffff, v4;
	v0 =	vor.u32 v17, v1  }
0x102: {  	[tilespmem:v13+s14+$0x0] =	vst.idx.msk $0xffff, v0;
	v0 =	vor.u32 v19, v1  }
0x103: {  	[tilespmem:v24+s14+$0x0] =	vst.idx.msk $0xffff, v0;
	v0 =	vor.u32 v2, v1  }
0x104: {  	v2 =	vadd.s32 v20, v1;
	[tilespmem:v9+s14+$0x0] =	vst.idx.msk $0xffff, v0  }
0x105: {  	v0 =	vadd.s32 v23, v1;
	[tilespmem:v5+s14+$0x0] =	vst.idx.msk $0xffff, v2  }
0x106: {  	s17 =	simm.s32 $0x3400;
	[tilespmem:v7+s14+$0x0] =	vst.idx.msk $0xffff, v0  }
0x107: {  	[tilespmem:s17], [sflag:$0x1] =	stream.indirect.gather [hbm4b:s4+s15], $0x1, s14, s15, $0xb8;
	[tilespmem:$0x10B20] =	vst v63  }
0x108: {  	v49 =	vld [tilespmem:$0x1FFD0];
	s18 =	simm.s32 $0x280;
	s6 =	simm.s32 $0x3480  }
0x109: {  	v47 =	vld [tilespmem:$0x1FFE0];
	[tilespmem:s6], [sflag:$0x2] =	stream.indirect.gather [hbm4b:s4+s15], $0x1, s18, s15, $0xb8  }
0x10a: {  	v46 =	vld [tilespmem:$0x1FFF0];
	_ =	swait.ge [sflag:s19], $0x80  }
0x10b: {  	[sflag:s19] =	ssyncset.done $0x0  }
0x10c: {  	s31 =	simm.s32 $0x3500;
	s11 =	simm.s32 $0x300;
	[sflag:s19] =	ssyncadd.s32 $0xFFFFFF80  }
0x10d: {  	[tilespmem:s31], [sflag:$0x1] =	stream.indirect.gather [hbm4b:s4+s15], $0x1, s11, s15, $0xb8;
	[tilespmem:$0x10B20] =	vst v63  }
0x10e: {  	_ =	swait.ge [sflag:s20], $0x80  }
0x10f: {  	s12 =	simm.s32 $0x380;
	[sflag:s20] =	ssyncset.done $0x0  }
0x110: {  	s0 =	simm.s32 $0xFFFF4000;
	v54 =	vmovc v60;
	v38 =	vmov v61;
	v36 =	vmov v55;
	v25 =	vmov v57;
	s11 =	simm.s32 $0x3580;
	[sflag:s20] =	ssyncadd.s32 $0xFFFFFF80  }
.LBB2_4:
0x111: {  	[tilespmem:s11], [sflag:$0x2] =	stream.indirect.gather [hbm4b:s4+s15], $0x1, s12, s15, $0xb8;
	[tilespmem:$0x10B20] =	vst v63  }
0x112: {  	p0 =	sne.s32 s0, $0xFFFFFC00;
	s11 =	smov.u32 s0;
	s0 =	sadd.s32 $0x400, s0  }
0x113: {  	s12 =	sshra.s32 s11, $0x2;
	_ =	swait.ge [sflag:s19], $0x80  }
0x114: {  	s11 =	sadd.s32 $0x6600, s12;
	[sflag:s19] =	ssyncset.done $0x0  }
.Ltmp3:
0x115: {  	s17 =	sadd.s32 $0x3400, s12;
	[sflag:s19] =	ssyncadd.s32 $0xFFFFFF80;
	(pc) =	sbr.rel @p0 .LBB2_4-.Ltmp3, $4  }
0x116: {  	[tilespmem:s11], [sflag:$0x1] =	stream.indirect.gather [hbm4b:s4+s15], $0x1, s17, s15, $0xb8;
	[tilespmem:$0x10B20] =	vst v63  }
0x117: {  	_ =	swait.ge [sflag:s20], $0x80  }
0x118: {  	[sflag:s20] =	ssyncset.done $0x0  }
0x119: {  	s11 =	sadd.s32 $0x6680, s12;
	s12 =	sadd.s32 $0x3480, s12;
	[sflag:s20] =	ssyncadd.s32 $0xFFFFFF80  }
0x11a: {  	[tilespmem:s11], [sflag:$0x2] =	stream.indirect.gather [hbm4b:s4+s15], $0x1, s12, s15, $0xb8;
	[tilespmem:$0x10B20] =	vst v63  }
0x11b: {  	_ =	swait.ge [sflag:s19], $0x80  }
0x11c: {  	[sflag:s19] =	ssyncset.done $0x0  }
0x11d: {  	[sflag:s19] =	ssyncadd.s32 $0xFFFFFF80  }
0x11e: {  	_ =	swait.ge [sflag:s20], $0x80  }
0x11f: {  	s31 =	simm.s32 $0x0;
	v5 =	vlaneseq.u32;
	[sflag:s20] =	ssyncset.done $0x0  }
0x120: {  	s0 =	simm.s32 $0x10;
	v29 =	vmovc v46;
	v13 =	vmovc v47;
	v26 =	vmov v49;
	v0 =	vimm.f32 $0.0e+00;
	v7 =	vimm.s32 $0x0;
	s11 =	sand.u32 $0x1FF0, s31;
	v28 =	vld [tilespmem:$0x1FF60];
	[sflag:s20] =	ssyncadd.s32 $0xFFFFFF80  }
.LBB2_6:
0x121: {  	p0 =	sne.s32 s0, $0x1FF0;
	[tilespmem:s11+$0xCA20] =	vst v0;
	s11 =	smov.u32 s0;
	s0 =	sadd.s32 $0x10, s0  }
.Ltmp4:
0x122: {  	(pc) =	sbr.rel @p0 .LBB2_6-.Ltmp4, $2  }
0x123: {  	_ =	sdelay $0x2  }
0x124: {  	s11 =	sand.u32 $0x1FF0, s11  }
0x125: {  	[tilespmem:s11+$0xCA20] =	vst v0;
	s31 =	simm.s32 $0x0  }
0x126: {  	[hbm4b:s7+s31] =	stream.linear.scatter [tilespmem:s21], [sflag:$0x1], $0x2000, $0x38;
	[tilespmem:$0x10B20] =	vst v63  }
0x127: {  	s0 =	rddreg [dreg:$0x4];
	s12 =	smov.u32 s1;
	v46 =	vld [tilespmem:$0x1FF40]  }
0x128: {  	v47 =	vld [tilespmem:$0x1FF50];
	[hbm4b:s0+s31] =	stream.linear.scatter [tilespmem:s21], [sflag:$0x2], $0x2000, $0x38  }
0x129: {  	s11 =	smov.u32 s16;
	s18 =	simm.s32 $0x0;
	v49 =	vld [tilespmem:$0x1FF70];
	s0 =	simm.s32 $0x3480  }
.LBB2_8:
0x12a: {  	v0 =	vld [tilespmem:s0+$0xFFFFFF80];
	_ =	sdelay $0x4  }
0x12b: {  	vm0 =	vlt.s32 v0, $0x4000  }
0x12c: {  	v1 =	vsel vm0, $0x1, v7  }
0x12d: {  	(xrf0) =	vadd.scan.msk.s32 $0xffff, v1;
	_ =	sdelay $0x2  }
0x12e: {  	v1 =	vmov s18  }
0x12f: {  	v1 =	vadd.s32 $0xFFFFFFFF, v1  }
0x130: {  	v1 =	vbroadcast v1, $0x0  }
0x131: {  	v2, _, _ =	vpop (xrf0)  }
0x132: {  	v1 =	vadd.s32 v2, v1;
	v2 =	vxor.u32 $0x80000000, v2  }
0x133: {  	(xrf0) =	vmax.scan.msk.u32 $0xffff, v2;
	_ =	sdelay $0x2  }
0x134: {  	s17 =	sadd.s32 s31, s10  }
0x135: {  	v2 =	vor.u32 s17, v5;
	[tilespmem:v1+s22+$0x0] =	vst.idx.msk vm0, v0  }
0x136: {  	[tilespmem:v1+s23+$0x0] =	vst.idx.msk vm0, v2  }
0x137: {  	v0, _, _ =	vpop (xrf0);
	v1 =	vld [tilespmem:s0+$0xFFFFFF90]  }
0x138: {  	(v2sf) =	vpush v0, $0xF;
	_ =	sdelay $0x3  }
0x139: {  	vm13 =	vlt.s32 v1, $0x4000  }
0x13a: {  	v0 =	vsel vm13, $0x1, v7  }
0x13b: {  	(xrf0) =	vadd.scan.msk.s32 $0xffff, v0;
	_ =	sdelay $0x5  }
0x13c: {  	v0, _, _ =	vpop (xrf0)  }
0x13d: {  	v2 =	vxor.u32 $0x80000000, v0  }
0x13e: {  	(xrf0) =	vmax.scan.msk.u32 $0xffff, v2  }
0x13f: {  	s6 =	spop (v2sf)  }
0x140: {  	s6 =	sadd.s32 s6, s18  }
0x141: {  	s6 =	sadd.s32 $0x80000000, s6  }
0x142: {  	v2 =	vmov s6  }
0x143: {  	v2 =	vadd.s32 $0xFFFFFFFF, v2  }
0x144: {  	v2 =	vbroadcast v2, $0x0;
	v4, _, _ =	vpop (xrf0)  }
0x145: {  	(v2sf) =	vpush v4, $0xF  }
0x146: {  	v0 =	vadd.s32 v0, v2;
	_ =	sdelay $0x3  }
0x147: {  	s9 =	sadd.s32 $0x10, s17  }
0x148: {  	v2 =	vor.u32 s9, v5;
	[tilespmem:v0+s22+$0x0] =	vst.idx.msk vm13, v1  }
0x149: {  	[tilespmem:v0+s23+$0x0] =	vst.idx.msk vm13, v2  }
0x14a: {  	v0 =	vld [tilespmem:s0+$0xFFFFFFA0];
	_ =	sdelay $0x4  }
0x14b: {  	vm14 =	vlt.s32 v0, $0x4000  }
0x14c: {  	v1 =	vsel vm14, $0x1, v7  }
0x14d: {  	s8 =	spop (v2sf);
	(xrf0) =	vadd.scan.msk.s32 $0xffff, v1  }
0x14e: {  	s6 =	sadd.s32 s8, s6  }
0x14f: {  	s6 =	sadd.s32 $0x80000000, s6  }
0x150: {  	v1 =	vmov s6  }
0x151: {  	v1 =	vadd.s32 $0xFFFFFFFF, v1  }
0x152: {  	v1 =	vbroadcast v1, $0x0  }
0x153: {  	v2, _, _ =	vpop (xrf0)  }
0x154: {  	v1 =	vadd.s32 v2, v1;
	v2 =	vxor.u32 $0x80000000, v2  }
0x155: {  	(xrf0) =	vmax.scan.msk.u32 $0xffff, v2;
	_ =	sdelay $0x2  }
0x156: {  	s9 =	sadd.s32 $0x20, s17  }
0x157: {  	v2 =	vor.u32 s9, v5;
	[tilespmem:v1+s22+$0x0] =	vst.idx.msk vm14, v0  }
0x158: {  	[tilespmem:v1+s23+$0x0] =	vst.idx.msk vm14, v2  }
0x159: {  	v0, _, _ =	vpop (xrf0);
	v1 =	vld [tilespmem:s0+$0xFFFFFFB0]  }
0x15a: {  	(v2sf) =	vpush v0, $0xF;
	_ =	sdelay $0x3  }
0x15b: {  	vm15 =	vlt.s32 v1, $0x4000  }
0x15c: {  	v0 =	vsel vm15, $0x1, v7  }
0x15d: {  	(xrf0) =	vadd.scan.msk.s32 $0xffff, v0;
	_ =	sdelay $0x5  }
0x15e: {  	v0, _, _ =	vpop (xrf0)  }
0x15f: {  	v2 =	vxor.u32 $0x80000000, v0  }
0x160: {  	(xrf0) =	vmax.scan.msk.u32 $0xffff, v2  }
0x161: {  	s8 =	spop (v2sf)  }
0x162: {  	s6 =	sadd.s32 s8, s6  }
0x163: {  	s6 =	sadd.s32 $0x80000000, s6  }
0x164: {  	v2 =	vmov s6  }
0x165: {  	v2 =	vadd.s32 $0xFFFFFFFF, v2  }
0x166: {  	v2 =	vbroadcast v2, $0x0;
	v4, _, _ =	vpop (xrf0)  }
0x167: {  	(v2sf) =	vpush v4, $0xF  }
0x168: {  	v0 =	vadd.s32 v0, v2;
	_ =	sdelay $0x3  }
0x169: {  	s9 =	sadd.s32 $0x30, s17  }
0x16a: {  	v2 =	vor.u32 s9, v5;
	[tilespmem:v0+s22+$0x0] =	vst.idx.msk vm15, v1  }
0x16b: {  	[tilespmem:v0+s23+$0x0] =	vst.idx.msk vm15, v2  }
0x16c: {  	v0 =	vld [tilespmem:s0+$0xFFFFFFC0];
	_ =	sdelay $0x4  }
0x16d: {  	vm4 =	vlt.s32 v0, $0x4000  }
0x16e: {  	v1 =	vsel vm4, $0x1, v7  }
0x16f: {  	s8 =	spop (v2sf);
	(xrf0) =	vadd.scan.msk.s32 $0xffff, v1  }
0x170: {  	s6 =	sadd.s32 s8, s6  }
0x171: {  	s6 =	sadd.s32 $0x80000000, s6  }
0x172: {  	v1 =	vmov s6  }
0x173: {  	v1 =	vadd.s32 $0xFFFFFFFF, v1  }
0x174: {  	v1 =	vbroadcast v1, $0x0  }
0x175: {  	v2, _, _ =	vpop (xrf0)  }
0x176: {  	v1 =	vadd.s32 v2, v1;
	v2 =	vxor.u32 $0x80000000, v2  }
0x177: {  	(xrf0) =	vmax.scan.msk.u32 $0xffff, v2;
	_ =	sdelay $0x2  }
0x178: {  	s9 =	sadd.s32 $0x40, s17  }
0x179: {  	v2 =	vor.u32 s9, v5;
	[tilespmem:v1+s22+$0x0] =	vst.idx.msk vm4, v0  }
0x17a: {  	[tilespmem:v1+s23+$0x0] =	vst.idx.msk vm4, v2  }
0x17b: {  	v0, _, _ =	vpop (xrf0);
	v1 =	vld [tilespmem:s0+$0xFFFFFFD0]  }
0x17c: {  	(v2sf) =	vpush v0, $0xF;
	_ =	sdelay $0x3  }
0x17d: {  	vm5 =	vlt.s32 v1, $0x4000  }
0x17e: {  	v0 =	vsel vm5, $0x1, v7  }
0x17f: {  	(xrf0) =	vadd.scan.msk.s32 $0xffff, v0;
	_ =	sdelay $0x5  }
0x180: {  	v0, _, _ =	vpop (xrf0)  }
0x181: {  	v2 =	vxor.u32 $0x80000000, v0  }
0x182: {  	(xrf0) =	vmax.scan.msk.u32 $0xffff, v2  }
0x183: {  	s8 =	spop (v2sf)  }
0x184: {  	s6 =	sadd.s32 s8, s6  }
0x185: {  	s6 =	sadd.s32 $0x80000000, s6  }
0x186: {  	v2 =	vmov s6  }
0x187: {  	v2 =	vadd.s32 $0xFFFFFFFF, v2  }
0x188: {  	v2 =	vbroadcast v2, $0x0;
	v4, _, _ =	vpop (xrf0)  }
0x189: {  	(v2sf) =	vpush v4, $0xF  }
0x18a: {  	v0 =	vadd.s32 v0, v2;
	_ =	sdelay $0x3  }
0x18b: {  	s9 =	sadd.s32 $0x50, s17  }
0x18c: {  	v2 =	vor.u32 s9, v5;
	[tilespmem:v0+s22+$0x0] =	vst.idx.msk vm5, v1  }
0x18d: {  	[tilespmem:v0+s23+$0x0] =	vst.idx.msk vm5, v2  }
0x18e: {  	v0 =	vld [tilespmem:s0+$0xFFFFFFE0];
	_ =	sdelay $0x4  }
0x18f: {  	vm6 =	vlt.s32 v0, $0x4000  }
0x190: {  	v1 =	vsel vm6, $0x1, v7  }
0x191: {  	s8 =	spop (v2sf);
	(xrf0) =	vadd.scan.msk.s32 $0xffff, v1  }
0x192: {  	s6 =	sadd.s32 s8, s6  }
0x193: {  	s6 =	sadd.s32 $0x80000000, s6  }
0x194: {  	v1 =	vmov s6  }
0x195: {  	v1 =	vadd.s32 $0xFFFFFFFF, v1  }
0x196: {  	v1 =	vbroadcast v1, $0x0  }
0x197: {  	v2, _, _ =	vpop (xrf0)  }
0x198: {  	v1 =	vadd.s32 v2, v1;
	_ =	sdelay $0x3  }
0x199: {  	s9 =	sadd.s32 $0x60, s17  }
0x19a: {  	v4 =	vor.u32 s9, v5;
	[tilespmem:v1+s22+$0x0] =	vst.idx.msk vm6, v0  }
0x19b: {  	[tilespmem:v1+s23+$0x0] =	vst.idx.msk vm6, v4  }
0x19c: {  	v0 =	vld [tilespmem:s0+$0xFFFFFFF0];
	_ =	sdelay $0x1  }
0x19d: {  	v1 =	vxor.u32 $0x80000000, v2  }
0x19e: {  	(xrf0) =	vmax.scan.msk.u32 $0xffff, v1;
	_ =	sdelay $0x1  }
0x19f: {  	vm7 =	vlt.s32 v0, $0x4000  }
0x1a0: {  	v1 =	vsel vm7, $0x1, v7;
	_ =	sdelay $0x1  }
0x1a1: {  	(xrf0) =	vadd.scan.msk.s32 $0xffff, v1  }
0x1a2: {  	v1, _, _ =	vpop (xrf0)  }
0x1a3: {  	(v2sf) =	vpush v1, $0xF;
	_ =	sdelay $0x3  }
0x1a4: {  	v1, _, _ =	vpop (xrf0)  }
0x1a5: {  	v2 =	vxor.u32 $0x80000000, v1  }
0x1a6: {  	(xrf0) =	vmax.scan.msk.u32 $0xffff, v2;
	_ =	sdelay $0x5  }
0x1a7: {  	v2, _, _ =	vpop (xrf0)  }
0x1a8: {  	(v2sf) =	vpush v2, $0xF;
	_ =	sdelay $0x1  }
0x1a9: {  	s8 =	spop (v2sf)  }
0x1aa: {  	s6 =	sadd.s32 s8, s6  }
0x1ab: {  	s6 =	sadd.s32 $0x80000000, s6  }
0x1ac: {  	v2 =	vmov s6  }
0x1ad: {  	v2 =	vadd.s32 $0xFFFFFFFF, v2  }
0x1ae: {  	v2 =	vbroadcast v2, $0x0;
	_ =	sdelay $0x1  }
0x1af: {  	v1 =	vadd.s32 v1, v2;
	_ =	sdelay $0x3  }
0x1b0: {  	s9 =	sadd.s32 $0x70, s17  }
0x1b1: {  	v2 =	vor.u32 s9, v5;
	[tilespmem:v1+s22+$0x0] =	vst.idx.msk vm7, v0  }
0x1b2: {  	s18 =	spop (v2sf);
	[tilespmem:v1+s23+$0x0] =	vst.idx.msk vm7, v2  }
0x1b3: {  	_ =	swait.ge [sflag:s19], $0x2000  }
0x1b4: {  	p0 =	seq.s32 s31, $0x3100;
	[sflag:s19] =	ssyncset.done $0x0  }
0x1b5: {  	s8 =	simm.s32 @!p0 $0x0;
	s9 =	simm.s32 @!p0 $0xCA20;
	[sflag:s19] =	ssyncadd.s32 $0xFFFFE000  }
0x1b6: {  	[hbm4b:s11+s8] =	stream.linear.scatter @!p0 [tilespmem:s9], [sflag:$0x1], $0x2000, $0x38;
	[tilespmem:$0x10B20] =	vst v63  }
0x1b7: {  	v0 =	vld [tilespmem:s0+$0x0];
	_ =	sdelay $0x4  }
0x1b8: {  	vm8 =	vlt.s32 v0, $0x4000  }
0x1b9: {  	v1 =	vsel vm8, $0x1, v7  }
0x1ba: {  	(xrf0) =	vadd.scan.msk.s32 $0xffff, v1  }
0x1bb: {  	s6 =	sadd.s32 s18, s6  }
0x1bc: {  	s6 =	sadd.s32 $0x80000000, s6  }
0x1bd: {  	v1 =	vmov s6  }
0x1be: {  	v1 =	vadd.s32 $0xFFFFFFFF, v1  }
0x1bf: {  	v1 =	vbroadcast v1, $0x0  }
0x1c0: {  	v2, _, _ =	vpop (xrf0)  }
0x1c1: {  	v1 =	vadd.s32 v2, v1;
	v2 =	vxor.u32 $0x80000000, v2  }
0x1c2: {  	(xrf0) =	vmax.scan.msk.u32 $0xffff, v2;
	_ =	sdelay $0x2  }
0x1c3: {  	s18 =	sadd.s32 $0x80, s17  }
0x1c4: {  	v2 =	vor.u32 s18, v5;
	[tilespmem:v1+s22+$0x0] =	vst.idx.msk vm8, v0  }
0x1c5: {  	[tilespmem:v1+s23+$0x0] =	vst.idx.msk vm8, v2  }
0x1c6: {  	v0, _, _ =	vpop (xrf0);
	v1 =	vld [tilespmem:s0+$0x10]  }
0x1c7: {  	(v2sf) =	vpush v0, $0xF;
	_ =	sdelay $0x3  }
0x1c8: {  	vm9 =	vlt.s32 v1, $0x4000  }
0x1c9: {  	v0 =	vsel vm9, $0x1, v7  }
0x1ca: {  	(xrf0) =	vadd.scan.msk.s32 $0xffff, v0;
	_ =	sdelay $0x5  }
0x1cb: {  	v0, _, _ =	vpop (xrf0)  }
0x1cc: {  	v2 =	vxor.u32 $0x80000000, v0  }
0x1cd: {  	(xrf0) =	vmax.scan.msk.u32 $0xffff, v2  }
0x1ce: {  	s9 =	spop (v2sf)  }
0x1cf: {  	s6 =	sadd.s32 s9, s6  }
0x1d0: {  	s6 =	sadd.s32 $0x80000000, s6  }
0x1d1: {  	v2 =	vmov s6  }
0x1d2: {  	v2 =	vadd.s32 $0xFFFFFFFF, v2  }
0x1d3: {  	v2 =	vbroadcast v2, $0x0;
	v4, _, _ =	vpop (xrf0)  }
0x1d4: {  	(v2sf) =	vpush v4, $0xF  }
0x1d5: {  	v0 =	vadd.s32 v0, v2;
	_ =	sdelay $0x3  }
0x1d6: {  	s18 =	sadd.s32 $0x90, s17  }
0x1d7: {  	v2 =	vor.u32 s18, v5;
	[tilespmem:v0+s22+$0x0] =	vst.idx.msk vm9, v1  }
0x1d8: {  	[tilespmem:v0+s23+$0x0] =	vst.idx.msk vm9, v2  }
0x1d9: {  	v0 =	vld [tilespmem:s0+$0x20];
	_ =	sdelay $0x4  }
0x1da: {  	vm10 =	vlt.s32 v0, $0x4000  }
0x1db: {  	v1 =	vsel vm10, $0x1, v7  }
0x1dc: {  	s9 =	spop (v2sf);
	(xrf0) =	vadd.scan.msk.s32 $0xffff, v1  }
0x1dd: {  	s6 =	sadd.s32 s9, s6  }
0x1de: {  	s6 =	sadd.s32 $0x80000000, s6  }
0x1df: {  	v1 =	vmov s6  }
0x1e0: {  	v1 =	vadd.s32 $0xFFFFFFFF, v1  }
0x1e1: {  	v1 =	vbroadcast v1, $0x0  }
0x1e2: {  	v2, _, _ =	vpop (xrf0)  }
0x1e3: {  	v1 =	vadd.s32 v2, v1;
	v2 =	vxor.u32 $0x80000000, v2  }
0x1e4: {  	(xrf0) =	vmax.scan.msk.u32 $0xffff, v2;
	_ =	sdelay $0x2  }
0x1e5: {  	s18 =	sadd.s32 $0xA0, s17  }
0x1e6: {  	v2 =	vor.u32 s18, v5;
	[tilespmem:v1+s22+$0x0] =	vst.idx.msk vm10, v0  }
0x1e7: {  	[tilespmem:v1+s23+$0x0] =	vst.idx.msk vm10, v2  }
0x1e8: {  	v0, _, _ =	vpop (xrf0);
	v1 =	vld [tilespmem:s0+$0x30]  }
0x1e9: {  	(v2sf) =	vpush v0, $0xF;
	_ =	sdelay $0x3  }
0x1ea: {  	vm11 =	vlt.s32 v1, $0x4000  }
0x1eb: {  	v0 =	vsel vm11, $0x1, v7  }
0x1ec: {  	(xrf0) =	vadd.scan.msk.s32 $0xffff, v0;
	_ =	sdelay $0x5  }
0x1ed: {  	v0, _, _ =	vpop (xrf0)  }
0x1ee: {  	v2 =	vxor.u32 $0x80000000, v0  }
0x1ef: {  	(xrf0) =	vmax.scan.msk.u32 $0xffff, v2  }
0x1f0: {  	s9 =	spop (v2sf)  }
0x1f1: {  	s6 =	sadd.s32 s9, s6  }
0x1f2: {  	s6 =	sadd.s32 $0x80000000, s6  }
0x1f3: {  	v2 =	vmov s6  }
0x1f4: {  	v2 =	vadd.s32 $0xFFFFFFFF, v2  }
0x1f5: {  	v2 =	vbroadcast v2, $0x0;
	v4, _, _ =	vpop (xrf0)  }
0x1f6: {  	(v2sf) =	vpush v4, $0xF  }
0x1f7: {  	v0 =	vadd.s32 v0, v2;
	_ =	sdelay $0x3  }
0x1f8: {  	s18 =	sadd.s32 $0xB0, s17  }
0x1f9: {  	v2 =	vor.u32 s18, v5;
	[tilespmem:v0+s22+$0x0] =	vst.idx.msk vm11, v1  }
0x1fa: {  	[tilespmem:v0+s23+$0x0] =	vst.idx.msk vm11, v2  }
0x1fb: {  	v0 =	vld [tilespmem:s0+$0x40];
	_ =	sdelay $0x4  }
0x1fc: {  	vm12 =	vlt.s32 v0, $0x4000  }
0x1fd: {  	v1 =	vsel vm12, $0x1, v7  }
0x1fe: {  	s9 =	spop (v2sf);
	(xrf0) =	vadd.scan.msk.s32 $0xffff, v1  }
0x1ff: {  	s6 =	sadd.s32 s9, s6  }
0x200: {  	s6 =	sadd.s32 $0x80000000, s6  }
0x201: {  	v1 =	vmov s6  }
0x202: {  	v1 =	vadd.s32 $0xFFFFFFFF, v1  }
0x203: {  	v1 =	vbroadcast v1, $0x0  }
0x204: {  	v2, _, _ =	vpop (xrf0)  }
0x205: {  	v1 =	vadd.s32 v2, v1;
	v2 =	vxor.u32 $0x80000000, v2  }
0x206: {  	(xrf0) =	vmax.scan.msk.u32 $0xffff, v2;
	_ =	sdelay $0x2  }
0x207: {  	s18 =	sadd.s32 $0xC0, s17  }
0x208: {  	v2 =	vor.u32 s18, v5;
	[tilespmem:v1+s22+$0x0] =	vst.idx.msk vm12, v0  }
0x209: {  	[tilespmem:v1+s23+$0x0] =	vst.idx.msk vm12, v2  }
0x20a: {  	v0, _, _ =	vpop (xrf0);
	v1 =	vld [tilespmem:s0+$0x50]  }
0x20b: {  	(v2sf) =	vpush v0, $0xF;
	_ =	sdelay $0x3  }
0x20c: {  	vm13 =	vlt.s32 v1, $0x4000  }
0x20d: {  	v0 =	vsel vm13, $0x1, v7  }
0x20e: {  	(xrf0) =	vadd.scan.msk.s32 $0xffff, v0;
	_ =	sdelay $0x5  }
0x20f: {  	v0, _, _ =	vpop (xrf0)  }
0x210: {  	v2 =	vxor.u32 $0x80000000, v0  }
0x211: {  	(xrf0) =	vmax.scan.msk.u32 $0xffff, v2  }
0x212: {  	s9 =	spop (v2sf)  }
0x213: {  	s6 =	sadd.s32 s9, s6  }
0x214: {  	s6 =	sadd.s32 $0x80000000, s6  }
0x215: {  	v2 =	vmov s6  }
0x216: {  	v2 =	vadd.s32 $0xFFFFFFFF, v2  }
0x217: {  	v2 =	vbroadcast v2, $0x0;
	v4, _, _ =	vpop (xrf0)  }
0x218: {  	(v2sf) =	vpush v4, $0xF  }
0x219: {  	v0 =	vadd.s32 v0, v2;
	_ =	sdelay $0x3  }
0x21a: {  	s18 =	sadd.s32 $0xD0, s17  }
0x21b: {  	v2 =	vor.u32 s18, v5;
	[tilespmem:v0+s22+$0x0] =	vst.idx.msk vm13, v1  }
0x21c: {  	[tilespmem:v0+s23+$0x0] =	vst.idx.msk vm13, v2  }
0x21d: {  	v0 =	vld [tilespmem:s0+$0x60];
	_ =	sdelay $0x4  }
0x21e: {  	vm14 =	vlt.s32 v0, $0x4000  }
0x21f: {  	v1 =	vsel vm14, $0x1, v7  }
0x220: {  	s9 =	spop (v2sf);
	(xrf0) =	vadd.scan.msk.s32 $0xffff, v1  }
0x221: {  	s6 =	sadd.s32 s9, s6  }
0x222: {  	s6 =	sadd.s32 $0x80000000, s6  }
0x223: {  	v1 =	vmov s6  }
0x224: {  	v1 =	vadd.s32 $0xFFFFFFFF, v1  }
0x225: {  	v1 =	vbroadcast v1, $0x0  }
0x226: {  	v2, _, _ =	vpop (xrf0)  }
0x227: {  	v1 =	vadd.s32 v2, v1;
	_ =	sdelay $0x3  }
0x228: {  	s18 =	sadd.s32 $0xE0, s17  }
0x229: {  	v4 =	vor.u32 s18, v5;
	[tilespmem:v1+s22+$0x0] =	vst.idx.msk vm14, v0  }
0x22a: {  	[tilespmem:v1+s23+$0x0] =	vst.idx.msk vm14, v4  }
0x22b: {  	v0 =	vld [tilespmem:s0+$0x70];
	_ =	sdelay $0x1  }
0x22c: {  	v1 =	vxor.u32 $0x80000000, v2  }
0x22d: {  	(xrf0) =	vmax.scan.msk.u32 $0xffff, v1;
	_ =	sdelay $0x1  }
0x22e: {  	vm15 =	vlt.s32 v0, $0x4000  }
0x22f: {  	v1 =	vsel vm15, $0x1, v7;
	_ =	sdelay $0x1  }
0x230: {  	(xrf0) =	vadd.scan.msk.s32 $0xffff, v1  }
0x231: {  	v1, _, _ =	vpop (xrf0)  }
0x232: {  	(v2sf) =	vpush v1, $0xF;
	_ =	sdelay $0x3  }
0x233: {  	v1, _, _ =	vpop (xrf0)  }
0x234: {  	v2 =	vxor.u32 $0x80000000, v1  }
0x235: {  	(xrf0) =	vmax.scan.msk.u32 $0xffff, v2;
	_ =	sdelay $0x5  }
0x236: {  	v2, _, _ =	vpop (xrf0)  }
0x237: {  	(v2sf) =	vpush v2, $0xF;
	_ =	sdelay $0x1  }
0x238: {  	s9 =	spop (v2sf)  }
0x239: {  	s6 =	sadd.s32 s9, s6  }
0x23a: {  	s6 =	sadd.s32 $0x80000000, s6  }
0x23b: {  	v2 =	vmov s6  }
0x23c: {  	v2 =	vadd.s32 $0xFFFFFFFF, v2  }
0x23d: {  	v2 =	vbroadcast v2, $0x0;
	_ =	sdelay $0x1  }
0x23e: {  	v1 =	vadd.s32 v1, v2;
	_ =	sdelay $0x3  }
0x23f: {  	s17 =	sadd.s32 $0xF0, s17  }
.Ltmp5:
0x240: {  	v2 =	vor.u32 s17, v5;
	[tilespmem:v1+s22+$0x0] =	vst.idx.msk vm15, v0;
	(pc) =	sbr.rel @p0 .LBB2_10-.Ltmp5, $4  }
0x241: {  	s18 =	spop (v2sf);
	[tilespmem:v1+s23+$0x0] =	vst.idx.msk vm15, v2  }
0x242: {  	_ =	swait.ge [sflag:s20], $0x2000  }
0x243: {  	s6 =	sadd.s32 s18, s6;
	[sflag:s20] =	ssyncset.done $0x0  }
0x244: {  	s18 =	sadd.s32 $0x80000000, s6;
	[sflag:s20] =	ssyncadd.s32 $0xFFFFE000  }
.Ltmp6:
0x245: {  	(pc) =	sbr.rel .LBB2_8-.Ltmp6, $4  }
0x246: {  	_ = 	snop  }
0x247: {  	[hbm4b:s12+s3] =	stream.linear.scatter [tilespmem:s21], [sflag:$0x2], $0x2000, $0x38;
	[tilespmem:$0x10B20] =	vst v63  }
0x248: {  	s31 =	sadd.s32 $0x100, s31  }
0x249: {  	s11 =	sadd.s32 $0x800, s11;
	s12 =	sadd.s32 $0x800, s12;
	s0 =	sadd.s32 $0x100, s0  }
.LBB2_10:
0x24a: {  	v0 =	vld [tilespmem:$0x6600]  }
0x24b: {  	v1 =	vld [tilespmem:$0x9810];
	s0 =	sadd.s32 $0x7F, s18  }
0x24c: {  	v2 =	vadd.s32 s18, v5;
	s12 =	sshrl.u32 s0, $0x7  }
0x24d: {  	p0 =	seq.s32 s12, $0x0  }
.Ltmp7:
0x24e: {  	_ = 	snop;
	(pc) =	sbr.rel @p0 .LBB2_15-.Ltmp7, $4  }
0x24f: {  	v0 =	vperm.xlane v0, v7  }
0x250: {  	v1 =	vperm.xlane v1, v7  }
0x251: {  	[tilespmem:v2+s22+$0x0] =	vst.idx.msk $0xff, v0  }
0x252: {  	[tilespmem:v2+s23+$0x0] =	vst.idx.msk $0xff, v1  }
0x253: {  	p1 =	sne.s32 s12, $0x1  }
.Ltmp8:
0x254: {  	_ = 	snop;
	(pc) =	sbr.rel @!p1 .LBB2_14-.Ltmp8, $4  }
0x255: {  	s0 =	sadd.s32 $0x7, s18  }
0x256: {  	s0 =	sand.u32 $0xFFFFFFF8, s0  }
0x257: {  	s11 =	simm.s32 $0x0;
	s0 =	sadd.s32 $0xFFFFFF80, s0  }
0x258: {  	s12 =	sadd.s32 $0xFFFFFFFF, s12;
	p0 =	por $0x0, $0x0;
	p2 =	sgt.s32 s0, $0x0  }
0x259: {  	s6 =	smov.u32 s0  }
0x25a: {  	s6 =	smov.u32 @p2 s11  }
0x25b: {  	v0 =	vld [tilespmem:s6+$0x6600];
	_ =	sdelay $0x4  }
0x25c: {  	[tilespmem:$0x10A20] =	vst v0  }
0x25d: {  	v0 =	vld [tilespmem:s6+$0x9810];
	_ =	sdelay $0x4  }
0x25e: {  	[tilespmem:$0x10AA0] =	vst v0  }
0x25f: {  	v0 =	vld [tilespmem:s6+$0x6610];
	_ =	sdelay $0x4  }
0x260: {  	[tilespmem:$0x10A30] =	vst v0  }
0x261: {  	v0 =	vld [tilespmem:s6+$0x9820];
	_ =	sdelay $0x4  }
0x262: {  	[tilespmem:$0x10AB0] =	vst v0  }
0x263: {  	v0 =	vld [tilespmem:s6+$0x6620];
	_ =	sdelay $0x4  }
0x264: {  	[tilespmem:$0x10A40] =	vst v0  }
0x265: {  	v0 =	vld [tilespmem:s6+$0x9830];
	_ =	sdelay $0x4  }
0x266: {  	[tilespmem:$0x10AC0] =	vst v0  }
0x267: {  	v0 =	vld [tilespmem:s6+$0x6630];
	_ =	sdelay $0x4  }
0x268: {  	[tilespmem:$0x10A50] =	vst v0  }
0x269: {  	v0 =	vld [tilespmem:s6+$0x9840];
	_ =	sdelay $0x4  }
0x26a: {  	[tilespmem:$0x10AD0] =	vst v0  }
0x26b: {  	v0 =	vld [tilespmem:s6+$0x6640];
	_ =	sdelay $0x4  }
0x26c: {  	[tilespmem:$0x10A60] =	vst v0  }
0x26d: {  	v0 =	vld [tilespmem:s6+$0x9850];
	_ =	sdelay $0x4  }
0x26e: {  	[tilespmem:$0x10AE0] =	vst v0  }
0x26f: {  	v0 =	vld [tilespmem:s6+$0x6650];
	_ =	sdelay $0x4  }
0x270: {  	[tilespmem:$0x10A70] =	vst v0  }
0x271: {  	v0 =	vld [tilespmem:s6+$0x9860];
	_ =	sdelay $0x4  }
0x272: {  	[tilespmem:$0x10AF0] =	vst v0  }
0x273: {  	v0 =	vld [tilespmem:s6+$0x6660];
	_ =	sdelay $0x4  }
0x274: {  	[tilespmem:$0x10A80] =	vst v0  }
0x275: {  	v0 =	vld [tilespmem:s6+$0x9870];
	_ =	sdelay $0x4  }
0x276: {  	[tilespmem:$0x10B00] =	vst v0  }
0x277: {  	v0 =	vld [tilespmem:s6+$0x6670];
	_ =	sdelay $0x4  }
0x278: {  	[tilespmem:$0x10A90] =	vst v0  }
0x279: {  	v0 =	vld [tilespmem:s6+$0x9880];
	_ =	sdelay $0x4  }
0x27a: {  	[tilespmem:$0x10B10] =	vst v0  }
0x27b: {  	[tilespmem:s25], [sflag:$0x3] =	stream.indirect.gather [hbm4b:s5+s15], $0x40, s24, s15, $0xb8;
	[tilespmem:$0x10B20] =	vst v63  }
0x27c: {  	p1 =	sne.s32 s12, $0x1;
	_ =	swait.ge [sflag:s26], $0x2000  }
.Ltmp9:
0x27d: {  	[sflag:s26] =	ssyncset.done $0x0;
	(pc) =	sbr.rel @!p1 .LBB2_14-.Ltmp9, $4  }
0x27e: {  	[sflag:s26] =	ssyncadd.s32 $0xFFFFE000  }
0x27f: {  	[hbm4b:s2+s15] =	stream.indirect.scatter [tilespmem:s25], [sflag:$0x4], $0x40, s28, s15, $0xb8;
	[tilespmem:$0x10B20] =	vst v63  }
0x280: {  	s12 =	sadd.s32 $0xFFFFFFFF, s12;
	p0 =	por $0x1, $0x1;
	_ =	swait.ge [sflag:s29], $0x2000  }
0x281: {  	s11 =	simm.s32 $0x80;
	p2 =	sgt.s32 s0, $0x80;
	[sflag:s29] =	ssyncset.done $0x0  }
.LBB2_13:
0x282: {  	s17 =	smov.u32 s0  }
0x283: {  	p1 =	sne.s32 s12, $0x1;
	[sflag:s29] =	ssyncadd.s32 $0xFFFFE000;
	s17 =	smov.u32 @p2 s11  }
0x284: {  	s12 =	sadd.s32 $0xFFFFFFFF, s12;
	v0 =	vld [tilespmem:s17+$0x6600];
	_ =	sdelay $0x4  }
0x285: {  	[tilespmem:$0x10A20] =	vst v0  }
0x286: {  	v0 =	vld [tilespmem:s17+$0x9810];
	_ =	sdelay $0x4  }
0x287: {  	[tilespmem:$0x10AA0] =	vst v0  }
0x288: {  	v0 =	vld [tilespmem:s17+$0x6610];
	_ =	sdelay $0x4  }
0x289: {  	[tilespmem:$0x10A30] =	vst v0  }
0x28a: {  	v0 =	vld [tilespmem:s17+$0x9820];
	_ =	sdelay $0x4  }
0x28b: {  	[tilespmem:$0x10AB0] =	vst v0  }
0x28c: {  	v0 =	vld [tilespmem:s17+$0x6620];
	_ =	sdelay $0x4  }
0x28d: {  	[tilespmem:$0x10A40] =	vst v0  }
0x28e: {  	v0 =	vld [tilespmem:s17+$0x9830];
	_ =	sdelay $0x4  }
0x28f: {  	[tilespmem:$0x10AC0] =	vst v0  }
0x290: {  	v0 =	vld [tilespmem:s17+$0x6630];
	_ =	sdelay $0x4  }
0x291: {  	[tilespmem:$0x10A50] =	vst v0  }
0x292: {  	v0 =	vld [tilespmem:s17+$0x9840];
	_ =	sdelay $0x4  }
0x293: {  	[tilespmem:$0x10AD0] =	vst v0  }
0x294: {  	v0 =	vld [tilespmem:s17+$0x6640];
	_ =	sdelay $0x4  }
0x295: {  	[tilespmem:$0x10A60] =	vst v0  }
0x296: {  	v0 =	vld [tilespmem:s17+$0x9850];
	_ =	sdelay $0x4  }
0x297: {  	[tilespmem:$0x10AE0] =	vst v0  }
0x298: {  	v0 =	vld [tilespmem:s17+$0x6650];
	_ =	sdelay $0x4  }
0x299: {  	[tilespmem:$0x10A70] =	vst v0  }
0x29a: {  	v0 =	vld [tilespmem:s17+$0x9860];
	_ =	sdelay $0x4  }
0x29b: {  	[tilespmem:$0x10AF0] =	vst v0  }
0x29c: {  	v0 =	vld [tilespmem:s17+$0x6660];
	_ =	sdelay $0x4  }
0x29d: {  	[tilespmem:$0x10A80] =	vst v0  }
0x29e: {  	v0 =	vld [tilespmem:s17+$0x9870];
	_ =	sdelay $0x4  }
0x29f: {  	[tilespmem:$0x10B00] =	vst v0  }
0x2a0: {  	v0 =	vld [tilespmem:s17+$0x6670];
	_ =	sdelay $0x4  }
0x2a1: {  	[tilespmem:$0x10A90] =	vst v0  }
0x2a2: {  	v0 =	vld [tilespmem:s17+$0x9880];
	_ =	sdelay $0x4  }
0x2a3: {  	[tilespmem:$0x10B10] =	vst v0  }
0x2a4: {  	[tilespmem:s25], [sflag:$0x3] =	stream.indirect.gather [hbm4b:s5+s15], $0x40, s24, s15, $0xb8;
	[tilespmem:$0x10B20] =	vst v63  }
0x2a5: {  	_ =	swait.ge [sflag:s26], $0x2000  }
.Ltmp10:
0x2a6: {  	[sflag:s26] =	ssyncset.done $0x0;
	(pc) =	sbr.rel @p1 .LBB2_13-.Ltmp10, $4  }
0x2a7: {  	[sflag:s26] =	ssyncadd.s32 $0xFFFFE000  }
0x2a8: {  	[hbm4b:s2+s15] =	stream.indirect.scatter [tilespmem:s25], [sflag:$0x4], $0x40, s28, s15, $0xb8;
	[tilespmem:$0x10B20] =	vst v63  }
0x2a9: {  	s11 =	sadd.s32 $0x80, s11;
	_ =	swait.ge [sflag:s29], $0x2000  }
0x2aa: {  	p2 =	slt.s32 s11, s0;
	[sflag:s29] =	ssyncset.done $0x0  }
.Ltmp11:
0x2ab: {  	_ = 	snop;
	(pc) =	sbr.rel .LBB2_14-.Ltmp11, $1  }
0x2ac: {  	_ =	sdelay $0x3  }
.LBB2_16:
0x2ad: {  	_ =	sfence.sel $0x180000  }
0x2ae: {  	[bflag:$0x0] =	sbarrier.arrive $0xFFFF  }
0x2af: {  	_ =	strace $0x9000004A  }
0x2b0: {  	s0 =	stileid.u32;
	[bflag:$0x2] =	sbarrier.arrive $0xFFFF  }
0x2b1: {  	p0 =	sne.s32 s0, $0x0;
	s0 =	rddreg [dreg:$0x2]  }
0x2b2: {  	s0 =	sadd.s32 @!p0 $0x100000, s0  }
0x2b3: {  	[sflag:s0] =	ssyncadd.tile.s32 @!p0 $0x1;
	_ =	shalt  }
.Lfunc_end2:
_tile_overlayer_lowered:
.L_overlay_start_2:
0x2b4: {  	(tag) =	ssettag $0x2  }
0x2b5: {  	s0 =	rddreg [dreg:$0x0];
	s2 =	stileid.u32  }
0x2b6: {  	s1 =	rddreg [dreg:$0x1];
	p0 =	sne.s32 s2, $0x0  }
0x2b7: {  	s3 =	rddreg [dreg:$0x2];
	[bflag:$0x3] =	sbarrier.arrive $0xFFFF;
	s2 =	simm.s32 @!p0 $0x1C05  }
0x2b8: {  	[timem:s3], [sflag:s2] =	dma.local @!p0 [hbm:s0], s1  }
0x2b9: {  	s0 =	simm.s32 @!p0 $0x5  }
0x2ba: {  	_ =	swait.ge @!p0 [sflag:s0], s1  }
0x2bb: {  	s1 =	ssub.s32 @!p0 $0x0, s1;
	[sflag:s0] =	ssyncset.done @!p0 $0x0  }
0x2bc: {  	[sflag:s0] =	ssyncadd.s32 @!p0 s1  }
0x2bd: {  	[bflag:$0x3] =	sbarrier.arrive $0xFFFF  }
0x2be: {  	_ =	shalt  }

// kernel: sparse-core-data-format-call.cloned.1.call-start
scs
called_computation_lowered:
.L_overlay_start_0:
0x0: {  	s2 =	sld [smem:$0x3FD9]  }
0x1: {  	s3 =	sld [smem:$0x3FFE];
	_ =	sdelay $0x1  }
0x2: {  	s1 =	srdreg.scid  }
0x3: {  	s0 =	sand.u32 $0x1, s1  }
0x4: {  	s18 =	sshll.u32 s0, $0xA;
	s2 =	sadd.s32 s3, s2  }
0x5: {  	s2 =	sadd.s32 s2, s18  }
0x6: {  	[smem:$0x3FC6] =	sst s2  }
0x7: {  	_ = 	snop  }
0x8: {  	s2 =	sld [smem:$0x3FD0];
	(tm) =	ssettm $0x1  }
0x9: {  	s19 =	sld [smem:$0x3FFB];
	_ =	sdelay $0x3  }
0xa: {  	_ =	strace s19  }
0xb: {  	s3 =	sld [smem:$0x3FFC];
	_ =	sdelay $0x3  }
0xc: {  	_ =	strace s3  }
0xd: {  	s3 =	sld [smem:$0x3FFD];
	_ =	sdelay $0x3  }
0xe: {  	_ =	strace s3  }
0xf: {  	_ =	strace $0x8FFFFFFF  }
0x10: {  	s20 =	sld [smem:$0x3FDB];
	_ =	sdelay $0x1  }
0x11: {  	s4 =	simm.s32 $_scs_section_size  }
0x12: {  	s5 =	simm.s32 $_size__tile_overlayer_lowered;
	s6 =	simm.s32 $_tile_overlayer_lowered  }
0x13: {  	s23 =	simm.s32 $0x1BFF;
	s22 =	sshll.u32 s6, $0x1;
	s3 =	sadd.s32 s4, s20  }
0x14: {  	s7 =	simm.s32 $0x0;
	s21 =	sshll.u32 s5, $0x1;
	s5 =	sadd.s32 s22, s3  }
0x15: {  	[timem:s7], [sflag:s23] =	dma.local [hbm:s5], s21  }
0x16: {  	_ =	swait.ge [sflag:s23], s21  }
0x17: {  	s4 =	ssub.s32 $0x0, s21;
	[sflag:s23] =	ssyncset.done $0x0  }
0x18: {  	[sflag:s23] =	ssyncadd.s32 s4;
	_ =	sdelay $0x1  }
0x19: {  	s24 =	simm.s32 $0x1B8B  }
0x1a: {  	_ =	swait.ge [sflag:s24], $0x1  }
0x1b: {  	[sflag:s24] =	ssyncset.done $0x0  }
0x1c: {  	s26 =	simm.s32 $0x1B8E;
	s25 =	sld [smem:$0x3FFE];
	[sflag:s24] =	ssyncadd.s32 $0xFFFFFFFF  }
0x1d: {  	s27 =	simm.s32 $execute0_lowered;
	[smem:$0x3FD2] =	sst s26  }
0x1e: {  	s5 =	sshll.u32 s27, $0x1;
	_ =	strace $0x8000004C;
	[dreg:$0x1] =	wrdreg $0xFFFFFFFF  }
0x1f: {  	s28 =	simm.s32 $_size_execute0_lowered;
	s3 =	sadd.s32 s3, s5;
	[dreg:$0x0] =	wrdreg $0x0  }
0x20: {  	s5 =	sshll.u32 s28, $0x1;
	[dreg:$0x2] =	wrdreg s3  }
0x21: {  	[dreg:$0x3] =	wrdreg s5  }
0x22: {  	[dreg:$0x4] =	wrdreg $0xC0  }
0x23: {  	_ =	task [dreg:s7], $0x5FFFF  }
0x24: {  	[dreg:$0x1] =	wrdreg $0xFFFFFFFF  }
0x25: {  	[dreg:$0x0] =	wrdreg $0x60  }
0x26: {  	[dreg:$0x2] =	wrdreg s25  }
0x27: {  	[dreg:$0x3] =	wrdreg s2  }
0x28: {  	[dreg:$0x4] =	wrdreg $0x9  }
0x29: {  	_ =	task.clear_ibuf [dreg:s7], $0x5FFFF;
	_ =	strace $0x9000004C  }
0x2a: {  	s29 =	simm.s32 $0x9;
	_ =	strace $0x8000004E  }
0x2b: {  	_ =	swait.ge [sflag:s29], $0x1  }
0x2c: {  	[sflag:s29] =	ssyncadd.s32 $0xFFFFFFFF  }
0x2d: {  	_ =	strace $0x9000004E  }
0x2e: {  	_ =	sfence  }
0x2f: {  	s30 =	sld [smem:$0x0];
	_ =	sdelay $0x2  }
0x30: {  	s31 =	sshll.u32 s1, $0xD;
	s1 =	sshrl.u32 s1, $0x2  }
0x31: {  	s3 =	sand.u32 $0x4000, s31;
	s1 =	sadd.s32 s1, s30  }
0x32: {  	s0 =	sor.u32 s3, s0;
	s1 =	sshll.u32 s1, $0x11  }
0x33: {  	s0 =	sor.u32 s1, s0  }
0x34: {  	s0 =	sadd.s32 $0x8F2B, s0  }
0x35: {  	[sflag:s0] =	ssyncadd.remote.s32 $0x1  }
0x36: {  	_ =	sfence.sel $0xFFFF  }
0x37: {  	[dreg:$0x0] =	wrdreg $0xFFFFFFFF;
	(pc) =	sbr.abs _section_cstart, $3  }
0x38: {  	[dreg:$0x1] =	wrdreg $0xFFFFFFFF  }
0x39: {  	_ =	task.clear_ibuf [dreg:s7], $0x2FFFF;
	_ =	strace $0x9FFFFFFF  }
0x3a: {  	(tm) =	ssettm $0x7FFFFFFF  }
0x3b: {  	_ =	shalt  }
tec
execute0_lowered:
.L_overlay_start_1:
0x0: {  	(tag) =	ssettag $0x1  }
0x1: {  	s0 =	srdreg.scid  }
0x2: {  	s1 =	sshll.u32 s0, $0x4  }
0x3: {  	s0 =	stileid.u32;
	s1 =	sand.u32 $0x10, s1  }
0x4: {  	s1 =	sor.u32 s0, s1  }
0x5: {  	s6 =	rddreg [dreg:$0x0];
	s4 =	simm.s32 $0x1;
	s2 =	sshll.u32 s1, $0x7  }
0x6: {  	s7 =	simm.s32 $0x2;
	s12 =	simm.s32 $0x0;
	s1 =	ssub.s32 $0x4000, s2  }
0x7: {  	s8 =	simm.s32 $0x20000;
	s13 =	simm.s32 $0x0;
	s3 =	sand.u32 $0xF80, s1  }
0x8: {  	s9 =	simm.s32 $0x0;
	s5 =	sshrl.u32 s1, $0xC;
	p0 =	sne.s32 s3, $0x0  }
.Ltmp0:
0x9: {  	s1 =	rddreg [dreg:$0x2];
	s4 =	simm.s32 @!p0 $0x0;
	(pc) =	sbr.rel .LBB1_1-.Ltmp0, $4  }
0xa: {  	s11 =	simm.s32 $0x0;
	s3 =	rddreg [dreg:$0x1];
	s5 =	sadd.s32 s4, s5  }
0xb: {  	_ =	strace $0x8000004D;
	s4 =	simm.s32 $0x1;
	s5 =	smul.u32 $0x19, s5  }
0xc: {  	s6 =	sadd.s32 $0xE00, s6;
	s10 =	smov.u32 s2;
	[sflag:s4] =	ssyncpa.u1 $0x0  }
0xd: {  	p0 =	por $0x0, $0x0;
	[sflag:s7] =	ssyncpa.u1 $0x0;
	s7 =	sadd.s32 $0x1, s5  }
.LBB1_4:
0xe: {  	s16 =	sshll.u32 s13, $0x3;
	s17 =	sand.u32 $0x78, s13  }
0xf: {  	s30 =	sand.u32 $0x1F800, s13;
	s12 =	sshll.u32 s12, $0x11;
	s16 =	sand.u32 $0x3C00, s16  }
0x10: {  	[tilespmem:s15+$0x810 ss:$0x81] =	vst.msk $0xffff, v2;
	s31 =	sand.u32 $0x7, s13;
	s16 =	sor.u32 s17, s16;
	s17 =	sadd.s32 s3, s30  }
0x11: {  	[tilespmem:s15+$0x1020 ss:$0x81] =	vst.msk $0xffff, v0;
	s13 =	sshll.u32 s31, $0x12;
	s12 =	sadd.s32 s12, s17;
	s16 =	sshrl.u32 s16, $0x3  }
0x12: {  	[tilespmem:s15+$0x0 ss:$0x81] =	vst.msk $0xffff, v1;
	s13 =	sor.u32 $0x400, s13;
	s12 =	sadd.s32 s16, s12  }
0x13: {  	[hbm4b:s12+s13] =	stream.strided.scatter [tilespmem:s14], [sflag:$0x2], $0x2000, s8, s13, $0x20;
	[tilespmem:$0x8080] =	vst v63  }
.LBB1_5:
0x14: {  	s14 =	sadd.s32 $0x1, s9  }
0x15: {  	s12 =	sadd.s32 $0x1000, s10;
	s16 =	smov.u32 s10;
	p2 =	sgt.s32 s14, $0x18  }
0x16: {  	s16 =	smov.u32 @p2 s12  }
0x17: {  	s14 =	simm.s32 @p2 $0x0;
	p2 =	sgt.s32 s16, $0x3FFF  }
0x18: {  	s16 =	smov.u32 @p2 s2;
	p2 =	sne.s32 s11, s7  }
.Ltmp1:
0x19: {  	p1 =	slt.u32 s11, $0x2;
	(pc) =	sbr.rel @!p2 .LBB1_6-.Ltmp1, $4  }
0x1a: {  	s15 =	simm.s32 @!p1 $0x2  }
0x1b: {  	s13 =	smov.u32 s10;
	p0 =	por !p0, !p0;
	_ =	swait.ge @!p1 [sflag:s15], $0x2000  }
0x1c: {  	s12 =	smov.u32 s9;
	[sflag:s15] =	ssyncset.done @!p1 $0x0;
	s9 =	smov.u32 s14  }
0x1d: {  	s11 =	sadd.s32 $0x1, s11;
	[sflag:s15] =	ssyncadd.s32 @!p1 $0xFFFFE000;
	s10 =	smov.u32 s16  }
.LBB1_1:
0x1e: {  	p1 =	sge.u32 s11, s5  }
0x1f: {  	s31 =	sadd.s32 $0xFFFFFFFF, s11;
	s14 =	sxor.u32 @!p1 $0xFFFFFFFF, s11  }
0x20: {  	s15 =	sshll.u32 @!p1 s10, $0x9;
	s16 =	sshll.u32 @!p1 s9, $0x4;
	s17 =	simm.s32 @!p1 $0x1000  }
0x21: {  	s14 =	sshll.u32 @!p1 s14, $0xD;
	s16 =	sand.u32 @!p1 $0x1F0, s16;
	s15 =	sadd.s32 @!p1 s6, s15  }
0x22: {  	s14 =	sand.u32 @!p1 $0x2000, s14;
	s15 =	sadd.s32 @!p1 s16, s15;
	s16 =	simm.s32 @!p1 $0x40  }
0x23: {  	[tilespmem:s14], [sflag:$0x1] =	stream.strided.gather @!p1 [hbm4b:s15+s16], $0x2000, s17, s16, $0x38;
	[tilespmem:$0x8080] =	vst v63  }
0x24: {  	p1 =	sge.u32 s31, s5  }
.Ltmp2:
0x25: {  	_ = 	snop;
	(pc) =	sbr.rel @p1 .LBB1_5-.Ltmp2, $1  }
0x26: {  	_ =	sdelay $0x3  }
0x27: {  	s14 =	simm.s32 $0x1  }
0x28: {  	_ =	swait.ge [sflag:s4], $0x2000;
	s14 =	simm.s32 @!p0 $0x0  }
0x29: {  	[sflag:s4] =	ssyncset.done $0x0;
	s15 =	sshll.u32 s14, $0xD  }
0x2a: {  	[sflag:s4] =	ssyncadd.s32 $0xFFFFE000;
	s18 =	sor.u32 $0x20, s15  }
0x2b: {  	s14 =	smul.u32 $0x8100, s14;
	v3 =	vld [tilespmem:s18+$0x10]  }
0x2c: {  	s30 =	sand.u32 $0x1, s11;
	v2 =	vld [tilespmem:s18+$0xFFFFFFF0]  }
0x2d: {  	s15 =	smul.u32 $0x8100, s30;
	s14 =	sshrl.u32 s14, $0x2;
	v0 =	vld [tilespmem:s18+$0x0]  }
0x2e: {  	v1 =	vld [tilespmem:s18+$0xFFFFFFE0];
	s16 =	sor.u32 $0x4000, s14  }
0x2f: {  	s31 =	sshrl.u32 s15, $0x2;
	s15 =	sadd.s32 $0x0, s16  }
0x30: {  	s17 =	simm.s32 $0x4;
	s18 =	sadd.s32 $0x40, s18;
	s14 =	sor.u32 $0x4000, s31;
	[tilespmem:s15+$0x1830 ss:$0x81] =	vst.msk $0xffff, v3  }
.LBB1_3:
0x31: {  	v3 =	vld [tilespmem:s18+$0x10];
	p1 =	sne.s32 s17, $0x1FC;
	[tilespmem:s15+$0x810 ss:$0x81] =	vst.msk $0xffff, v2;
	s19 =	smov.u32 s17;
	s17 =	sadd.s32 $0x4, s17  }
.Ltmp3:
0x32: {  	v2 =	vld [tilespmem:s18+$0xFFFFFFF0];
	[tilespmem:s15+$0x1020 ss:$0x81] =	vst.msk $0xffff, v0;
	(pc) =	sbr.rel @p1 .LBB1_3-.Ltmp3, $4  }
0x33: {  	v0 =	vld [tilespmem:s18+$0x0];
	[tilespmem:s15+$0x0 ss:$0x81] =	vst.msk $0xffff, v1  }
0x34: {  	s15 =	sshra.s32 s19, $0x2;
	v1 =	vld [tilespmem:s18+$0xFFFFFFE0]  }
0x35: {  	s15 =	sadd.s32 s15, s16  }
0x36: {  	s18 =	sadd.s32 $0x40, s18;
	[tilespmem:s15+$0x1830 ss:$0x81] =	vst.msk $0xffff, v3  }
.Ltmp4:
0x37: {  	_ = 	snop;
	(pc) =	sbr.rel .LBB1_4-.Ltmp4, $1  }
0x38: {  	_ =	sdelay $0x3  }
.LBB1_6:
0x39: {  	_ =	sfence.sel $0x180000  }
0x3a: {  	s2 =	simm.s32 $0x1;
	[bflag:$0x0] =	sbarrier.arrive $0xFFFF  }
0x3b: {  	s31 =	simm.s32 $0x2;
	[sflag:s2] =	ssyncpa.u1 $0x1  }
0x3c: {  	[sflag:s31] =	ssyncpa.u1 $0x1  }
0x3d: {  	p0 =	sne.s32 s0, $0x0;
	_ =	strace $0x9000004D  }
0x3e: {  	s0 =	sadd.s32 @!p0 $0x100000, s1;
	[bflag:$0x2] =	sbarrier.arrive $0xFFFF  }
0x3f: {  	[sflag:s0] =	ssyncadd.tile.s32 @!p0 $0x1;
	_ =	shalt  }
.Lfunc_end1:
_tile_overlayer_lowered:
.L_overlay_start_2:
0x40: {  	(tag) =	ssettag $0x2  }
0x41: {  	s0 =	rddreg [dreg:$0x0];
	s2 =	stileid.u32  }
0x42: {  	s1 =	rddreg [dreg:$0x1];
	p0 =	sne.s32 s2, $0x0  }
0x43: {  	s3 =	rddreg [dreg:$0x2];
	[bflag:$0x3] =	sbarrier.arrive $0xFFFF;
	s2 =	simm.s32 @!p0 $0x1C01  }
0x44: {  	[timem:s3], [sflag:s2] =	dma.local @!p0 [hbm:s0], s1  }
0x45: {  	s0 =	simm.s32 @!p0 $0x1  }
0x46: {  	_ =	swait.ge @!p0 [sflag:s0], s1  }
0x47: {  	s1 =	ssub.s32 @!p0 $0x0, s1;
	[sflag:s0] =	ssyncset.done @!p0 $0x0  }
0x48: {  	[sflag:s0] =	ssyncadd.s32 @!p0 s1  }
0x49: {  	[bflag:$0x3] =	sbarrier.arrive $0xFFFF  }
0x4a: {  	_ =	shalt  }

</sc_bundles>
